<compile_context>
chip_gen: v7x
topology: tpu7x:2x2x1
jax: 0.10.2.dev20260603
libtpu: 0.0.44.dev20260713+nightly
codegen_flags: <defaults>
</compile_context>

<pallas_src>
import functools

import jax
import jax.numpy as jnp
from jax import lax
from jax.experimental import pallas as pl
from jax.experimental.pallas import tpu as pltpu
from jax.experimental.pallas import tpu_sc as plsc

N = 10000
NPAD = 10240
NCHILD = 320000
H = 128
D = 128
NC = 2
NS = 16
NW = NC * NS
BLK = 128
NBLK = NCHILD // BLK
ROWS_W = NPAD // NW
ACH = 80
ROWS_T = NPAD // NS
BLKS_PW = 80
CPW = BLKS_PW * BLK
NBLK_PAD = NW * BLKS_PW
NCHILD_PAD = NBLK_PAD * BLK

@functools.lru_cache(maxsize=None)
def _mesh():
    return plsc.VectorSubcoreMesh(core_axis_name="c", subcore_axis_name="s",
                                  num_cores=NC, num_subcores=NS)


def _zero_buf(buf):
    z = jnp.zeros((16,), jnp.float32)

    def row(r, _):
        for v in range(H // 16):
            buf[r, pl.ds(v * 16, 16)] = z
        return 0

    lax.fori_loop(0, BLK, row, 0)


def _zero_acc(acc, buf, s):
    _zero_buf(buf)
    for k in range(ROWS_T // BLK):
        pltpu.sync_copy(buf, acc.at[pl.ds(s * ROWS_T + k * BLK, BLK), :])


@functools.lru_cache(maxsize=None)
def _gather_x_kernel():
    return pl.kernel(
        _gather_x_body,
        out_type=jax.ShapeDtypeStruct((NPAD, D), jnp.float32),
        mesh=_mesh(),
        scratch_types=[
            pltpu.VMEM((ROWS_W,), jnp.int32),
            pltpu.VMEM((ROWS_W,), jnp.int32),
            pltpu.VMEM((ACH, D), jnp.float32),
            pltpu.SemaphoreType.DMA,
        ],
    )


def _gather_x_body(emb, sen, sel, x_out, sel_v, senv_v, rows_v, sem):
    c = lax.axis_index("c")
    s = lax.axis_index("s")
    w = s * NC + c
    base = w * ROWS_W
    pltpu.sync_copy(sel.at[pl.ds(base, ROWS_W)], sel_v)
    for k in range(ROWS_W // ACH):
        pltpu.async_copy(
            sen.at[sel_v.at[pl.ds(k * ACH, ACH)]],
            senv_v.at[pl.ds(k * ACH, ACH)],
            sem,
        ).wait()
    for k in range(ROWS_W // ACH):
        pltpu.async_copy(
            emb.at[senv_v.at[pl.ds(k * ACH, ACH)]], rows_v, sem
        ).wait()
        pltpu.sync_copy(rows_v, x_out.at[pl.ds(base + k * ACH, ACH), :])


@functools.lru_cache(maxsize=None)
def _expand_kernel():
    return pl.kernel(
        _expand_body,
        out_type=jax.ShapeDtypeStruct((NCHILD, H), jnp.float32),
        mesh=_mesh(),
        scratch_types=[
            pltpu.VMEM_SHARED((NPAD, H), jnp.float32),
            pltpu.VMEM((CPW,), jnp.int32),
            pltpu.VMEM((BLK, H), jnp.float32),
            pltpu.VMEM((BLK, H), jnp.float32),
            pltpu.SemaphoreType.DMA,
            pltpu.SemaphoreType.DMA,
            pltpu.SemaphoreType.DMA,
            pltpu.SemaphoreType.DMA,
        ],
    )


def _expand_body(fx_all, pid_pad, fxg_out, fx_sh, idx_v, fx0, fx1,
                 sg0, sg1, sw0, sw1):
    c = lax.axis_index("c")
    s = lax.axis_index("s")
    w = s * NC + c
    base = w * BLKS_PW
    nvalid = jnp.clip(NBLK - base, 0, BLKS_PW)
    pltpu.sync_copy(
        fx_all.at[pl.ds(s * ROWS_T, ROWS_T), :],
        fx_sh.at[pl.ds(s * ROWS_T, ROWS_T), :],
    )
    pltpu.sync_copy(pid_pad.at[pl.ds(w * CPW, CPW)], idx_v)
    plsc.subcore_barrier()
    fxb = (fx0, fx1)
    sg = (sg0, sg1)
    sw = (sw0, sw1)
    NBUF = 2
    LEAD = 1

    def gather_desc(t, b):
        return pltpu.make_async_copy(
            fx_sh.at[idx_v.at[pl.ds(t * BLK, BLK)]], fxb[b], sg[b])

    def write_desc(t, b):
        return pltpu.make_async_copy(
            fxb[b], fxg_out.at[pl.ds((base + t) * BLK, BLK), :], sw[b])

    def step(t, b):
        @pl.when(jnp.logical_and(t >= NBUF, t - NBUF < nvalid))
        def _():
            write_desc(t - NBUF, b).wait()

        @pl.when(t < nvalid)
        def _():
            gather_desc(t, b).start()

        bb = (b - LEAD) % NBUF

        @pl.when(jnp.logical_and(t >= LEAD, t - LEAD < nvalid))
        def _():
            gather_desc(t - LEAD, bb).wait()
            write_desc(t - LEAD, bb).start()

    nwave = BLKS_PW + NBUF
    nit = (nwave + NBUF - 1) // NBUF

    def body(j2, _):
        for b in range(NBUF):
            step(j2 * NBUF + b, b)
        return 0

    lax.fori_loop(0, nit, body, 0)


@functools.lru_cache(maxsize=None)
def _segsum_kernel(nblk_local, blks_pw):
    body = functools.partial(_segsum_body, nblk_local, blks_pw)
    return pl.kernel(
        body,
        out_type=jax.ShapeDtypeStruct((NC, NPAD, H), jnp.float32),
        mesh=_mesh(),
        scratch_types=[
            pltpu.VMEM_SHARED((NPAD, H), jnp.float32),
            pltpu.VMEM((blks_pw, 1, BLK), jnp.int32),
            pltpu.VMEM((BLK, H), jnp.float32),
            pltpu.VMEM((BLK, H), jnp.float32),
            pltpu.SemaphoreType.DMA,
            pltpu.SemaphoreType.DMA,
            pltpu.SemaphoreType.DMA,
            pltpu.SemaphoreType.DMA,
        ],
    )


def _segsum_body(nblk_local, blks_pw, data, pid3d, out, acc, idx2d, d0, d1,
                 si0, si1, sa0, sa1):
    c = lax.axis_index("c")
    s = lax.axis_index("s")
    w = s * NC + c
    base = w * blks_pw
    nvalid = jnp.clip(nblk_local - base, 0, blks_pw)
    _zero_acc(acc, d0, s)
    pltpu.sync_copy(pid3d.at[pl.ds(base, blks_pw), :, :], idx2d)
    plsc.subcore_barrier()
    bufs = (d0, d1)
    si = (si0, si1)
    sa = (sa0, sa1)
    NBUF = 2

    def load_desc(t, b):
        return pltpu.make_async_copy(
            data.at[pl.ds((base + t) * BLK, BLK), :], bufs[b], si[b])

    def add_desc(t, b):
        return pltpu.make_async_copy(bufs[b], acc.at[idx2d.at[t, 0]], sa[b])

    def step(t, b):
        @pl.when(jnp.logical_and(t >= NBUF, t - NBUF < nvalid))
        def _():
            add_desc(t - NBUF, b).wait()

        @pl.when(t < nvalid)
        def _():
            load_desc(t, b).start()

        bb = (b - 1) % NBUF

        @pl.when(jnp.logical_and(t >= 1, t - 1 < nvalid))
        def _():
            load_desc(t - 1, bb).wait()
            pltpu.async_copy(bufs[bb], acc.at[idx2d.at[t - 1, 0]], sa[bb],
                             add=True)

    nwave = blks_pw + NBUF
    nit = (nwave + NBUF - 1) // NBUF

    def body(j2, _):
        for b in range(NBUF):
            step(j2 * NBUF + b, b)
        return 0

    lax.fori_loop(0, nit, body, 0)
    plsc.subcore_barrier()
    pltpu.sync_copy(
        acc.at[pl.ds(s * ROWS_T, ROWS_T), :],
        out.at[c, pl.ds(s * ROWS_T, ROWS_T), :],
    )


def _mm_t(a, w):
    return lax.dot_general(a, w, (((1,), (1,)), ((), ())),
                           preferred_element_type=jnp.float32)


def _proj_body(x_ref, w_ref, b_ref, o_ref):
    o_ref[...] = _mm_t(x_ref[...], w_ref[...]) + b_ref[...]


def _fc_body(ch_ref, fxg_ref, cc_ref, w_ref, b_ref, fc_ref):
    z = _mm_t(ch_ref[...], w_ref[...]) + b_ref[...] + fxg_ref[...]
    fc_ref[...] = cc_ref[...] * jax.nn.sigmoid(z)


def _gates_body(x_ref, hsp_ref, f0_ref, f1_ref, wix, bix,
                wih, bih, wox, box, woh, boh, wux, bux, wuh, buh, wo, bo,
                out_ref, c_ref, h_ref):
    xs = x_ref[...]
    hs = hsp_ref[0] + hsp_ref[1]
    fcs = (f0_ref[0] + f0_ref[1]) + (f1_ref[0] + f1_ref[1])
    i = jax.nn.sigmoid(_mm_t(xs, wix[...]) + bix[...]
                       + _mm_t(hs, wih[...]) + bih[...])
    o = jax.nn.sigmoid(_mm_t(xs, wox[...]) + box[...]
                       + _mm_t(hs, woh[...]) + boh[...])
    u = jnp.tanh(_mm_t(xs, wux[...]) + bux[...]
                 + _mm_t(hs, wuh[...]) + buh[...])
    cc = i * u + fcs
    hh = o * jnp.tanh(cc)
    out_ref[...] = _mm_t(hh, wo[...])
    c_ref[...] = cc
    h_ref[...] = hh


_W_SPEC = pl.BlockSpec((H, H), lambda i: (0, 0))
_B_SPEC = pl.BlockSpec((H,), lambda i: (0,))


def _proj(x, w, b):
    blk = 1280
    return pl.pallas_call(
        _proj_body,
        grid=(NPAD // blk,),
        in_specs=[pl.BlockSpec((blk, D), lambda i: (i, 0)), _W_SPEC, _B_SPEC],
        out_specs=pl.BlockSpec((blk, H), lambda i: (i, 0)),
        out_shape=jax.ShapeDtypeStruct((NPAD, H), jnp.float32),
    )(x, w, b)


NQ = 2
CQ = NCHILD // NQ
FC_BLK = 2000
QBLKS = CQ // FC_BLK
NBLK_Q = CQ // BLK
BLKS_PW_Q = 40


def _fc(ch, fxg, cc, w, b, q):
    spec = pl.BlockSpec((FC_BLK, H), lambda i: (i + q * QBLKS, 0))
    return pl.pallas_call(
        _fc_body,
        grid=(QBLKS,),
        in_specs=[spec, spec, spec, _W_SPEC, _B_SPEC],
        out_specs=pl.BlockSpec((FC_BLK, H), lambda i: (i, 0)),
        out_shape=jax.ShapeDtypeStruct((CQ, H), jnp.float32),
    )(ch, fxg, cc, w, b)


def _gates(x, hsp, fcsp_list, wix, bix, wih, bih, wox, box, woh, boh, wux,
           bux, wuh, buh, wo, bo):
    blk = 1280
    row_spec = pl.BlockSpec((blk, H), lambda i: (i, 0))
    part_spec = pl.BlockSpec((NC, blk, H), lambda i: (0, i, 0))
    w_specs = [_W_SPEC, _B_SPEC] * 6 + [_W_SPEC, _B_SPEC]
    return pl.pallas_call(
        _gates_body,
        grid=(NPAD // blk,),
        in_specs=[row_spec, part_spec] + [part_spec] * NQ + w_specs,
        out_specs=(row_spec, row_spec, row_spec),
        out_shape=(
            jax.ShapeDtypeStruct((NPAD, H), jnp.float32),
            jax.ShapeDtypeStruct((NPAD, H), jnp.float32),
            jax.ShapeDtypeStruct((NPAD, H), jnp.float32),
        ),
    )(x, hsp, *fcsp_list, wix, bix, wih, bih, wox, box, woh, boh, wux, bux,
      wuh, buh, wo, bo)


def kernel(embedding, Wix, bix, Wih, bih, Wfx, bfx, Wfh, bfh,
           Wox, box, Woh, boh, Wux, bux, Wuh, buh, Wout, bout,
           child_h, child_c, sen, select_indices, parent_ids):
    sen32 = sen.astype(jnp.int32)
    sel32 = jnp.pad(select_indices.astype(jnp.int32), (0, NPAD - N))
    pid32 = parent_ids.astype(jnp.int32)
    wo_pad = jnp.pad(Wout, ((0, H - Wout.shape[0]), (0, 0)))

    pid_pad = jnp.pad(pid32, (0, NCHILD_PAD - NCHILD))
    pid3d = pid_pad.reshape(NBLK_PAD, 1, BLK)

    hs_parts = _segsum_kernel(NBLK, BLKS_PW)(child_h, pid3d)
    x = _gather_x_kernel()(embedding, sen32, sel32)
    fx_all = _proj(x, Wfx, bfx)
    fxg = _expand_kernel()(fx_all, pid_pad)
    pid3d_big = jnp.pad(pid3d, ((0, NQ * BLKS_PW_Q * 32 - NBLK_PAD), (0, 0),
                                (0, 0)))
    fcs_list = []
    for q in range(NQ):
        fc_q = _fc(child_h, fxg, child_c, Wfh, bfh, q)
        pid3d_q = lax.dynamic_slice_in_dim(pid3d_big, q * NBLK_Q,
                                           BLKS_PW_Q * 32, axis=0)
        fcs_list.append(_segsum_kernel(NBLK_Q, BLKS_PW_Q)(fc_q, pid3d_q))
    out_full, c, h = _gates(x, hs_parts, fcs_list, Wix, bix, Wih, bih,
                            Wox, box, Woh, boh, Wux, bux, Wuh, buh,
                            wo_pad, bout)
    out = out_full[:N, : bout.shape[0]] + bout
    return out, c[:N], h[:N]

# --- scband reference (transcript-rebuilt; emitter-appended) ---
"""Pipeline reference for scband-batch-child-sum-tree-lstm-44925357916241 (READ-ONLY COPY).

The authoritative reference and input builder live on the scoring server;
editing this copy changes nothing except your own understanding.
"""

import jax, jax.numpy as jnp
import numpy as np

N_NODES = 10000
N_CHILD = 320000
VOCAB = 50000
D = 128
H = 128
OUT = 4


def _lin(k, o, i):
    kw, kb = jax.random.split(k)
    W = jax.random.normal(kw, (o, i), dtype=jnp.float32) * 0.05
    b = jax.random.normal(kb, (o,), dtype=jnp.float32) * 0.05
    return W, b


def setup_inputs(seed: int = 0) -> dict:
    key = jax.random.key(seed)
    ks = jax.random.split(key, 16)
    sen = jax.random.randint(ks[0], (N_NODES,), 0, VOCAB, dtype=jnp.int64)
    select_indices = jax.random.randint(ks[1], (N_NODES,), 0, N_NODES, dtype=jnp.int64)
    parent_ids = jnp.sort(jax.random.randint(ks[2], (N_CHILD,), 0, N_NODES, dtype=jnp.int64))
    child_h = jax.random.normal(ks[3], (N_CHILD, H), dtype=jnp.float32)
    child_c = jax.random.normal(ks[4], (N_CHILD, H), dtype=jnp.float32)
    embedding = jax.random.normal(ks[5], (VOCAB, D), dtype=jnp.float32) * 0.1
    Wix, bix = _lin(ks[6], H, D)
    Wih, bih = _lin(ks[7], H, H)
    Wfx, bfx = _lin(ks[8], H, D)
    Wfh, bfh = _lin(ks[9], H, H)
    Wox, box = _lin(ks[10], H, D)
    Woh, boh = _lin(ks[11], H, H)
    Wux, bux = _lin(ks[12], H, D)
    Wuh, buh = _lin(ks[13], H, H)
    Wout, bout = _lin(ks[14], OUT, H)
    return {
        'embedding': embedding,
        'Wix': Wix, 'bix': bix, 'Wih': Wih, 'bih': bih,
        'Wfx': Wfx, 'bfx': bfx, 'Wfh': Wfh, 'bfh': bfh,
        'Wox': Wox, 'box': box, 'Woh': Woh, 'boh': boh,
        'Wux': Wux, 'bux': bux, 'Wuh': Wuh, 'buh': buh,
        'Wout': Wout, 'bout': bout,
        'child_h': child_h, 'child_c': child_c,
        'sen': sen, 'select_indices': select_indices, 'parent_ids': parent_ids,
    }


def reference(embedding, Wix, bix, Wih, bih, Wfx, bfx, Wfh, bfh,
              Wox, box, Woh, boh, Wux, bux, Wuh, buh, Wout, bout,
              child_h, child_c, sen, select_indices, parent_ids):
    # one batched level of the ChildSum TreeLSTM (the per-level body of forward)
    embed = jnp.take(embedding, sen, axis=0)                # self.embedding(sen)
    x = jnp.take(embed, select_indices, axis=0)             # embed[select_indices], [N, D]
    n = x.shape[0]
    # forget gate per child: f = sigmoid(fx(x[parent]) + fh(child_h))
    fh = child_h @ Wfh.T + bfh                              # self.fh(child_h)
    fx_all = x @ Wfx.T + bfx                                # self.fx(embed_input)
    fx_g = jnp.take(fx_all, parent_ids, axis=0)             # embed_input[fx_offset]
    f = jax.nn.sigmoid(fx_g + fh)
    fc = f * child_c                                        # torch.mul(f, child_fc)
    # child-sum aggregations (index_copy into [nlen, max_childs, H] + sum over children)
    child_fc_sum = jax.ops.segment_sum(fc, parent_ids, num_segments=n)
    child_h_sum = jax.ops.segment_sum(child_h, parent_ids, num_segments=n)
    # batch_forward gates
    i = jax.nn.sigmoid(x @ Wix.T + bix + child_h_sum @ Wih.T + bih)
    o = jax.nn.sigmoid(x @ Wox.T + box + child_h_sum @ Woh.T + boh)
    u = jnp.tanh(x @ Wux.T + bux + child_h_sum @ Wuh.T + buh)
    c = i * u + child_fc_sum
    h = o * jnp.tanh(c)
    # output head (dropout is identity in eval)
    out = h @ Wout.T + bout
    return out, c, h

if __name__ == "__main__":
    import jax
    _d = setup_inputs()
    print(jax.jit(kernel)(*tuple(_d.values())))

</pallas_src>

<mosaic_0001>
#map = affine_map<(d0, d1) -> (0, 0)>
#map1 = affine_map<(d0, d1) -> (0, 0, 0)>
module attributes {stable_mosaic.version = 14 : i64} {
  func.func @_segsum_body(%arg0: i32, %arg1: i32, %arg2: memref<160000x128xf32, #tpu.memory_space<hbm>>, %arg3: memref<1280x1x128xi32, #tpu.memory_space<hbm>>, %arg4: memref<2x10240x128xf32, #tpu.memory_space<hbm>>, %arg5: memref<10240x128xf32, #tpu.memory_space<vmem_shared>>, %arg6: memref<40x1x128xi32, #tpu.memory_space<vmem>>, %arg7: memref<128x128xf32, #tpu.memory_space<vmem>>, %arg8: memref<128x128xf32, #tpu.memory_space<vmem>>, %arg9: memref<!tpu.dma_semaphore, #tpu.memory_space<semaphore_mem>>, %arg10: memref<!tpu.dma_semaphore, #tpu.memory_space<semaphore_mem>>, %arg11: memref<!tpu.dma_semaphore, #tpu.memory_space<semaphore_mem>>, %arg12: memref<!tpu.dma_semaphore, #tpu.memory_space<semaphore_mem>>) attributes {dimension_semantics = [#tpu.dimension_semantics<core_parallel>, #tpu.dimension_semantics<subcore_parallel>], iteration_bounds = array<i64: 2, 16>, scalar_prefetch = 0 : i64, scratch_operands = 8 : i64, tpu.core_type = #tpu.core_type<sc_vector_subcore>, window_params = [{transform_indices = #map}, {transform_indices = #map1}, {transform_indices = #map1}]} {
    %mul3A = arith.constant 2 : i32
    %mul3A_0 = arith.muli %arg1, %mul3A : i32
    %add3A = arith.addi %mul3A_0, %arg0 : i32
    %mul3A_1 = arith.constant 40 : i32
    %mul3A_2 = arith.muli %add3A, %mul3A_1 : i32
    %sub3A = arith.constant 1250 : i32
    %sub3A_3 = arith.subi %sub3A, %mul3A_2 : i32
    %jit3A = arith.constant 0 : i32
    %jit3A_4 = arith.constant 40 : i32
    %max3A = arith.maxsi %jit3A, %sub3A_3 : i32
    %min3A = arith.minsi %jit3A_4, %max3A : i32
    %broadcast_in_dim3A = arith.constant 0.000000e+00 : f32
    %broadcast_in_dim3A_5 = vector.broadcast %broadcast_in_dim3A : f32 to vector<16xf32>
    %scan3A = arith.constant 0 : i32
    %scan3A_6 = arith.constant 0 : i32
    %scan3A_7 = arith.constant 128 : i32
    %scan3A_8 = arith.addi %scan3A_6, %scan3A_7 : i32
    %scan3A_9 = arith.constant 1 : i32
    %scan3A_10 = scf.for %scan3A_44 = %scan3A_6 to %scan3A_8 step %scan3A_9 iter_args(%scan3A_45 = %scan3A) -> (i32)  : i32 {
      %swap3A = arith.index_cast %scan3A_44 : i32 to index
      %swap3A_46 = arith.constant 0 : index
      %swap3A_47 = tpu.vector_load %arg7[%swap3A, %swap3A_46] {strides = array<i32>} : memref<128x128xf32, #tpu.memory_space<vmem>>, vector<1x16xf32>,
      %swap3A_48 = vector.shape_cast %swap3A_47 : vector<1x16xf32> to vector<16xf32>
      %swap3A_49 = vector.shape_cast %broadcast_in_dim3A_5 : vector<16xf32> to vector<1x16xf32>
      tpu.vector_store %arg7[%swap3A, %swap3A_46], %swap3A_49 {strides = array<i32>} : memref<128x128xf32, #tpu.memory_space<vmem>>, vector<1x16xf32>,
      %swap3A_50 = arith.index_cast %scan3A_44 : i32 to index
      %swap3A_51 = arith.constant 16 : index
      %swap3A_52 = tpu.vector_load %arg7[%swap3A_50, %swap3A_51] {strides = array<i32>} : memref<128x128xf32, #tpu.memory_space<vmem>>, vector<1x16xf32>,
      %swap3A_53 = vector.shape_cast %swap3A_52 : vector<1x16xf32> to vector<16xf32>
      %swap3A_54 = vector.shape_cast %broadcast_in_dim3A_5 : vector<16xf32> to vector<1x16xf32>
      tpu.vector_store %arg7[%swap3A_50, %swap3A_51], %swap3A_54 {strides = array<i32>} : memref<128x128xf32, #tpu.memory_space<vmem>>, vector<1x16xf32>,
      %swap3A_55 = arith.index_cast %scan3A_44 : i32 to index
      %swap3A_56 = arith.constant 32 : index
      %swap3A_57 = tpu.vector_load %arg7[%swap3A_55, %swap3A_56] {strides = array<i32>} : memref<128x128xf32, #tpu.memory_space<vmem>>, vector<1x16xf32>,
      %swap3A_58 = vector.shape_cast %swap3A_57 : vector<1x16xf32> to vector<16xf32>
      %swap3A_59 = vector.shape_cast %broadcast_in_dim3A_5 : vector<16xf32> to vector<1x16xf32>
      tpu.vector_store %arg7[%swap3A_55, %swap3A_56], %swap3A_59 {strides = array<i32>} : memref<128x128xf32, #tpu.memory_space<vmem>>, vector<1x16xf32>,
      %swap3A_60 = arith.index_cast %scan3A_44 : i32 to index
      %swap3A_61 = arith.constant 48 : index
      %swap3A_62 = tpu.vector_load %arg7[%swap3A_60, %swap3A_61] {strides = array<i32>} : memref<128x128xf32, #tpu.memory_space<vmem>>, vector<1x16xf32>,
      %swap3A_63 = vector.shape_cast %swap3A_62 : vector<1x16xf32> to vector<16xf32>
      %swap3A_64 = vector.shape_cast %broadcast_in_dim3A_5 : vector<16xf32> to vector<1x16xf32>
      tpu.vector_store %arg7[%swap3A_60, %swap3A_61], %swap3A_64 {strides = array<i32>} : memref<128x128xf32, #tpu.memory_space<vmem>>, vector<1x16xf32>,
      %swap3A_65 = arith.index_cast %scan3A_44 : i32 to index
      %swap3A_66 = arith.constant 64 : index
      %swap3A_67 = tpu.vector_load %arg7[%swap3A_65, %swap3A_66] {strides = array<i32>} : memref<128x128xf32, #tpu.memory_space<vmem>>, vector<1x16xf32>,
      %swap3A_68 = vector.shape_cast %swap3A_67 : vector<1x16xf32> to vector<16xf32>
      %swap3A_69 = vector.shape_cast %broadcast_in_dim3A_5 : vector<16xf32> to vector<1x16xf32>
      tpu.vector_store %arg7[%swap3A_65, %swap3A_66], %swap3A_69 {strides = array<i32>} : memref<128x128xf32, #tpu.memory_space<vmem>>, vector<1x16xf32>,
      %swap3A_70 = arith.index_cast %scan3A_44 : i32 to index
      %swap3A_71 = arith.constant 80 : index
      %swap3A_72 = tpu.vector_load %arg7[%swap3A_70, %swap3A_71] {strides = array<i32>} : memref<128x128xf32, #tpu.memory_space<vmem>>, vector<1x16xf32>,
      %swap3A_73 = vector.shape_cast %swap3A_72 : vector<1x16xf32> to vector<16xf32>
      %swap3A_74 = vector.shape_cast %broadcast_in_dim3A_5 : vector<16xf32> to vector<1x16xf32>
      tpu.vector_store %arg7[%swap3A_70, %swap3A_71], %swap3A_74 {strides = array<i32>} : memref<128x128xf32, #tpu.memory_space<vmem>>, vector<1x16xf32>,
      %swap3A_75 = arith.index_cast %scan3A_44 : i32 to index
      %swap3A_76 = arith.constant 96 : index
      %swap3A_77 = tpu.vector_load %arg7[%swap3A_75, %swap3A_76] {strides = array<i32>} : memref<128x128xf32, #tpu.memory_space<vmem>>, vector<1x16xf32>,
      %swap3A_78 = vector.shape_cast %swap3A_77 : vector<1x16xf32> to vector<16xf32>
      %swap3A_79 = vector.shape_cast %broadcast_in_dim3A_5 : vector<16xf32> to vector<1x16xf32>
      tpu.vector_store %arg7[%swap3A_75, %swap3A_76], %swap3A_79 {strides = array<i32>} : memref<128x128xf32, #tpu.memory_space<vmem>>, vector<1x16xf32>,
      %swap3A_80 = arith.index_cast %scan3A_44 : i32 to index
      %swap3A_81 = arith.constant 112 : index
      %swap3A_82 = tpu.vector_load %arg7[%swap3A_80, %swap3A_81] {strides = array<i32>} : memref<128x128xf32, #tpu.memory_space<vmem>>, vector<1x16xf32>,
      %swap3A_83 = vector.shape_cast %swap3A_82 : vector<1x16xf32> to vector<16xf32>
      %swap3A_84 = vector.shape_cast %broadcast_in_dim3A_5 : vector<16xf32> to vector<1x16xf32>
      tpu.vector_store %arg7[%swap3A_80, %swap3A_81], %swap3A_84 {strides = array<i32>} : memref<128x128xf32, #tpu.memory_space<vmem>>, vector<1x16xf32>,
      %scan3A_85 = arith.constant 0 : i32
      scf.yield %scan3A_85 : i32
    }
    %scan3A_11 = arith.constant 128 : i32
    %mul3A_12 = arith.constant 640 : i32
    %mul3A_13 = arith.muli %arg1, %mul3A_12 : i32
    %add3A_14 = arith.constant 0 : i32
    %add3A_15 = arith.addi %mul3A_13, %add3A_14 : i32
    "tpu.region"() ({
      %run_scoped3A = tpu.sem_alloc : memref<!tpu.dma_semaphore, #tpu.memory_space<semaphore_mem>>
      %dma_start3A = arith.constant 0 : i32
      %dma_start3A_44 = tpu.memref_slice %arg5[%add3A_15, %dma_start3A] : memref<10240x128xf32, #tpu.memory_space<vmem_shared>> -> memref<128x128xf32, #tpu.memory_space<vmem_shared>>
      %dma_start3A_45 = arith.constant 0 : i32
      %dma_start3A_46 = tpu.memref_slice %arg5[%add3A_15, %dma_start3A_45] : memref<10240x128xf32, #tpu.memory_space<vmem_shared>> -> memref<128x128xf32, #tpu.memory_space<vmem_shared>>
      tpu.enqueue_dma source(%arg7 : memref<128x128xf32, #tpu.memory_space<vmem>>) target(%dma_start3A_46 : memref<128x128xf32, #tpu.memory_space<vmem_shared>>) target_semaphore(%run_scoped3A : memref<!tpu.dma_semaphore, #tpu.memory_space<semaphore_mem>>)
      %dma_wait3A = arith.constant 0 : i32
      %dma_wait3A_47 = tpu.memref_slice %arg5[%add3A_15, %dma_wait3A] : memref<10240x128xf32, #tpu.memory_space<vmem_shared>> -> memref<128x128xf32, #tpu.memory_space<vmem_shared>>
      %dma_wait3A_48 = arith.constant 0 : i32
      %dma_wait3A_49 = tpu.memref_slice %arg5[%add3A_15, %dma_wait3A_48] : memref<10240x128xf32, #tpu.memory_space<vmem_shared>> -> memref<128x128xf32, #tpu.memory_space<vmem_shared>>
      tpu.wait_dma2 semaphore(%run_scoped3A : memref<!tpu.dma_semaphore, #tpu.memory_space<semaphore_mem>>) src(%arg7 : memref<128x128xf32, #tpu.memory_space<vmem>>) dst(%dma_wait3A_49 : memref<128x128xf32, #tpu.memory_space<vmem_shared>>)
      tpu.yield
    }) : () -> ()
    %mul3A_16 = arith.constant 640 : i32
    %mul3A_17 = arith.muli %arg1, %mul3A_16 : i32
    %add3A_18 = arith.constant 128 : i32
    %add3A_19 = arith.addi %mul3A_17, %add3A_18 : i32
    "tpu.region"() ({
      %run_scoped3A = tpu.sem_alloc : memref<!tpu.dma_semaphore, #tpu.memory_space<semaphore_mem>>
      %dma_start3A = arith.constant 0 : i32
      %dma_start3A_44 = tpu.memref_slice %arg5[%add3A_19, %dma_start3A] : memref<10240x128xf32, #tpu.memory_space<vmem_shared>> -> memref<128x128xf32, #tpu.memory_space<vmem_shared>>
      %dma_start3A_45 = arith.constant 0 : i32
      %dma_start3A_46 = tpu.memref_slice %arg5[%add3A_19, %dma_start3A_45] : memref<10240x128xf32, #tpu.memory_space<vmem_shared>> -> memref<128x128xf32, #tpu.memory_space<vmem_shared>>
      tpu.enqueue_dma source(%arg7 : memref<128x128xf32, #tpu.memory_space<vmem>>) target(%dma_start3A_46 : memref<128x128xf32, #tpu.memory_space<vmem_shared>>) target_semaphore(%run_scoped3A : memref<!tpu.dma_semaphore, #tpu.memory_space<semaphore_mem>>)
      %dma_wait3A = arith.constant 0 : i32
      %dma_wait3A_47 = tpu.memref_slice %arg5[%add3A_19, %dma_wait3A] : memref<10240x128xf32, #tpu.memory_space<vmem_shared>> -> memref<128x128xf32, #tpu.memory_space<vmem_shared>>
      %dma_wait3A_48 = arith.constant 0 : i32
      %dma_wait3A_49 = tpu.memref_slice %arg5[%add3A_19, %dma_wait3A_48] : memref<10240x128xf32, #tpu.memory_space<vmem_shared>> -> memref<128x128xf32, #tpu.memory_space<vmem_shared>>
      tpu.wait_dma2 semaphore(%run_scoped3A : memref<!tpu.dma_semaphore, #tpu.memory_space<semaphore_mem>>) src(%arg7 : memref<128x128xf32, #tpu.memory_space<vmem>>) dst(%dma_wait3A_49 : memref<128x128xf32, #tpu.memory_space<vmem_shared>>)
      tpu.yield
    }) : () -> ()
    %mul3A_20 = arith.constant 640 : i32
    %mul3A_21 = arith.muli %arg1, %mul3A_20 : i32
    %add3A_22 = arith.constant 256 : i32
    %add3A_23 = arith.addi %mul3A_21, %add3A_22 : i32
    "tpu.region"() ({
      %run_scoped3A = tpu.sem_alloc : memref<!tpu.dma_semaphore, #tpu.memory_space<semaphore_mem>>
      %dma_start3A = arith.constant 0 : i32
      %dma_start3A_44 = tpu.memref_slice %arg5[%add3A_23, %dma_start3A] : memref<10240x128xf32, #tpu.memory_space<vmem_shared>> -> memref<128x128xf32, #tpu.memory_space<vmem_shared>>
      %dma_start3A_45 = arith.constant 0 : i32
      %dma_start3A_46 = tpu.memref_slice %arg5[%add3A_23, %dma_start3A_45] : memref<10240x128xf32, #tpu.memory_space<vmem_shared>> -> memref<128x128xf32, #tpu.memory_space<vmem_shared>>
      tpu.enqueue_dma source(%arg7 : memref<128x128xf32, #tpu.memory_space<vmem>>) target(%dma_start3A_46 : memref<128x128xf32, #tpu.memory_space<vmem_shared>>) target_semaphore(%run_scoped3A : memref<!tpu.dma_semaphore, #tpu.memory_space<semaphore_mem>>)
      %dma_wait3A = arith.constant 0 : i32
      %dma_wait3A_47 = tpu.memref_slice %arg5[%add3A_23, %dma_wait3A] : memref<10240x128xf32, #tpu.memory_space<vmem_shared>> -> memref<128x128xf32, #tpu.memory_space<vmem_shared>>
      %dma_wait3A_48 = arith.constant 0 : i32
      %dma_wait3A_49 = tpu.memref_slice %arg5[%add3A_23, %dma_wait3A_48] : memref<10240x128xf32, #tpu.memory_space<vmem_shared>> -> memref<128x128xf32, #tpu.memory_space<vmem_shared>>
      tpu.wait_dma2 semaphore(%run_scoped3A : memref<!tpu.dma_semaphore, #tpu.memory_space<semaphore_mem>>) src(%arg7 : memref<128x128xf32, #tpu.memory_space<vmem>>) dst(%dma_wait3A_49 : memref<128x128xf32, #tpu.memory_space<vmem_shared>>)
      tpu.yield
    }) : () -> ()
    %mul3A_24 = arith.constant 640 : i32
    %mul3A_25 = arith.muli %arg1, %mul3A_24 : i32
    %add3A_26 = arith.constant 384 : i32
    %add3A_27 = arith.addi %mul3A_25, %add3A_26 : i32
    "tpu.region"() ({
      %run_scoped3A = tpu.sem_alloc : memref<!tpu.dma_semaphore, #tpu.memory_space<semaphore_mem>>
      %dma_start3A = arith.constant 0 : i32
      %dma_start3A_44 = tpu.memref_slice %arg5[%add3A_27, %dma_start3A] : memref<10240x128xf32, #tpu.memory_space<vmem_shared>> -> memref<128x128xf32, #tpu.memory_space<vmem_shared>>
      %dma_start3A_45 = arith.constant 0 : i32
      %dma_start3A_46 = tpu.memref_slice %arg5[%add3A_27, %dma_start3A_45] : memref<10240x128xf32, #tpu.memory_space<vmem_shared>> -> memref<128x128xf32, #tpu.memory_space<vmem_shared>>
      tpu.enqueue_dma source(%arg7 : memref<128x128xf32, #tpu.memory_space<vmem>>) target(%dma_start3A_46 : memref<128x128xf32, #tpu.memory_space<vmem_shared>>) target_semaphore(%run_scoped3A : memref<!tpu.dma_semaphore, #tpu.memory_space<semaphore_mem>>)
      %dma_wait3A = arith.constant 0 : i32
      %dma_wait3A_47 = tpu.memref_slice %arg5[%add3A_27, %dma_wait3A] : memref<10240x128xf32, #tpu.memory_space<vmem_shared>> -> memref<128x128xf32, #tpu.memory_space<vmem_shared>>
      %dma_wait3A_48 = arith.constant 0 : i32
      %dma_wait3A_49 = tpu.memref_slice %arg5[%add3A_27, %dma_wait3A_48] : memref<10240x128xf32, #tpu.memory_space<vmem_shared>> -> memref<128x128xf32, #tpu.memory_space<vmem_shared>>
      tpu.wait_dma2 semaphore(%run_scoped3A : memref<!tpu.dma_semaphore, #tpu.memory_space<semaphore_mem>>) src(%arg7 : memref<128x128xf32, #tpu.memory_space<vmem>>) dst(%dma_wait3A_49 : memref<128x128xf32, #tpu.memory_space<vmem_shared>>)
      tpu.yield
    }) : () -> ()
    %mul3A_28 = arith.constant 640 : i32
    %mul3A_29 = arith.muli %arg1, %mul3A_28 : i32
    %add3A_30 = arith.constant 512 : i32
    %add3A_31 = arith.addi %mul3A_29, %add3A_30 : i32
    "tpu.region"() ({
      %run_scoped3A = tpu.sem_alloc : memref<!tpu.dma_semaphore, #tpu.memory_space<semaphore_mem>>
      %dma_start3A = arith.constant 0 : i32
      %dma_start3A_44 = tpu.memref_slice %arg5[%add3A_31, %dma_start3A] : memref<10240x128xf32, #tpu.memory_space<vmem_shared>> -> memref<128x128xf32, #tpu.memory_space<vmem_shared>>
      %dma_start3A_45 = arith.constant 0 : i32
      %dma_start3A_46 = tpu.memref_slice %arg5[%add3A_31, %dma_start3A_45] : memref<10240x128xf32, #tpu.memory_space<vmem_shared>> -> memref<128x128xf32, #tpu.memory_space<vmem_shared>>
      tpu.enqueue_dma source(%arg7 : memref<128x128xf32, #tpu.memory_space<vmem>>) target(%dma_start3A_46 : memref<128x128xf32, #tpu.memory_space<vmem_shared>>) target_semaphore(%run_scoped3A : memref<!tpu.dma_semaphore, #tpu.memory_space<semaphore_mem>>)
      %dma_wait3A = arith.constant 0 : i32
      %dma_wait3A_47 = tpu.memref_slice %arg5[%add3A_31, %dma_wait3A] : memref<10240x128xf32, #tpu.memory_space<vmem_shared>> -> memref<128x128xf32, #tpu.memory_space<vmem_shared>>
      %dma_wait3A_48 = arith.constant 0 : i32
      %dma_wait3A_49 = tpu.memref_slice %arg5[%add3A_31, %dma_wait3A_48] : memref<10240x128xf32, #tpu.memory_space<vmem_shared>> -> memref<128x128xf32, #tpu.memory_space<vmem_shared>>
      tpu.wait_dma2 semaphore(%run_scoped3A : memref<!tpu.dma_semaphore, #tpu.memory_space<semaphore_mem>>) src(%arg7 : memref<128x128xf32, #tpu.memory_space<vmem>>) dst(%dma_wait3A_49 : memref<128x128xf32, #tpu.memory_space<vmem_shared>>)
      tpu.yield
    }) : () -> ()
    "tpu.region"() ({
      %run_scoped3A = tpu.sem_alloc : memref<!tpu.dma_semaphore, #tpu.memory_space<semaphore_mem>>
      %dma_start3A = arith.constant 0 : i32
      %dma_start3A_44 = arith.constant 0 : i32
      %dma_start3A_45 = tpu.memref_slice %arg3[%mul3A_2, %dma_start3A, %dma_start3A_44] : memref<1280x1x128xi32, #tpu.memory_space<hbm>> -> memref<40x1x128xi32, #tpu.memory_space<hbm>>
      %dma_start3A_46 = arith.constant 0 : i32
      %dma_start3A_47 = arith.constant 0 : i32
      %dma_start3A_48 = tpu.memref_slice %arg3[%mul3A_2, %dma_start3A_46, %dma_start3A_47] : memref<1280x1x128xi32, #tpu.memory_space<hbm>> -> memref<40x1x128xi32, #tpu.memory_space<hbm>>
      tpu.enqueue_dma source(%dma_start3A_48 : memref<40x1x128xi32, #tpu.memory_space<hbm>>) target(%arg6 : memref<40x1x128xi32, #tpu.memory_space<vmem>>) target_semaphore(%run_scoped3A : memref<!tpu.dma_semaphore, #tpu.memory_space<semaphore_mem>>)
      %dma_wait3A = arith.constant 0 : i32
      %dma_wait3A_49 = arith.constant 0 : i32
      %dma_wait3A_50 = tpu.memref_slice %arg3[%mul3A_2, %dma_wait3A, %dma_wait3A_49] : memref<1280x1x128xi32, #tpu.memory_space<hbm>> -> memref<40x1x128xi32, #tpu.memory_space<hbm>>
      %dma_wait3A_51 = arith.constant 0 : i32
      %dma_wait3A_52 = arith.constant 0 : i32
      %dma_wait3A_53 = tpu.memref_slice %arg3[%mul3A_2, %dma_wait3A_51, %dma_wait3A_52] : memref<1280x1x128xi32, #tpu.memory_space<hbm>> -> memref<40x1x128xi32, #tpu.memory_space<hbm>>
      tpu.wait_dma2 semaphore(%run_scoped3A : memref<!tpu.dma_semaphore, #tpu.memory_space<semaphore_mem>>) src(%dma_wait3A_53 : memref<40x1x128xi32, #tpu.memory_space<hbm>>) dst(%arg6 : memref<40x1x128xi32, #tpu.memory_space<vmem>>)
      tpu.yield
    }) : () -> ()
    %barrier3A = arith.constant 0 : index
    tpu.barrier barrier_id(%barrier3A)
    %scan3A_32 = arith.constant 0 : i32
    %scan3A_33 = arith.constant 0 : i32
    %scan3A_34 = arith.constant 21 : i32
    %scan3A_35 = arith.addi %scan3A_33, %scan3A_34 : i32
    %scan3A_36 = arith.constant 1 : i32
    %scan3A_37 = scf.for %scan3A_44 = %scan3A_33 to %scan3A_35 step %scan3A_36 iter_args(%scan3A_45 = %scan3A_32) -> (i32)  : i32 {
      %mul3A_46 = arith.constant 2 : i32
      %mul3A_47 = arith.muli %scan3A_44, %mul3A_46 : i32
      %add3A_48 = arith.constant 0 : i32
      %add3A_49 = arith.addi %mul3A_47, %add3A_48 : i32
      %ge3A = arith.constant 2 : i32
      %ge3A_50 = arith.cmpi sge, %add3A_49, %ge3A : i32
      %sub3A_51 = arith.constant 2 : i32
      %sub3A_52 = arith.subi %add3A_49, %sub3A_51 : i32
      %lt3A = arith.cmpi slt, %sub3A_52, %min3A : i32
      %and3A = arith.andi %ge3A_50, %lt3A : i1
      %convert_element_type3A = arith.extui %and3A : i1 to i32
      %cond3A = arith.constant 0 : i32
      %cond3A_53 = arith.cmpi ne, %convert_element_type3A, %cond3A : i32
      scf.if %cond3A_53 {
        %sub3A_94 = arith.constant 2 : i32
        %sub3A_95 = arith.subi %add3A_49, %sub3A_94 : i32
        %dma_wait3A = arith.constant 0 : i32
        %dma_wait3A_96 = arith.constant 0 : i32
        %dma_wait3A_97 = tpu.memref_slice %arg6[%sub3A_95, %dma_wait3A, %dma_wait3A_96] : memref<40x1x128xi32, #tpu.memory_space<vmem>> -> memref<1x1x128xi32, #tpu.memory_space<vmem>>
        %dma_wait3A_98 = tpu.memref_squeeze %dma_wait3A_97 : memref<1x1x128xi32, #tpu.memory_space<vmem>> -> memref<128xi32, #tpu.memory_space<vmem>>
        %dma_wait3A_99 = arith.constant 0 : i32
        %dma_wait3A_100 = arith.constant 0 : i32
        %dma_wait3A_101 = tpu.memref_slice %arg5[%dma_wait3A_99, %dma_wait3A_100] : memref<10240x128xf32, #tpu.memory_space<vmem_shared>> -> memref<10240x128xf32, #tpu.memory_space<vmem_shared>>
        tpu.wait_indirect_dma semaphore(%arg11 : memref<!tpu.dma_semaphore, #tpu.memory_space<semaphore_mem>>) src(%arg7 : memref<128x128xf32, #tpu.memory_space<vmem>>) dst(%dma_wait3A_101 : memref<10240x128xf32, #tpu.memory_space<vmem_shared>>)
      } else {
      }
      %lt3A_54 = arith.cmpi slt, %add3A_49, %min3A : i32
      %convert_element_type3A_55 = arith.extui %lt3A_54 : i1 to i32
      %cond3A_56 = arith.constant 0 : i32
      %cond3A_57 = arith.cmpi ne, %convert_element_type3A_55, %cond3A_56 : i32
      scf.if %cond3A_57 {
        %add3A_94 = arith.addi %mul3A_2, %add3A_49 : i32
        %mul3A_95 = arith.constant 128 : i32
        %mul3A_96 = arith.muli %add3A_94, %mul3A_95 : i32
        %dma_start3A = arith.constant 0 : i32
        %dma_start3A_97 = tpu.memref_slice %arg2[%mul3A_96, %dma_start3A] : memref<160000x128xf32, #tpu.memory_space<hbm>> -> memref<128x128xf32, #tpu.memory_space<hbm>>
        %dma_start3A_98 = arith.constant 0 : i32
        %dma_start3A_99 = tpu.memref_slice %arg2[%mul3A_96, %dma_start3A_98] : memref<160000x128xf32, #tpu.memory_space<hbm>> -> memref<128x128xf32, #tpu.memory_space<hbm>>
        tpu.enqueue_dma source(%dma_start3A_99 : memref<128x128xf32, #tpu.memory_space<hbm>>) target(%arg7 : memref<128x128xf32, #tpu.memory_space<vmem>>) target_semaphore(%arg9 : memref<!tpu.dma_semaphore, #tpu.memory_space<semaphore_mem>>)
      } else {
      }
      %ge3A_58 = arith.constant 1 : i32
      %ge3A_59 = arith.cmpi sge, %add3A_49, %ge3A_58 : i32
      %sub3A_60 = arith.constant 1 : i32
      %sub3A_61 = arith.subi %add3A_49, %sub3A_60 : i32
      %lt3A_62 = arith.cmpi slt, %sub3A_61, %min3A : i32
      %and3A_63 = arith.andi %ge3A_59, %lt3A_62 : i1
      %convert_element_type3A_64 = arith.extui %and3A_63 : i1 to i32
      %cond3A_65 = arith.constant 0 : i32
      %cond3A_66 = arith.cmpi ne, %convert_element_type3A_64, %cond3A_65 : i32
      scf.if %cond3A_66 {
        %sub3A_94 = arith.constant 1 : i32
        %sub3A_95 = arith.subi %add3A_49, %sub3A_94 : i32
        %add3A_96 = arith.addi %mul3A_2, %sub3A_95 : i32
        %mul3A_97 = arith.constant 128 : i32
        %mul3A_98 = arith.muli %add3A_96, %mul3A_97 : i32
        %dma_wait3A = arith.constant 0 : i32
        %dma_wait3A_99 = tpu.memref_slice %arg2[%mul3A_98, %dma_wait3A] : memref<160000x128xf32, #tpu.memory_space<hbm>> -> memref<128x128xf32, #tpu.memory_space<hbm>>
        %dma_wait3A_100 = arith.constant 0 : i32
        %dma_wait3A_101 = tpu.memref_slice %arg2[%mul3A_98, %dma_wait3A_100] : memref<160000x128xf32, #tpu.memory_space<hbm>> -> memref<128x128xf32, #tpu.memory_space<hbm>>
        tpu.wait_dma2 semaphore(%arg10 : memref<!tpu.dma_semaphore, #tpu.memory_space<semaphore_mem>>) src(%dma_wait3A_101 : memref<128x128xf32, #tpu.memory_space<hbm>>) dst(%arg8 : memref<128x128xf32, #tpu.memory_space<vmem>>)
        %sub3A_102 = arith.constant 1 : i32
        %sub3A_103 = arith.subi %add3A_49, %sub3A_102 : i32
        %dma_start3A = arith.constant 0 : i32
        %dma_start3A_104 = arith.constant 0 : i32
        %dma_start3A_105 = tpu.memref_slice %arg6[%sub3A_103, %dma_start3A, %dma_start3A_104] : memref<40x1x128xi32, #tpu.memory_space<vmem>> -> memref<1x1x128xi32, #tpu.memory_space<vmem>>
        %dma_start3A_106 = tpu.memref_squeeze %dma_start3A_105 : memref<1x1x128xi32, #tpu.memory_space<vmem>> -> memref<128xi32, #tpu.memory_space<vmem>>
        %dma_start3A_107 = arith.constant 0 : i32
        %dma_start3A_108 = arith.constant 0 : i32
        %dma_start3A_109 = tpu.memref_slice %arg5[%dma_start3A_107, %dma_start3A_108] : memref<10240x128xf32, #tpu.memory_space<vmem_shared>> -> memref<10240x128xf32, #tpu.memory_space<vmem_shared>>
        tpu.enqueue_indirect_dma source(%arg8 : memref<128x128xf32, #tpu.memory_space<vmem>>) target(%dma_start3A_109 : memref<10240x128xf32, #tpu.memory_space<vmem_shared>>) offsets(%dma_start3A_106 : memref<128xi32, #tpu.memory_space<vmem>>) semaphore(%arg12 : memref<!tpu.dma_semaphore, #tpu.memory_space<semaphore_mem>>) {add = true}
      } else {
      }
      %mul3A_67 = arith.constant 2 : i32
      %mul3A_68 = arith.muli %scan3A_44, %mul3A_67 : i32
      %add3A_69 = arith.constant 1 : i32
      %add3A_70 = arith.addi %mul3A_68, %add3A_69 : i32
      %ge3A_71 = arith.constant 2 : i32
      %ge3A_72 = arith.cmpi sge, %add3A_70, %ge3A_71 : i32
      %sub3A_73 = arith.constant 2 : i32
      %sub3A_74 = arith.subi %add3A_70, %sub3A_73 : i32
      %lt3A_75 = arith.cmpi slt, %sub3A_74, %min3A : i32
      %and3A_76 = arith.andi %ge3A_72, %lt3A_75 : i1
      %convert_element_type3A_77 = arith.extui %and3A_76 : i1 to i32
      %cond3A_78 = arith.constant 0 : i32
      %cond3A_79 = arith.cmpi ne, %convert_element_type3A_77, %cond3A_78 : i32
      scf.if %cond3A_79 {
        %sub3A_94 = arith.constant 2 : i32
        %sub3A_95 = arith.subi %add3A_70, %sub3A_94 : i32
        %dma_wait3A = arith.constant 0 : i32
        %dma_wait3A_96 = arith.constant 0 : i32
        %dma_wait3A_97 = tpu.memref_slice %arg6[%sub3A_95, %dma_wait3A, %dma_wait3A_96] : memref<40x1x128xi32, #tpu.memory_space<vmem>> -> memref<1x1x128xi32, #tpu.memory_space<vmem>>
        %dma_wait3A_98 = tpu.memref_squeeze %dma_wait3A_97 : memref<1x1x128xi32, #tpu.memory_space<vmem>> -> memref<128xi32, #tpu.memory_space<vmem>>
        %dma_wait3A_99 = arith.constant 0 : i32
        %dma_wait3A_100 = arith.constant 0 : i32
        %dma_wait3A_101 = tpu.memref_slice %arg5[%dma_wait3A_99, %dma_wait3A_100] : memref<10240x128xf32, #tpu.memory_space<vmem_shared>> -> memref<10240x128xf32, #tpu.memory_space<vmem_shared>>
        tpu.wait_indirect_dma semaphore(%arg12 : memref<!tpu.dma_semaphore, #tpu.memory_space<semaphore_mem>>) src(%arg8 : memref<128x128xf32, #tpu.memory_space<vmem>>) dst(%dma_wait3A_101 : memref<10240x128xf32, #tpu.memory_space<vmem_shared>>)
      } else {
      }
      %lt3A_80 = arith.cmpi slt, %add3A_70, %min3A : i32
      %convert_element_type3A_81 = arith.extui %lt3A_80 : i1 to i32
      %cond3A_82 = arith.constant 0 : i32
      %cond3A_83 = arith.cmpi ne, %convert_element_type3A_81, %cond3A_82 : i32
      scf.if %cond3A_83 {
        %add3A_94 = arith.addi %mul3A_2, %add3A_70 : i32
        %mul3A_95 = arith.constant 128 : i32
        %mul3A_96 = arith.muli %add3A_94, %mul3A_95 : i32
        %dma_start3A = arith.constant 0 : i32
        %dma_start3A_97 = tpu.memref_slice %arg2[%mul3A_96, %dma_start3A] : memref<160000x128xf32, #tpu.memory_space<hbm>> -> memref<128x128xf32, #tpu.memory_space<hbm>>
        %dma_start3A_98 = arith.constant 0 : i32
        %dma_start3A_99 = tpu.memref_slice %arg2[%mul3A_96, %dma_start3A_98] : memref<160000x128xf32, #tpu.memory_space<hbm>> -> memref<128x128xf32, #tpu.memory_space<hbm>>
        tpu.enqueue_dma source(%dma_start3A_99 : memref<128x128xf32, #tpu.memory_space<hbm>>) target(%arg8 : memref<128x128xf32, #tpu.memory_space<vmem>>) target_semaphore(%arg10 : memref<!tpu.dma_semaphore, #tpu.memory_space<semaphore_mem>>)
      } else {
      }
      %ge3A_84 = arith.constant 1 : i32
      %ge3A_85 = arith.cmpi sge, %add3A_70, %ge3A_84 : i32
      %sub3A_86 = arith.constant 1 : i32
      %sub3A_87 = arith.subi %add3A_70, %sub3A_86 : i32
      %lt3A_88 = arith.cmpi slt, %sub3A_87, %min3A : i32
      %and3A_89 = arith.andi %ge3A_85, %lt3A_88 : i1
      %convert_element_type3A_90 = arith.extui %and3A_89 : i1 to i32
      %cond3A_91 = arith.constant 0 : i32
      %cond3A_92 = arith.cmpi ne, %convert_element_type3A_90, %cond3A_91 : i32
      scf.if %cond3A_92 {
        %sub3A_94 = arith.constant 1 : i32
        %sub3A_95 = arith.subi %add3A_70, %sub3A_94 : i32
        %add3A_96 = arith.addi %mul3A_2, %sub3A_95 : i32
        %mul3A_97 = arith.constant 128 : i32
        %mul3A_98 = arith.muli %add3A_96, %mul3A_97 : i32
        %dma_wait3A = arith.constant 0 : i32
        %dma_wait3A_99 = tpu.memref_slice %arg2[%mul3A_98, %dma_wait3A] : memref<160000x128xf32, #tpu.memory_space<hbm>> -> memref<128x128xf32, #tpu.memory_space<hbm>>
        %dma_wait3A_100 = arith.constant 0 : i32
        %dma_wait3A_101 = tpu.memref_slice %arg2[%mul3A_98, %dma_wait3A_100] : memref<160000x128xf32, #tpu.memory_space<hbm>> -> memref<128x128xf32, #tpu.memory_space<hbm>>
        tpu.wait_dma2 semaphore(%arg9 : memref<!tpu.dma_semaphore, #tpu.memory_space<semaphore_mem>>) src(%dma_wait3A_101 : memref<128x128xf32, #tpu.memory_space<hbm>>) dst(%arg7 : memref<128x128xf32, #tpu.memory_space<vmem>>)
        %sub3A_102 = arith.constant 1 : i32
        %sub3A_103 = arith.subi %add3A_70, %sub3A_102 : i32
        %dma_start3A = arith.constant 0 : i32
        %dma_start3A_104 = arith.constant 0 : i32
        %dma_start3A_105 = tpu.memref_slice %arg6[%sub3A_103, %dma_start3A, %dma_start3A_104] : memref<40x1x128xi32, #tpu.memory_space<vmem>> -> memref<1x1x128xi32, #tpu.memory_space<vmem>>
        %dma_start3A_106 = tpu.memref_squeeze %dma_start3A_105 : memref<1x1x128xi32, #tpu.memory_space<vmem>> -> memref<128xi32, #tpu.memory_space<vmem>>
        %dma_start3A_107 = arith.constant 0 : i32
        %dma_start3A_108 = arith.constant 0 : i32
        %dma_start3A_109 = tpu.memref_slice %arg5[%dma_start3A_107, %dma_start3A_108] : memref<10240x128xf32, #tpu.memory_space<vmem_shared>> -> memref<10240x128xf32, #tpu.memory_space<vmem_shared>>
        tpu.enqueue_indirect_dma source(%arg7 : memref<128x128xf32, #tpu.memory_space<vmem>>) target(%dma_start3A_109 : memref<10240x128xf32, #tpu.memory_space<vmem_shared>>) offsets(%dma_start3A_106 : memref<128xi32, #tpu.memory_space<vmem>>) semaphore(%arg11 : memref<!tpu.dma_semaphore, #tpu.memory_space<semaphore_mem>>) {add = true}
      } else {
      }
      %scan3A_93 = arith.constant 0 : i32
      scf.yield %scan3A_93 : i32
    }
    %scan3A_38 = arith.constant 21 : i32
    %barrier3A_39 = arith.constant 0 : index
    tpu.barrier barrier_id(%barrier3A_39)
    %mul3A_40 = arith.constant 640 : i32
    %mul3A_41 = arith.muli %arg1, %mul3A_40 : i32
    %mul3A_42 = arith.constant 640 : i32
    %mul3A_43 = arith.muli %arg1, %mul3A_42 : i32
    "tpu.region"() ({
      %run_scoped3A = tpu.sem_alloc : memref<!tpu.dma_semaphore, #tpu.memory_space<semaphore_mem>>
      %dma_start3A = arith.constant 0 : i32
      %dma_start3A_44 = tpu.memref_slice %arg4[%arg0, %mul3A_43, %dma_start3A] : memref<2x10240x128xf32, #tpu.memory_space<hbm>> -> memref<1x640x128xf32, #tpu.memory_space<hbm>>
      %dma_start3A_45 = tpu.memref_squeeze %dma_start3A_44 : memref<1x640x128xf32, #tpu.memory_space<hbm>> -> memref<640x128xf32, #tpu.memory_space<hbm>>
      %dma_start3A_46 = arith.constant 0 : i32
      %dma_start3A_47 = tpu.memref_slice %arg5[%mul3A_41, %dma_start3A_46] : memref<10240x128xf32, #tpu.memory_space<vmem_shared>> -> memref<640x128xf32, #tpu.memory_space<vmem_shared>>
      tpu.enqueue_dma source(%dma_start3A_47 : memref<640x128xf32, #tpu.memory_space<vmem_shared>>) target(%dma_start3A_45 : memref<640x128xf32, #tpu.memory_space<hbm>>) target_semaphore(%run_scoped3A : memref<!tpu.dma_semaphore, #tpu.memory_space<semaphore_mem>>)
      %dma_wait3A = arith.constant 0 : i32
      %dma_wait3A_48 = tpu.memref_slice %arg4[%arg0, %mul3A_43, %dma_wait3A] : memref<2x10240x128xf32, #tpu.memory_space<hbm>> -> memref<1x640x128xf32, #tpu.memory_space<hbm>>
      %dma_wait3A_49 = tpu.memref_squeeze %dma_wait3A_48 : memref<1x640x128xf32, #tpu.memory_space<hbm>> -> memref<640x128xf32, #tpu.memory_space<hbm>>
      %dma_wait3A_50 = arith.constant 0 : i32
      %dma_wait3A_51 = tpu.memref_slice %arg5[%mul3A_41, %dma_wait3A_50] : memref<10240x128xf32, #tpu.memory_space<vmem_shared>> -> memref<640x128xf32, #tpu.memory_space<vmem_shared>>
      tpu.wait_dma2 semaphore(%run_scoped3A : memref<!tpu.dma_semaphore, #tpu.memory_space<semaphore_mem>>) src(%dma_wait3A_51 : memref<640x128xf32, #tpu.memory_space<vmem_shared>>) dst(%dma_wait3A_49 : memref<640x128xf32, #tpu.memory_space<hbm>>)
      tpu.yield
    }) : () -> ()
    return
  }
}

#map = affine_map<(d0, d1) -> (0, 0)>
#map1 = affine_map<(d0, d1) -> (0)>
module attributes {stable_mosaic.version = 14 : i64} {
  func.func @_gather_x_body(%arg0: i32, %arg1: i32, %arg2: memref<50000x128xf32, #tpu.memory_space<hbm>>, %arg3: memref<10000xi32, #tpu.memory_space<hbm>>, %arg4: memref<10240xi32, #tpu.memory_space<hbm>>, %arg5: memref<10240x128xf32, #tpu.memory_space<hbm>>, %arg6: memref<320xi32, #tpu.memory_space<vmem>>, %arg7: memref<320xi32, #tpu.memory_space<vmem>>, %arg8: memref<80x128xf32, #tpu.memory_space<vmem>>, %arg9: memref<!tpu.dma_semaphore, #tpu.memory_space<semaphore_mem>>) attributes {dimension_semantics = [#tpu.dimension_semantics<core_parallel>, #tpu.dimension_semantics<subcore_parallel>], iteration_bounds = array<i64: 2, 16>, scalar_prefetch = 0 : i64, scratch_operands = 4 : i64, tpu.core_type = #tpu.core_type<sc_vector_subcore>, window_params = [{transform_indices = #map}, {transform_indices = #map1}, {transform_indices = #map1}, {transform_indices = #map}]} {
    %mul3A = arith.constant 2 : i32
    %mul3A_0 = arith.muli %arg1, %mul3A : i32
    %add3A = arith.addi %mul3A_0, %arg0 : i32
    %mul3A_1 = arith.constant 320 : i32
    %mul3A_2 = arith.muli %add3A, %mul3A_1 : i32
    "tpu.region"() ({
      %run_scoped3A = tpu.sem_alloc : memref<!tpu.dma_semaphore, #tpu.memory_space<semaphore_mem>>
      %dma_start3A_97 = tpu.memref_slice %arg4[%mul3A_2] : memref<10240xi32, #tpu.memory_space<hbm>> -> memref<320xi32, #tpu.memory_space<hbm>>
      %dma_start3A_98 = tpu.memref_slice %arg4[%mul3A_2] : memref<10240xi32, #tpu.memory_space<hbm>> -> memref<320xi32, #tpu.memory_space<hbm>>
      tpu.enqueue_dma source(%dma_start3A_98 : memref<320xi32, #tpu.memory_space<hbm>>) target(%arg6 : memref<320xi32, #tpu.memory_space<vmem>>) target_semaphore(%run_scoped3A : memref<!tpu.dma_semaphore, #tpu.memory_space<semaphore_mem>>)
      %dma_wait3A_99 = tpu.memref_slice %arg4[%mul3A_2] : memref<10240xi32, #tpu.memory_space<hbm>> -> memref<320xi32, #tpu.memory_space<hbm>>
      %dma_wait3A_100 = tpu.memref_slice %arg4[%mul3A_2] : memref<10240xi32, #tpu.memory_space<hbm>> -> memref<320xi32, #tpu.memory_space<hbm>>
      tpu.wait_dma2 semaphore(%run_scoped3A : memref<!tpu.dma_semaphore, #tpu.memory_space<semaphore_mem>>) src(%dma_wait3A_100 : memref<320xi32, #tpu.memory_space<hbm>>) dst(%arg6 : memref<320xi32, #tpu.memory_space<vmem>>)
      tpu.yield
    }) : () -> ()
    %dma_start3A = arith.constant 0 : i32
    %dma_start3A_3 = tpu.memref_slice %arg7[%dma_start3A] : memref<320xi32, #tpu.memory_space<vmem>> -> memref<80xi32, #tpu.memory_space<vmem>>
    %dma_start3A_4 = arith.constant 0 : i32
    %dma_start3A_5 = tpu.memref_slice %arg6[%dma_start3A_4] : memref<320xi32, #tpu.memory_space<vmem>> -> memref<80xi32, #tpu.memory_space<vmem>>
    %dma_start3A_6 = arith.constant 0 : i32
    %dma_start3A_7 = tpu.memref_slice %arg3[%dma_start3A_6] : memref<10000xi32, #tpu.memory_space<hbm>> -> memref<10000xi32, #tpu.memory_space<hbm>>
    tpu.enqueue_indirect_dma source(%dma_start3A_7 : memref<10000xi32, #tpu.memory_space<hbm>>) target(%dma_start3A_3 : memref<80xi32, #tpu.memory_space<vmem>>) offsets(%dma_start3A_5 : memref<80xi32, #tpu.memory_space<vmem>>) semaphore(%arg9 : memref<!tpu.dma_semaphore, #tpu.memory_space<semaphore_mem>>)
    %dma_wait3A = arith.constant 0 : i32
    %dma_wait3A_8 = tpu.memref_slice %arg7[%dma_wait3A] : memref<320xi32, #tpu.memory_space<vmem>> -> memref<80xi32, #tpu.memory_space<vmem>>
    %dma_wait3A_9 = arith.constant 0 : i32
    %dma_wait3A_10 = tpu.memref_slice %arg6[%dma_wait3A_9] : memref<320xi32, #tpu.memory_space<vmem>> -> memref<80xi32, #tpu.memory_space<vmem>>
    %dma_wait3A_11 = arith.constant 0 : i32
    %dma_wait3A_12 = tpu.memref_slice %arg3[%dma_wait3A_11] : memref<10000xi32, #tpu.memory_space<hbm>> -> memref<10000xi32, #tpu.memory_space<hbm>>
    tpu.wait_indirect_dma semaphore(%arg9 : memref<!tpu.dma_semaphore, #tpu.memory_space<semaphore_mem>>) src(%dma_wait3A_12 : memref<10000xi32, #tpu.memory_space<hbm>>) dst(%dma_wait3A_8 : memref<80xi32, #tpu.memory_space<vmem>>)
    %dma_start3A_13 = arith.constant 80 : i32
    %dma_start3A_14 = tpu.memref_slice %arg7[%dma_start3A_13] : memref<320xi32, #tpu.memory_space<vmem>> -> memref<80xi32, #tpu.memory_space<vmem>>
    %dma_start3A_15 = arith.constant 80 : i32
    %dma_start3A_16 = tpu.memref_slice %arg6[%dma_start3A_15] : memref<320xi32, #tpu.memory_space<vmem>> -> memref<80xi32, #tpu.memory_space<vmem>>
    %dma_start3A_17 = arith.constant 0 : i32
    %dma_start3A_18 = tpu.memref_slice %arg3[%dma_start3A_17] : memref<10000xi32, #tpu.memory_space<hbm>> -> memref<10000xi32, #tpu.memory_space<hbm>>
    tpu.enqueue_indirect_dma source(%dma_start3A_18 : memref<10000xi32, #tpu.memory_space<hbm>>) target(%dma_start3A_14 : memref<80xi32, #tpu.memory_space<vmem>>) offsets(%dma_start3A_16 : memref<80xi32, #tpu.memory_space<vmem>>) semaphore(%arg9 : memref<!tpu.dma_semaphore, #tpu.memory_space<semaphore_mem>>)
    %dma_wait3A_19 = arith.constant 80 : i32
    %dma_wait3A_20 = tpu.memref_slice %arg7[%dma_wait3A_19] : memref<320xi32, #tpu.memory_space<vmem>> -> memref<80xi32, #tpu.memory_space<vmem>>
    %dma_wait3A_21 = arith.constant 80 : i32
    %dma_wait3A_22 = tpu.memref_slice %arg6[%dma_wait3A_21] : memref<320xi32, #tpu.memory_space<vmem>> -> memref<80xi32, #tpu.memory_space<vmem>>
    %dma_wait3A_23 = arith.constant 0 : i32
    %dma_wait3A_24 = tpu.memref_slice %arg3[%dma_wait3A_23] : memref<10000xi32, #tpu.memory_space<hbm>> -> memref<10000xi32, #tpu.memory_space<hbm>>
    tpu.wait_indirect_dma semaphore(%arg9 : memref<!tpu.dma_semaphore, #tpu.memory_space<semaphore_mem>>) src(%dma_wait3A_24 : memref<10000xi32, #tpu.memory_space<hbm>>) dst(%dma_wait3A_20 : memref<80xi32, #tpu.memory_space<vmem>>)
    %dma_start3A_25 = arith.constant 160 : i32
    %dma_start3A_26 = tpu.memref_slice %arg7[%dma_start3A_25] : memref<320xi32, #tpu.memory_space<vmem>> -> memref<80xi32, #tpu.memory_space<vmem>>
    %dma_start3A_27 = arith.constant 160 : i32
    %dma_start3A_28 = tpu.memref_slice %arg6[%dma_start3A_27] : memref<320xi32, #tpu.memory_space<vmem>> -> memref<80xi32, #tpu.memory_space<vmem>>
    %dma_start3A_29 = arith.constant 0 : i32
    %dma_start3A_30 = tpu.memref_slice %arg3[%dma_start3A_29] : memref<10000xi32, #tpu.memory_space<hbm>> -> memref<10000xi32, #tpu.memory_space<hbm>>
    tpu.enqueue_indirect_dma source(%dma_start3A_30 : memref<10000xi32, #tpu.memory_space<hbm>>) target(%dma_start3A_26 : memref<80xi32, #tpu.memory_space<vmem>>) offsets(%dma_start3A_28 : memref<80xi32, #tpu.memory_space<vmem>>) semaphore(%arg9 : memref<!tpu.dma_semaphore, #tpu.memory_space<semaphore_mem>>)
    %dma_wait3A_31 = arith.constant 160 : i32
    %dma_wait3A_32 = tpu.memref_slice %arg7[%dma_wait3A_31] : memref<320xi32, #tpu.memory_space<vmem>> -> memref<80xi32, #tpu.memory_space<vmem>>
    %dma_wait3A_33 = arith.constant 160 : i32
    %dma_wait3A_34 = tpu.memref_slice %arg6[%dma_wait3A_33] : memref<320xi32, #tpu.memory_space<vmem>> -> memref<80xi32, #tpu.memory_space<vmem>>
    %dma_wait3A_35 = arith.constant 0 : i32
    %dma_wait3A_36 = tpu.memref_slice %arg3[%dma_wait3A_35] : memref<10000xi32, #tpu.memory_space<hbm>> -> memref<10000xi32, #tpu.memory_space<hbm>>
    tpu.wait_indirect_dma semaphore(%arg9 : memref<!tpu.dma_semaphore, #tpu.memory_space<semaphore_mem>>) src(%dma_wait3A_36 : memref<10000xi32, #tpu.memory_space<hbm>>) dst(%dma_wait3A_32 : memref<80xi32, #tpu.memory_space<vmem>>)
    %dma_start3A_37 = arith.constant 240 : i32
    %dma_start3A_38 = tpu.memref_slice %arg7[%dma_start3A_37] : memref<320xi32, #tpu.memory_space<vmem>> -> memref<80xi32, #tpu.memory_space<vmem>>
    %dma_start3A_39 = arith.constant 240 : i32
    %dma_start3A_40 = tpu.memref_slice %arg6[%dma_start3A_39] : memref<320xi32, #tpu.memory_space<vmem>> -> memref<80xi32, #tpu.memory_space<vmem>>
    %dma_start3A_41 = arith.constant 0 : i32
    %dma_start3A_42 = tpu.memref_slice %arg3[%dma_start3A_41] : memref<10000xi32, #tpu.memory_space<hbm>> -> memref<10000xi32, #tpu.memory_space<hbm>>
    tpu.enqueue_indirect_dma source(%dma_start3A_42 : memref<10000xi32, #tpu.memory_space<hbm>>) target(%dma_start3A_38 : memref<80xi32, #tpu.memory_space<vmem>>) offsets(%dma_start3A_40 : memref<80xi32, #tpu.memory_space<vmem>>) semaphore(%arg9 : memref<!tpu.dma_semaphore, #tpu.memory_space<semaphore_mem>>)
    %dma_wait3A_43 = arith.constant 240 : i32
    %dma_wait3A_44 = tpu.memref_slice %arg7[%dma_wait3A_43] : memref<320xi32, #tpu.memory_space<vmem>> -> memref<80xi32, #tpu.memory_space<vmem>>
    %dma_wait3A_45 = arith.constant 240 : i32
    %dma_wait3A_46 = tpu.memref_slice %arg6[%dma_wait3A_45] : memref<320xi32, #tpu.memory_space<vmem>> -> memref<80xi32, #tpu.memory_space<vmem>>
    %dma_wait3A_47 = arith.constant 0 : i32
    %dma_wait3A_48 = tpu.memref_slice %arg3[%dma_wait3A_47] : memref<10000xi32, #tpu.memory_space<hbm>> -> memref<10000xi32, #tpu.memory_space<hbm>>
    tpu.wait_indirect_dma semaphore(%arg9 : memref<!tpu.dma_semaphore, #tpu.memory_space<semaphore_mem>>) src(%dma_wait3A_48 : memref<10000xi32, #tpu.memory_space<hbm>>) dst(%dma_wait3A_44 : memref<80xi32, #tpu.memory_space<vmem>>)
    %dma_start3A_49 = arith.constant 0 : i32
    %dma_start3A_50 = tpu.memref_slice %arg7[%dma_start3A_49] : memref<320xi32, #tpu.memory_space<vmem>> -> memref<80xi32, #tpu.memory_space<vmem>>
    %dma_start3A_51 = arith.constant 0 : i32
    %dma_start3A_52 = arith.constant 0 : i32
    %dma_start3A_53 = tpu.memref_slice %arg2[%dma_start3A_51, %dma_start3A_52] : memref<50000x128xf32, #tpu.memory_space<hbm>> -> memref<50000x128xf32, #tpu.memory_space<hbm>>
    tpu.enqueue_indirect_dma source(%dma_start3A_53 : memref<50000x128xf32, #tpu.memory_space<hbm>>) target(%arg8 : memref<80x128xf32, #tpu.memory_space<vmem>>) offsets(%dma_start3A_50 : memref<80xi32, #tpu.memory_space<vmem>>) semaphore(%arg9 : memref<!tpu.dma_semaphore, #tpu.memory_space<semaphore_mem>>)
    %dma_wait3A_54 = arith.constant 0 : i32
    %dma_wait3A_55 = tpu.memref_slice %arg7[%dma_wait3A_54] : memref<320xi32, #tpu.memory_space<vmem>> -> memref<80xi32, #tpu.memory_space<vmem>>
    %dma_wait3A_56 = arith.constant 0 : i32
    %dma_wait3A_57 = arith.constant 0 : i32
    %dma_wait3A_58 = tpu.memref_slice %arg2[%dma_wait3A_56, %dma_wait3A_57] : memref<50000x128xf32, #tpu.memory_space<hbm>> -> memref<50000x128xf32, #tpu.memory_space<hbm>>
    tpu.wait_indirect_dma semaphore(%arg9 : memref<!tpu.dma_semaphore, #tpu.memory_space<semaphore_mem>>) src(%dma_wait3A_58 : memref<50000x128xf32, #tpu.memory_space<hbm>>) dst(%arg8 : memref<80x128xf32, #tpu.memory_space<vmem>>)
    %add3A_59 = arith.constant 0 : i32
    %add3A_60 = arith.addi %mul3A_2, %add3A_59 : i32
    "tpu.region"() ({
      %run_scoped3A = tpu.sem_alloc : memref<!tpu.dma_semaphore, #tpu.memory_space<semaphore_mem>>
      %dma_start3A_97 = arith.constant 0 : i32
      %dma_start3A_98 = tpu.memref_slice %arg5[%add3A_60, %dma_start3A_97] : memref<10240x128xf32, #tpu.memory_space<hbm>> -> memref<80x128xf32, #tpu.memory_space<hbm>>
      %dma_start3A_99 = arith.constant 0 : i32
      %dma_start3A_100 = tpu.memref_slice %arg5[%add3A_60, %dma_start3A_99] : memref<10240x128xf32, #tpu.memory_space<hbm>> -> memref<80x128xf32, #tpu.memory_space<hbm>>
      tpu.enqueue_dma source(%arg8 : memref<80x128xf32, #tpu.memory_space<vmem>>) target(%dma_start3A_100 : memref<80x128xf32, #tpu.memory_space<hbm>>) target_semaphore(%run_scoped3A : memref<!tpu.dma_semaphore, #tpu.memory_space<semaphore_mem>>)
      %dma_wait3A_101 = arith.constant 0 : i32
      %dma_wait3A_102 = tpu.memref_slice %arg5[%add3A_60, %dma_wait3A_101] : memref<10240x128xf32, #tpu.memory_space<hbm>> -> memref<80x128xf32, #tpu.memory_space<hbm>>
      %dma_wait3A_103 = arith.constant 0 : i32
      %dma_wait3A_104 = tpu.memref_slice %arg5[%add3A_60, %dma_wait3A_103] : memref<10240x128xf32, #tpu.memory_space<hbm>> -> memref<80x128xf32, #tpu.memory_space<hbm>>
      tpu.wait_dma2 semaphore(%run_scoped3A : memref<!tpu.dma_semaphore, #tpu.memory_space<semaphore_mem>>) src(%arg8 : memref<80x128xf32, #tpu.memory_space<vmem>>) dst(%dma_wait3A_104 : memref<80x128xf32, #tpu.memory_space<hbm>>)
      tpu.yield
    }) : () -> ()
    %dma_start3A_61 = arith.constant 80 : i32
    %dma_start3A_62 = tpu.memref_slice %arg7[%dma_start3A_61] : memref<320xi32, #tpu.memory_space<vmem>> -> memref<80xi32, #tpu.memory_space<vmem>>
    %dma_start3A_63 = arith.constant 0 : i32
    %dma_start3A_64 = arith.constant 0 : i32
    %dma_start3A_65 = tpu.memref_slice %arg2[%dma_start3A_63, %dma_start3A_64] : memref<50000x128xf32, #tpu.memory_space<hbm>> -> memref<50000x128xf32, #tpu.memory_space<hbm>>
    tpu.enqueue_indirect_dma source(%dma_start3A_65 : memref<50000x128xf32, #tpu.memory_space<hbm>>) target(%arg8 : memref<80x128xf32, #tpu.memory_space<vmem>>) offsets(%dma_start3A_62 : memref<80xi32, #tpu.memory_space<vmem>>) semaphore(%arg9 : memref<!tpu.dma_semaphore, #tpu.memory_space<semaphore_mem>>)
    %dma_wait3A_66 = arith.constant 80 : i32
    %dma_wait3A_67 = tpu.memref_slice %arg7[%dma_wait3A_66] : memref<320xi32, #tpu.memory_space<vmem>> -> memref<80xi32, #tpu.memory_space<vmem>>
    %dma_wait3A_68 = arith.constant 0 : i32
    %dma_wait3A_69 = arith.constant 0 : i32
    %dma_wait3A_70 = tpu.memref_slice %arg2[%dma_wait3A_68, %dma_wait3A_69] : memref<50000x128xf32, #tpu.memory_space<hbm>> -> memref<50000x128xf32, #tpu.memory_space<hbm>>
    tpu.wait_indirect_dma semaphore(%arg9 : memref<!tpu.dma_semaphore, #tpu.memory_space<semaphore_mem>>) src(%dma_wait3A_70 : memref<50000x128xf32, #tpu.memory_space<hbm>>) dst(%arg8 : memref<80x128xf32, #tpu.memory_space<vmem>>)
    %add3A_71 = arith.constant 80 : i32
    %add3A_72 = arith.addi %mul3A_2, %add3A_71 : i32
    "tpu.region"() ({
      %run_scoped3A = tpu.sem_alloc : memref<!tpu.dma_semaphore, #tpu.memory_space<semaphore_mem>>
      %dma_start3A_97 = arith.constant 0 : i32
      %dma_start3A_98 = tpu.memref_slice %arg5[%add3A_72, %dma_start3A_97] : memref<10240x128xf32, #tpu.memory_space<hbm>> -> memref<80x128xf32, #tpu.memory_space<hbm>>
      %dma_start3A_99 = arith.constant 0 : i32
      %dma_start3A_100 = tpu.memref_slice %arg5[%add3A_72, %dma_start3A_99] : memref<10240x128xf32, #tpu.memory_space<hbm>> -> memref<80x128xf32, #tpu.memory_space<hbm>>
      tpu.enqueue_dma source(%arg8 : memref<80x128xf32, #tpu.memory_space<vmem>>) target(%dma_start3A_100 : memref<80x128xf32, #tpu.memory_space<hbm>>) target_semaphore(%run_scoped3A : memref<!tpu.dma_semaphore, #tpu.memory_space<semaphore_mem>>)
      %dma_wait3A_101 = arith.constant 0 : i32
      %dma_wait3A_102 = tpu.memref_slice %arg5[%add3A_72, %dma_wait3A_101] : memref<10240x128xf32, #tpu.memory_space<hbm>> -> memref<80x128xf32, #tpu.memory_space<hbm>>
      %dma_wait3A_103 = arith.constant 0 : i32
      %dma_wait3A_104 = tpu.memref_slice %arg5[%add3A_72, %dma_wait3A_103] : memref<10240x128xf32, #tpu.memory_space<hbm>> -> memref<80x128xf32, #tpu.memory_space<hbm>>
      tpu.wait_dma2 semaphore(%run_scoped3A : memref<!tpu.dma_semaphore, #tpu.memory_space<semaphore_mem>>) src(%arg8 : memref<80x128xf32, #tpu.memory_space<vmem>>) dst(%dma_wait3A_104 : memref<80x128xf32, #tpu.memory_space<hbm>>)
      tpu.yield
    }) : () -> ()
    %dma_start3A_73 = arith.constant 160 : i32
    %dma_start3A_74 = tpu.memref_slice %arg7[%dma_start3A_73] : memref<320xi32, #tpu.memory_space<vmem>> -> memref<80xi32, #tpu.memory_space<vmem>>
    %dma_start3A_75 = arith.constant 0 : i32
    %dma_start3A_76 = arith.constant 0 : i32
    %dma_start3A_77 = tpu.memref_slice %arg2[%dma_start3A_75, %dma_start3A_76] : memref<50000x128xf32, #tpu.memory_space<hbm>> -> memref<50000x128xf32, #tpu.memory_space<hbm>>
    tpu.enqueue_indirect_dma source(%dma_start3A_77 : memref<50000x128xf32, #tpu.memory_space<hbm>>) target(%arg8 : memref<80x128xf32, #tpu.memory_space<vmem>>) offsets(%dma_start3A_74 : memref<80xi32, #tpu.memory_space<vmem>>) semaphore(%arg9 : memref<!tpu.dma_semaphore, #tpu.memory_space<semaphore_mem>>)
    %dma_wait3A_78 = arith.constant 160 : i32
    %dma_wait3A_79 = tpu.memref_slice %arg7[%dma_wait3A_78] : memref<320xi32, #tpu.memory_space<vmem>> -> memref<80xi32, #tpu.memory_space<vmem>>
    %dma_wait3A_80 = arith.constant 0 : i32
    %dma_wait3A_81 = arith.constant 0 : i32
    %dma_wait3A_82 = tpu.memref_slice %arg2[%dma_wait3A_80, %dma_wait3A_81] : memref<50000x128xf32, #tpu.memory_space<hbm>> -> memref<50000x128xf32, #tpu.memory_space<hbm>>
    tpu.wait_indirect_dma semaphore(%arg9 : memref<!tpu.dma_semaphore, #tpu.memory_space<semaphore_mem>>) src(%dma_wait3A_82 : memref<50000x128xf32, #tpu.memory_space<hbm>>) dst(%arg8 : memref<80x128xf32, #tpu.memory_space<vmem>>)
    %add3A_83 = arith.constant 160 : i32
    %add3A_84 = arith.addi %mul3A_2, %add3A_83 : i32
    "tpu.region"() ({
      %run_scoped3A = tpu.sem_alloc : memref<!tpu.dma_semaphore, #tpu.memory_space<semaphore_mem>>
      %dma_start3A_97 = arith.constant 0 : i32
      %dma_start3A_98 = tpu.memref_slice %arg5[%add3A_84, %dma_start3A_97] : memref<10240x128xf32, #tpu.memory_space<hbm>> -> memref<80x128xf32, #tpu.memory_space<hbm>>
      %dma_start3A_99 = arith.constant 0 : i32
      %dma_start3A_100 = tpu.memref_slice %arg5[%add3A_84, %dma_start3A_99] : memref<10240x128xf32, #tpu.memory_space<hbm>> -> memref<80x128xf32, #tpu.memory_space<hbm>>
      tpu.enqueue_dma source(%arg8 : memref<80x128xf32, #tpu.memory_space<vmem>>) target(%dma_start3A_100 : memref<80x128xf32, #tpu.memory_space<hbm>>) target_semaphore(%run_scoped3A : memref<!tpu.dma_semaphore, #tpu.memory_space<semaphore_mem>>)
      %dma_wait3A_101 = arith.constant 0 : i32
      %dma_wait3A_102 = tpu.memref_slice %arg5[%add3A_84, %dma_wait3A_101] : memref<10240x128xf32, #tpu.memory_space<hbm>> -> memref<80x128xf32, #tpu.memory_space<hbm>>
      %dma_wait3A_103 = arith.constant 0 : i32
      %dma_wait3A_104 = tpu.memref_slice %arg5[%add3A_84, %dma_wait3A_103] : memref<10240x128xf32, #tpu.memory_space<hbm>> -> memref<80x128xf32, #tpu.memory_space<hbm>>
      tpu.wait_dma2 semaphore(%run_scoped3A : memref<!tpu.dma_semaphore, #tpu.memory_space<semaphore_mem>>) src(%arg8 : memref<80x128xf32, #tpu.memory_space<vmem>>) dst(%dma_wait3A_104 : memref<80x128xf32, #tpu.memory_space<hbm>>)
      tpu.yield
    }) : () -> ()
    %dma_start3A_85 = arith.constant 240 : i32
    %dma_start3A_86 = tpu.memref_slice %arg7[%dma_start3A_85] : memref<320xi32, #tpu.memory_space<vmem>> -> memref<80xi32, #tpu.memory_space<vmem>>
    %dma_start3A_87 = arith.constant 0 : i32
    %dma_start3A_88 = arith.constant 0 : i32
    %dma_start3A_89 = tpu.memref_slice %arg2[%dma_start3A_87, %dma_start3A_88] : memref<50000x128xf32, #tpu.memory_space<hbm>> -> memref<50000x128xf32, #tpu.memory_space<hbm>>
    tpu.enqueue_indirect_dma source(%dma_start3A_89 : memref<50000x128xf32, #tpu.memory_space<hbm>>) target(%arg8 : memref<80x128xf32, #tpu.memory_space<vmem>>) offsets(%dma_start3A_86 : memref<80xi32, #tpu.memory_space<vmem>>) semaphore(%arg9 : memref<!tpu.dma_semaphore, #tpu.memory_space<semaphore_mem>>)
    %dma_wait3A_90 = arith.constant 240 : i32
    %dma_wait3A_91 = tpu.memref_slice %arg7[%dma_wait3A_90] : memref<320xi32, #tpu.memory_space<vmem>> -> memref<80xi32, #tpu.memory_space<vmem>>
    %dma_wait3A_92 = arith.constant 0 : i32
    %dma_wait3A_93 = arith.constant 0 : i32
    %dma_wait3A_94 = tpu.memref_slice %arg2[%dma_wait3A_92, %dma_wait3A_93] : memref<50000x128xf32, #tpu.memory_space<hbm>> -> memref<50000x128xf32, #tpu.memory_space<hbm>>
    tpu.wait_indirect_dma semaphore(%arg9 : memref<!tpu.dma_semaphore, #tpu.memory_space<semaphore_mem>>) src(%dma_wait3A_94 : memref<50000x128xf32, #tpu.memory_space<hbm>>) dst(%arg8 : memref<80x128xf32, #tpu.memory_space<vmem>>)
    %add3A_95 = arith.constant 240 : i32
    %add3A_96 = arith.addi %mul3A_2, %add3A_95 : i32
    "tpu.region"() ({
      %run_scoped3A = tpu.sem_alloc : memref<!tpu.dma_semaphore, #tpu.memory_space<semaphore_mem>>
      %dma_start3A_97 = arith.constant 0 : i32
      %dma_start3A_98 = tpu.memref_slice %arg5[%add3A_96, %dma_start3A_97] : memref<10240x128xf32, #tpu.memory_space<hbm>> -> memref<80x128xf32, #tpu.memory_space<hbm>>
      %dma_start3A_99 = arith.constant 0 : i32
      %dma_start3A_100 = tpu.memref_slice %arg5[%add3A_96, %dma_start3A_99] : memref<10240x128xf32, #tpu.memory_space<hbm>> -> memref<80x128xf32, #tpu.memory_space<hbm>>
      tpu.enqueue_dma source(%arg8 : memref<80x128xf32, #tpu.memory_space<vmem>>) target(%dma_start3A_100 : memref<80x128xf32, #tpu.memory_space<hbm>>) target_semaphore(%run_scoped3A : memref<!tpu.dma_semaphore, #tpu.memory_space<semaphore_mem>>)
      %dma_wait3A_101 = arith.constant 0 : i32
      %dma_wait3A_102 = tpu.memref_slice %arg5[%add3A_96, %dma_wait3A_101] : memref<10240x128xf32, #tpu.memory_space<hbm>> -> memref<80x128xf32, #tpu.memory_space<hbm>>
      %dma_wait3A_103 = arith.constant 0 : i32
      %dma_wait3A_104 = tpu.memref_slice %arg5[%add3A_96, %dma_wait3A_103] : memref<10240x128xf32, #tpu.memory_space<hbm>> -> memref<80x128xf32, #tpu.memory_space<hbm>>
      tpu.wait_dma2 semaphore(%run_scoped3A : memref<!tpu.dma_semaphore, #tpu.memory_space<semaphore_mem>>) src(%arg8 : memref<80x128xf32, #tpu.memory_space<vmem>>) dst(%dma_wait3A_104 : memref<80x128xf32, #tpu.memory_space<hbm>>)
      tpu.yield
    }) : () -> ()
    return
  }
}

#map = affine_map<(d0, d1) -> (0, 0)>
#map1 = affine_map<(d0, d1) -> (0, 0, 0)>
module attributes {stable_mosaic.version = 14 : i64} {
  func.func @_segsum_body(%arg0: i32, %arg1: i32, %arg2: memref<320000x128xf32, #tpu.memory_space<hbm>>, %arg3: memref<2560x1x128xi32, #tpu.memory_space<hbm>>, %arg4: memref<2x10240x128xf32, #tpu.memory_space<hbm>>, %arg5: memref<10240x128xf32, #tpu.memory_space<vmem_shared>>, %arg6: memref<80x1x128xi32, #tpu.memory_space<vmem>>, %arg7: memref<128x128xf32, #tpu.memory_space<vmem>>, %arg8: memref<128x128xf32, #tpu.memory_space<vmem>>, %arg9: memref<!tpu.dma_semaphore, #tpu.memory_space<semaphore_mem>>, %arg10: memref<!tpu.dma_semaphore, #tpu.memory_space<semaphore_mem>>, %arg11: memref<!tpu.dma_semaphore, #tpu.memory_space<semaphore_mem>>, %arg12: memref<!tpu.dma_semaphore, #tpu.memory_space<semaphore_mem>>) attributes {dimension_semantics = [#tpu.dimension_semantics<core_parallel>, #tpu.dimension_semantics<subcore_parallel>], iteration_bounds = array<i64: 2, 16>, scalar_prefetch = 0 : i64, scratch_operands = 8 : i64, tpu.core_type = #tpu.core_type<sc_vector_subcore>, window_params = [{transform_indices = #map}, {transform_indices = #map1}, {transform_indices = #map1}]} {
    %mul3A = arith.constant 2 : i32
    %mul3A_0 = arith.muli %arg1, %mul3A : i32
    %add3A = arith.addi %mul3A_0, %arg0 : i32
    %mul3A_1 = arith.constant 80 : i32
    %mul3A_2 = arith.muli %add3A, %mul3A_1 : i32
    %sub3A = arith.constant 2500 : i32
    %sub3A_3 = arith.subi %sub3A, %mul3A_2 : i32
    %jit3A = arith.constant 0 : i32
    %jit3A_4 = arith.constant 80 : i32
    %max3A = arith.maxsi %jit3A, %sub3A_3 : i32
    %min3A = arith.minsi %jit3A_4, %max3A : i32
    %broadcast_in_dim3A = arith.constant 0.000000e+00 : f32
    %broadcast_in_dim3A_5 = vector.broadcast %broadcast_in_dim3A : f32 to vector<16xf32>
    %scan3A = arith.constant 0 : i32
    %scan3A_6 = arith.constant 0 : i32
    %scan3A_7 = arith.constant 128 : i32
    %scan3A_8 = arith.addi %scan3A_6, %scan3A_7 : i32
    %scan3A_9 = arith.constant 1 : i32
    %scan3A_10 = scf.for %scan3A_44 = %scan3A_6 to %scan3A_8 step %scan3A_9 iter_args(%scan3A_45 = %scan3A) -> (i32)  : i32 {
      %swap3A = arith.index_cast %scan3A_44 : i32 to index
      %swap3A_46 = arith.constant 0 : index
      %swap3A_47 = tpu.vector_load %arg7[%swap3A, %swap3A_46] {strides = array<i32>} : memref<128x128xf32, #tpu.memory_space<vmem>>, vector<1x16xf32>,
      %swap3A_48 = vector.shape_cast %swap3A_47 : vector<1x16xf32> to vector<16xf32>
      %swap3A_49 = vector.shape_cast %broadcast_in_dim3A_5 : vector<16xf32> to vector<1x16xf32>
      tpu.vector_store %arg7[%swap3A, %swap3A_46], %swap3A_49 {strides = array<i32>} : memref<128x128xf32, #tpu.memory_space<vmem>>, vector<1x16xf32>,
      %swap3A_50 = arith.index_cast %scan3A_44 : i32 to index
      %swap3A_51 = arith.constant 16 : index
      %swap3A_52 = tpu.vector_load %arg7[%swap3A_50, %swap3A_51] {strides = array<i32>} : memref<128x128xf32, #tpu.memory_space<vmem>>, vector<1x16xf32>,
      %swap3A_53 = vector.shape_cast %swap3A_52 : vector<1x16xf32> to vector<16xf32>
      %swap3A_54 = vector.shape_cast %broadcast_in_dim3A_5 : vector<16xf32> to vector<1x16xf32>
      tpu.vector_store %arg7[%swap3A_50, %swap3A_51], %swap3A_54 {strides = array<i32>} : memref<128x128xf32, #tpu.memory_space<vmem>>, vector<1x16xf32>,
      %swap3A_55 = arith.index_cast %scan3A_44 : i32 to index
      %swap3A_56 = arith.constant 32 : index
      %swap3A_57 = tpu.vector_load %arg7[%swap3A_55, %swap3A_56] {strides = array<i32>} : memref<128x128xf32, #tpu.memory_space<vmem>>, vector<1x16xf32>,
      %swap3A_58 = vector.shape_cast %swap3A_57 : vector<1x16xf32> to vector<16xf32>
      %swap3A_59 = vector.shape_cast %broadcast_in_dim3A_5 : vector<16xf32> to vector<1x16xf32>
      tpu.vector_store %arg7[%swap3A_55, %swap3A_56], %swap3A_59 {strides = array<i32>} : memref<128x128xf32, #tpu.memory_space<vmem>>, vector<1x16xf32>,
      %swap3A_60 = arith.index_cast %scan3A_44 : i32 to index
      %swap3A_61 = arith.constant 48 : index
      %swap3A_62 = tpu.vector_load %arg7[%swap3A_60, %swap3A_61] {strides = array<i32>} : memref<128x128xf32, #tpu.memory_space<vmem>>, vector<1x16xf32>,
      %swap3A_63 = vector.shape_cast %swap3A_62 : vector<1x16xf32> to vector<16xf32>
      %swap3A_64 = vector.shape_cast %broadcast_in_dim3A_5 : vector<16xf32> to vector<1x16xf32>
      tpu.vector_store %arg7[%swap3A_60, %swap3A_61], %swap3A_64 {strides = array<i32>} : memref<128x128xf32, #tpu.memory_space<vmem>>, vector<1x16xf32>,
      %swap3A_65 = arith.index_cast %scan3A_44 : i32 to index
      %swap3A_66 = arith.constant 64 : index
      %swap3A_67 = tpu.vector_load %arg7[%swap3A_65, %swap3A_66] {strides = array<i32>} : memref<128x128xf32, #tpu.memory_space<vmem>>, vector<1x16xf32>,
      %swap3A_68 = vector.shape_cast %swap3A_67 : vector<1x16xf32> to vector<16xf32>
      %swap3A_69 = vector.shape_cast %broadcast_in_dim3A_5 : vector<16xf32> to vector<1x16xf32>
      tpu.vector_store %arg7[%swap3A_65, %swap3A_66], %swap3A_69 {strides = array<i32>} : memref<128x128xf32, #tpu.memory_space<vmem>>, vector<1x16xf32>,
      %swap3A_70 = arith.index_cast %scan3A_44 : i32 to index
      %swap3A_71 = arith.constant 80 : index
      %swap3A_72 = tpu.vector_load %arg7[%swap3A_70, %swap3A_71] {strides = array<i32>} : memref<128x128xf32, #tpu.memory_space<vmem>>, vector<1x16xf32>,
      %swap3A_73 = vector.shape_cast %swap3A_72 : vector<1x16xf32> to vector<16xf32>
      %swap3A_74 = vector.shape_cast %broadcast_in_dim3A_5 : vector<16xf32> to vector<1x16xf32>
      tpu.vector_store %arg7[%swap3A_70, %swap3A_71], %swap3A_74 {strides = array<i32>} : memref<128x128xf32, #tpu.memory_space<vmem>>, vector<1x16xf32>,
      %swap3A_75 = arith.index_cast %scan3A_44 : i32 to index
      %swap3A_76 = arith.constant 96 : index
      %swap3A_77 = tpu.vector_load %arg7[%swap3A_75, %swap3A_76] {strides = array<i32>} : memref<128x128xf32, #tpu.memory_space<vmem>>, vector<1x16xf32>,
      %swap3A_78 = vector.shape_cast %swap3A_77 : vector<1x16xf32> to vector<16xf32>
      %swap3A_79 = vector.shape_cast %broadcast_in_dim3A_5 : vector<16xf32> to vector<1x16xf32>
      tpu.vector_store %arg7[%swap3A_75, %swap3A_76], %swap3A_79 {strides = array<i32>} : memref<128x128xf32, #tpu.memory_space<vmem>>, vector<1x16xf32>,
      %swap3A_80 = arith.index_cast %scan3A_44 : i32 to index
      %swap3A_81 = arith.constant 112 : index
      %swap3A_82 = tpu.vector_load %arg7[%swap3A_80, %swap3A_81] {strides = array<i32>} : memref<128x128xf32, #tpu.memory_space<vmem>>, vector<1x16xf32>,
      %swap3A_83 = vector.shape_cast %swap3A_82 : vector<1x16xf32> to vector<16xf32>
      %swap3A_84 = vector.shape_cast %broadcast_in_dim3A_5 : vector<16xf32> to vector<1x16xf32>
      tpu.vector_store %arg7[%swap3A_80, %swap3A_81], %swap3A_84 {strides = array<i32>} : memref<128x128xf32, #tpu.memory_space<vmem>>, vector<1x16xf32>,
      %scan3A_85 = arith.constant 0 : i32
      scf.yield %scan3A_85 : i32
    }
    %scan3A_11 = arith.constant 128 : i32
    %mul3A_12 = arith.constant 640 : i32
    %mul3A_13 = arith.muli %arg1, %mul3A_12 : i32
    %add3A_14 = arith.constant 0 : i32
    %add3A_15 = arith.addi %mul3A_13, %add3A_14 : i32
    "tpu.region"() ({
      %run_scoped3A = tpu.sem_alloc : memref<!tpu.dma_semaphore, #tpu.memory_space<semaphore_mem>>
      %dma_start3A = arith.constant 0 : i32
      %dma_start3A_44 = tpu.memref_slice %arg5[%add3A_15, %dma_start3A] : memref<10240x128xf32, #tpu.memory_space<vmem_shared>> -> memref<128x128xf32, #tpu.memory_space<vmem_shared>>
      %dma_start3A_45 = arith.constant 0 : i32
      %dma_start3A_46 = tpu.memref_slice %arg5[%add3A_15, %dma_start3A_45] : memref<10240x128xf32, #tpu.memory_space<vmem_shared>> -> memref<128x128xf32, #tpu.memory_space<vmem_shared>>
      tpu.enqueue_dma source(%arg7 : memref<128x128xf32, #tpu.memory_space<vmem>>) target(%dma_start3A_46 : memref<128x128xf32, #tpu.memory_space<vmem_shared>>) target_semaphore(%run_scoped3A : memref<!tpu.dma_semaphore, #tpu.memory_space<semaphore_mem>>)
      %dma_wait3A = arith.constant 0 : i32
      %dma_wait3A_47 = tpu.memref_slice %arg5[%add3A_15, %dma_wait3A] : memref<10240x128xf32, #tpu.memory_space<vmem_shared>> -> memref<128x128xf32, #tpu.memory_space<vmem_shared>>
      %dma_wait3A_48 = arith.constant 0 : i32
      %dma_wait3A_49 = tpu.memref_slice %arg5[%add3A_15, %dma_wait3A_48] : memref<10240x128xf32, #tpu.memory_space<vmem_shared>> -> memref<128x128xf32, #tpu.memory_space<vmem_shared>>
      tpu.wait_dma2 semaphore(%run_scoped3A : memref<!tpu.dma_semaphore, #tpu.memory_space<semaphore_mem>>) src(%arg7 : memref<128x128xf32, #tpu.memory_space<vmem>>) dst(%dma_wait3A_49 : memref<128x128xf32, #tpu.memory_space<vmem_shared>>)
      tpu.yield
    }) : () -> ()
    %mul3A_16 = arith.constant 640 : i32
    %mul3A_17 = arith.muli %arg1, %mul3A_16 : i32
    %add3A_18 = arith.constant 128 : i32
    %add3A_19 = arith.addi %mul3A_17, %add3A_18 : i32
    "tpu.region"() ({
      %run_scoped3A = tpu.sem_alloc : memref<!tpu.dma_semaphore, #tpu.memory_space<semaphore_mem>>
      %dma_start3A = arith.constant 0 : i32
      %dma_start3A_44 = tpu.memref_slice %arg5[%add3A_19, %dma_start3A] : memref<10240x128xf32, #tpu.memory_space<vmem_shared>> -> memref<128x128xf32, #tpu.memory_space<vmem_shared>>
      %dma_start3A_45 = arith.constant 0 : i32
      %dma_start3A_46 = tpu.memref_slice %arg5[%add3A_19, %dma_start3A_45] : memref<10240x128xf32, #tpu.memory_space<vmem_shared>> -> memref<128x128xf32, #tpu.memory_space<vmem_shared>>
      tpu.enqueue_dma source(%arg7 : memref<128x128xf32, #tpu.memory_space<vmem>>) target(%dma_start3A_46 : memref<128x128xf32, #tpu.memory_space<vmem_shared>>) target_semaphore(%run_scoped3A : memref<!tpu.dma_semaphore, #tpu.memory_space<semaphore_mem>>)
      %dma_wait3A = arith.constant 0 : i32
      %dma_wait3A_47 = tpu.memref_slice %arg5[%add3A_19, %dma_wait3A] : memref<10240x128xf32, #tpu.memory_space<vmem_shared>> -> memref<128x128xf32, #tpu.memory_space<vmem_shared>>
      %dma_wait3A_48 = arith.constant 0 : i32
      %dma_wait3A_49 = tpu.memref_slice %arg5[%add3A_19, %dma_wait3A_48] : memref<10240x128xf32, #tpu.memory_space<vmem_shared>> -> memref<128x128xf32, #tpu.memory_space<vmem_shared>>
      tpu.wait_dma2 semaphore(%run_scoped3A : memref<!tpu.dma_semaphore, #tpu.memory_space<semaphore_mem>>) src(%arg7 : memref<128x128xf32, #tpu.memory_space<vmem>>) dst(%dma_wait3A_49 : memref<128x128xf32, #tpu.memory_space<vmem_shared>>)
      tpu.yield
    }) : () -> ()
    %mul3A_20 = arith.constant 640 : i32
    %mul3A_21 = arith.muli %arg1, %mul3A_20 : i32
    %add3A_22 = arith.constant 256 : i32
    %add3A_23 = arith.addi %mul3A_21, %add3A_22 : i32
    "tpu.region"() ({
      %run_scoped3A = tpu.sem_alloc : memref<!tpu.dma_semaphore, #tpu.memory_space<semaphore_mem>>
      %dma_start3A = arith.constant 0 : i32
      %dma_start3A_44 = tpu.memref_slice %arg5[%add3A_23, %dma_start3A] : memref<10240x128xf32, #tpu.memory_space<vmem_shared>> -> memref<128x128xf32, #tpu.memory_space<vmem_shared>>
      %dma_start3A_45 = arith.constant 0 : i32
      %dma_start3A_46 = tpu.memref_slice %arg5[%add3A_23, %dma_start3A_45] : memref<10240x128xf32, #tpu.memory_space<vmem_shared>> -> memref<128x128xf32, #tpu.memory_space<vmem_shared>>
      tpu.enqueue_dma source(%arg7 : memref<128x128xf32, #tpu.memory_space<vmem>>) target(%dma_start3A_46 : memref<128x128xf32, #tpu.memory_space<vmem_shared>>) target_semaphore(%run_scoped3A : memref<!tpu.dma_semaphore, #tpu.memory_space<semaphore_mem>>)
      %dma_wait3A = arith.constant 0 : i32
      %dma_wait3A_47 = tpu.memref_slice %arg5[%add3A_23, %dma_wait3A] : memref<10240x128xf32, #tpu.memory_space<vmem_shared>> -> memref<128x128xf32, #tpu.memory_space<vmem_shared>>
      %dma_wait3A_48 = arith.constant 0 : i32
      %dma_wait3A_49 = tpu.memref_slice %arg5[%add3A_23, %dma_wait3A_48] : memref<10240x128xf32, #tpu.memory_space<vmem_shared>> -> memref<128x128xf32, #tpu.memory_space<vmem_shared>>
      tpu.wait_dma2 semaphore(%run_scoped3A : memref<!tpu.dma_semaphore, #tpu.memory_space<semaphore_mem>>) src(%arg7 : memref<128x128xf32, #tpu.memory_space<vmem>>) dst(%dma_wait3A_49 : memref<128x128xf32, #tpu.memory_space<vmem_shared>>)
      tpu.yield
    }) : () -> ()
    %mul3A_24 = arith.constant 640 : i32
    %mul3A_25 = arith.muli %arg1, %mul3A_24 : i32
    %add3A_26 = arith.constant 384 : i32
    %add3A_27 = arith.addi %mul3A_25, %add3A_26 : i32
    "tpu.region"() ({
      %run_scoped3A = tpu.sem_alloc : memref<!tpu.dma_semaphore, #tpu.memory_space<semaphore_mem>>
      %dma_start3A = arith.constant 0 : i32
      %dma_start3A_44 = tpu.memref_slice %arg5[%add3A_27, %dma_start3A] : memref<10240x128xf32, #tpu.memory_space<vmem_shared>> -> memref<128x128xf32, #tpu.memory_space<vmem_shared>>
      %dma_start3A_45 = arith.constant 0 : i32
      %dma_start3A_46 = tpu.memref_slice %arg5[%add3A_27, %dma_start3A_45] : memref<10240x128xf32, #tpu.memory_space<vmem_shared>> -> memref<128x128xf32, #tpu.memory_space<vmem_shared>>
      tpu.enqueue_dma source(%arg7 : memref<128x128xf32, #tpu.memory_space<vmem>>) target(%dma_start3A_46 : memref<128x128xf32, #tpu.memory_space<vmem_shared>>) target_semaphore(%run_scoped3A : memref<!tpu.dma_semaphore, #tpu.memory_space<semaphore_mem>>)
      %dma_wait3A = arith.constant 0 : i32
      %dma_wait3A_47 = tpu.memref_slice %arg5[%add3A_27, %dma_wait3A] : memref<10240x128xf32, #tpu.memory_space<vmem_shared>> -> memref<128x128xf32, #tpu.memory_space<vmem_shared>>
      %dma_wait3A_48 = arith.constant 0 : i32
      %dma_wait3A_49 = tpu.memref_slice %arg5[%add3A_27, %dma_wait3A_48] : memref<10240x128xf32, #tpu.memory_space<vmem_shared>> -> memref<128x128xf32, #tpu.memory_space<vmem_shared>>
      tpu.wait_dma2 semaphore(%run_scoped3A : memref<!tpu.dma_semaphore, #tpu.memory_space<semaphore_mem>>) src(%arg7 : memref<128x128xf32, #tpu.memory_space<vmem>>) dst(%dma_wait3A_49 : memref<128x128xf32, #tpu.memory_space<vmem_shared>>)
      tpu.yield
    }) : () -> ()
    %mul3A_28 = arith.constant 640 : i32
    %mul3A_29 = arith.muli %arg1, %mul3A_28 : i32
    %add3A_30 = arith.constant 512 : i32
    %add3A_31 = arith.addi %mul3A_29, %add3A_30 : i32
    "tpu.region"() ({
      %run_scoped3A = tpu.sem_alloc : memref<!tpu.dma_semaphore, #tpu.memory_space<semaphore_mem>>
      %dma_start3A = arith.constant 0 : i32
      %dma_start3A_44 = tpu.memref_slice %arg5[%add3A_31, %dma_start3A] : memref<10240x128xf32, #tpu.memory_space<vmem_shared>> -> memref<128x128xf32, #tpu.memory_space<vmem_shared>>
      %dma_start3A_45 = arith.constant 0 : i32
      %dma_start3A_46 = tpu.memref_slice %arg5[%add3A_31, %dma_start3A_45] : memref<10240x128xf32, #tpu.memory_space<vmem_shared>> -> memref<128x128xf32, #tpu.memory_space<vmem_shared>>
      tpu.enqueue_dma source(%arg7 : memref<128x128xf32, #tpu.memory_space<vmem>>) target(%dma_start3A_46 : memref<128x128xf32, #tpu.memory_space<vmem_shared>>) target_semaphore(%run_scoped3A : memref<!tpu.dma_semaphore, #tpu.memory_space<semaphore_mem>>)
      %dma_wait3A = arith.constant 0 : i32
      %dma_wait3A_47 = tpu.memref_slice %arg5[%add3A_31, %dma_wait3A] : memref<10240x128xf32, #tpu.memory_space<vmem_shared>> -> memref<128x128xf32, #tpu.memory_space<vmem_shared>>
      %dma_wait3A_48 = arith.constant 0 : i32
      %dma_wait3A_49 = tpu.memref_slice %arg5[%add3A_31, %dma_wait3A_48] : memref<10240x128xf32, #tpu.memory_space<vmem_shared>> -> memref<128x128xf32, #tpu.memory_space<vmem_shared>>
      tpu.wait_dma2 semaphore(%run_scoped3A : memref<!tpu.dma_semaphore, #tpu.memory_space<semaphore_mem>>) src(%arg7 : memref<128x128xf32, #tpu.memory_space<vmem>>) dst(%dma_wait3A_49 : memref<128x128xf32, #tpu.memory_space<vmem_shared>>)
      tpu.yield
    }) : () -> ()
    "tpu.region"() ({
      %run_scoped3A = tpu.sem_alloc : memref<!tpu.dma_semaphore, #tpu.memory_space<semaphore_mem>>
      %dma_start3A = arith.constant 0 : i32
      %dma_start3A_44 = arith.constant 0 : i32
      %dma_start3A_45 = tpu.memref_slice %arg3[%mul3A_2, %dma_start3A, %dma_start3A_44] : memref<2560x1x128xi32, #tpu.memory_space<hbm>> -> memref<80x1x128xi32, #tpu.memory_space<hbm>>
      %dma_start3A_46 = arith.constant 0 : i32
      %dma_start3A_47 = arith.constant 0 : i32
      %dma_start3A_48 = tpu.memref_slice %arg3[%mul3A_2, %dma_start3A_46, %dma_start3A_47] : memref<2560x1x128xi32, #tpu.memory_space<hbm>> -> memref<80x1x128xi32, #tpu.memory_space<hbm>>
      tpu.enqueue_dma source(%dma_start3A_48 : memref<80x1x128xi32, #tpu.memory_space<hbm>>) target(%arg6 : memref<80x1x128xi32, #tpu.memory_space<vmem>>) target_semaphore(%run_scoped3A : memref<!tpu.dma_semaphore, #tpu.memory_space<semaphore_mem>>)
      %dma_wait3A = arith.constant 0 : i32
      %dma_wait3A_49 = arith.constant 0 : i32
      %dma_wait3A_50 = tpu.memref_slice %arg3[%mul3A_2, %dma_wait3A, %dma_wait3A_49] : memref<2560x1x128xi32, #tpu.memory_space<hbm>> -> memref<80x1x128xi32, #tpu.memory_space<hbm>>
      %dma_wait3A_51 = arith.constant 0 : i32
      %dma_wait3A_52 = arith.constant 0 : i32
      %dma_wait3A_53 = tpu.memref_slice %arg3[%mul3A_2, %dma_wait3A_51, %dma_wait3A_52] : memref<2560x1x128xi32, #tpu.memory_space<hbm>> -> memref<80x1x128xi32, #tpu.memory_space<hbm>>
      tpu.wait_dma2 semaphore(%run_scoped3A : memref<!tpu.dma_semaphore, #tpu.memory_space<semaphore_mem>>) src(%dma_wait3A_53 : memref<80x1x128xi32, #tpu.memory_space<hbm>>) dst(%arg6 : memref<80x1x128xi32, #tpu.memory_space<vmem>>)
      tpu.yield
    }) : () -> ()
    %barrier3A = arith.constant 0 : index
    tpu.barrier barrier_id(%barrier3A)
    %scan3A_32 = arith.constant 0 : i32
    %scan3A_33 = arith.constant 0 : i32
    %scan3A_34 = arith.constant 41 : i32
    %scan3A_35 = arith.addi %scan3A_33, %scan3A_34 : i32
    %scan3A_36 = arith.constant 1 : i32
    %scan3A_37 = scf.for %scan3A_44 = %scan3A_33 to %scan3A_35 step %scan3A_36 iter_args(%scan3A_45 = %scan3A_32) -> (i32)  : i32 {
      %mul3A_46 = arith.constant 2 : i32
      %mul3A_47 = arith.muli %scan3A_44, %mul3A_46 : i32
      %add3A_48 = arith.constant 0 : i32
      %add3A_49 = arith.addi %mul3A_47, %add3A_48 : i32
      %ge3A = arith.constant 2 : i32
      %ge3A_50 = arith.cmpi sge, %add3A_49, %ge3A : i32
      %sub3A_51 = arith.constant 2 : i32
      %sub3A_52 = arith.subi %add3A_49, %sub3A_51 : i32
      %lt3A = arith.cmpi slt, %sub3A_52, %min3A : i32
      %and3A = arith.andi %ge3A_50, %lt3A : i1
      %convert_element_type3A = arith.extui %and3A : i1 to i32
      %cond3A = arith.constant 0 : i32
      %cond3A_53 = arith.cmpi ne, %convert_element_type3A, %cond3A : i32
      scf.if %cond3A_53 {
        %sub3A_94 = arith.constant 2 : i32
        %sub3A_95 = arith.subi %add3A_49, %sub3A_94 : i32
        %dma_wait3A = arith.constant 0 : i32
        %dma_wait3A_96 = arith.constant 0 : i32
        %dma_wait3A_97 = tpu.memref_slice %arg6[%sub3A_95, %dma_wait3A, %dma_wait3A_96] : memref<80x1x128xi32, #tpu.memory_space<vmem>> -> memref<1x1x128xi32, #tpu.memory_space<vmem>>
        %dma_wait3A_98 = tpu.memref_squeeze %dma_wait3A_97 : memref<1x1x128xi32, #tpu.memory_space<vmem>> -> memref<128xi32, #tpu.memory_space<vmem>>
        %dma_wait3A_99 = arith.constant 0 : i32
        %dma_wait3A_100 = arith.constant 0 : i32
        %dma_wait3A_101 = tpu.memref_slice %arg5[%dma_wait3A_99, %dma_wait3A_100] : memref<10240x128xf32, #tpu.memory_space<vmem_shared>> -> memref<10240x128xf32, #tpu.memory_space<vmem_shared>>
        tpu.wait_indirect_dma semaphore(%arg11 : memref<!tpu.dma_semaphore, #tpu.memory_space<semaphore_mem>>) src(%arg7 : memref<128x128xf32, #tpu.memory_space<vmem>>) dst(%dma_wait3A_101 : memref<10240x128xf32, #tpu.memory_space<vmem_shared>>)
      } else {
      }
      %lt3A_54 = arith.cmpi slt, %add3A_49, %min3A : i32
      %convert_element_type3A_55 = arith.extui %lt3A_54 : i1 to i32
      %cond3A_56 = arith.constant 0 : i32
      %cond3A_57 = arith.cmpi ne, %convert_element_type3A_55, %cond3A_56 : i32
      scf.if %cond3A_57 {
        %add3A_94 = arith.addi %mul3A_2, %add3A_49 : i32
        %mul3A_95 = arith.constant 128 : i32
        %mul3A_96 = arith.muli %add3A_94, %mul3A_95 : i32
        %dma_start3A = arith.constant 0 : i32
        %dma_start3A_97 = tpu.memref_slice %arg2[%mul3A_96, %dma_start3A] : memref<320000x128xf32, #tpu.memory_space<hbm>> -> memref<128x128xf32, #tpu.memory_space<hbm>>
        %dma_start3A_98 = arith.constant 0 : i32
        %dma_start3A_99 = tpu.memref_slice %arg2[%mul3A_96, %dma_start3A_98] : memref<320000x128xf32, #tpu.memory_space<hbm>> -> memref<128x128xf32, #tpu.memory_space<hbm>>
        tpu.enqueue_dma source(%dma_start3A_99 : memref<128x128xf32, #tpu.memory_space<hbm>>) target(%arg7 : memref<128x128xf32, #tpu.memory_space<vmem>>) target_semaphore(%arg9 : memref<!tpu.dma_semaphore, #tpu.memory_space<semaphore_mem>>)
      } else {
      }
      %ge3A_58 = arith.constant 1 : i32
      %ge3A_59 = arith.cmpi sge, %add3A_49, %ge3A_58 : i32
      %sub3A_60 = arith.constant 1 : i32
      %sub3A_61 = arith.subi %add3A_49, %sub3A_60 : i32
      %lt3A_62 = arith.cmpi slt, %sub3A_61, %min3A : i32
      %and3A_63 = arith.andi %ge3A_59, %lt3A_62 : i1
      %convert_element_type3A_64 = arith.extui %and3A_63 : i1 to i32
      %cond3A_65 = arith.constant 0 : i32
      %cond3A_66 = arith.cmpi ne, %convert_element_type3A_64, %cond3A_65 : i32
      scf.if %cond3A_66 {
        %sub3A_94 = arith.constant 1 : i32
        %sub3A_95 = arith.subi %add3A_49, %sub3A_94 : i32
        %add3A_96 = arith.addi %mul3A_2, %sub3A_95 : i32
        %mul3A_97 = arith.constant 128 : i32
        %mul3A_98 = arith.muli %add3A_96, %mul3A_97 : i32
        %dma_wait3A = arith.constant 0 : i32
        %dma_wait3A_99 = tpu.memref_slice %arg2[%mul3A_98, %dma_wait3A] : memref<320000x128xf32, #tpu.memory_space<hbm>> -> memref<128x128xf32, #tpu.memory_space<hbm>>
        %dma_wait3A_100 = arith.constant 0 : i32
        %dma_wait3A_101 = tpu.memref_slice %arg2[%mul3A_98, %dma_wait3A_100] : memref<320000x128xf32, #tpu.memory_space<hbm>> -> memref<128x128xf32, #tpu.memory_space<hbm>>
        tpu.wait_dma2 semaphore(%arg10 : memref<!tpu.dma_semaphore, #tpu.memory_space<semaphore_mem>>) src(%dma_wait3A_101 : memref<128x128xf32, #tpu.memory_space<hbm>>) dst(%arg8 : memref<128x128xf32, #tpu.memory_space<vmem>>)
        %sub3A_102 = arith.constant 1 : i32
        %sub3A_103 = arith.subi %add3A_49, %sub3A_102 : i32
        %dma_start3A = arith.constant 0 : i32
        %dma_start3A_104 = arith.constant 0 : i32
        %dma_start3A_105 = tpu.memref_slice %arg6[%sub3A_103, %dma_start3A, %dma_start3A_104] : memref<80x1x128xi32, #tpu.memory_space<vmem>> -> memref<1x1x128xi32, #tpu.memory_space<vmem>>
        %dma_start3A_106 = tpu.memref_squeeze %dma_start3A_105 : memref<1x1x128xi32, #tpu.memory_space<vmem>> -> memref<128xi32, #tpu.memory_space<vmem>>
        %dma_start3A_107 = arith.constant 0 : i32
        %dma_start3A_108 = arith.constant 0 : i32
        %dma_start3A_109 = tpu.memref_slice %arg5[%dma_start3A_107, %dma_start3A_108] : memref<10240x128xf32, #tpu.memory_space<vmem_shared>> -> memref<10240x128xf32, #tpu.memory_space<vmem_shared>>
        tpu.enqueue_indirect_dma source(%arg8 : memref<128x128xf32, #tpu.memory_space<vmem>>) target(%dma_start3A_109 : memref<10240x128xf32, #tpu.memory_space<vmem_shared>>) offsets(%dma_start3A_106 : memref<128xi32, #tpu.memory_space<vmem>>) semaphore(%arg12 : memref<!tpu.dma_semaphore, #tpu.memory_space<semaphore_mem>>) {add = true}
      } else {
      }
      %mul3A_67 = arith.constant 2 : i32
      %mul3A_68 = arith.muli %scan3A_44, %mul3A_67 : i32
      %add3A_69 = arith.constant 1 : i32
      %add3A_70 = arith.addi %mul3A_68, %add3A_69 : i32
      %ge3A_71 = arith.constant 2 : i32
      %ge3A_72 = arith.cmpi sge, %add3A_70, %ge3A_71 : i32
      %sub3A_73 = arith.constant 2 : i32
      %sub3A_74 = arith.subi %add3A_70, %sub3A_73 : i32
      %lt3A_75 = arith.cmpi slt, %sub3A_74, %min3A : i32
      %and3A_76 = arith.andi %ge3A_72, %lt3A_75 : i1
      %convert_element_type3A_77 = arith.extui %and3A_76 : i1 to i32
      %cond3A_78 = arith.constant 0 : i32
      %cond3A_79 = arith.cmpi ne, %convert_element_type3A_77, %cond3A_78 : i32
      scf.if %cond3A_79 {
        %sub3A_94 = arith.constant 2 : i32
        %sub3A_95 = arith.subi %add3A_70, %sub3A_94 : i32
        %dma_wait3A = arith.constant 0 : i32
        %dma_wait3A_96 = arith.constant 0 : i32
        %dma_wait3A_97 = tpu.memref_slice %arg6[%sub3A_95, %dma_wait3A, %dma_wait3A_96] : memref<80x1x128xi32, #tpu.memory_space<vmem>> -> memref<1x1x128xi32, #tpu.memory_space<vmem>>
        %dma_wait3A_98 = tpu.memref_squeeze %dma_wait3A_97 : memref<1x1x128xi32, #tpu.memory_space<vmem>> -> memref<128xi32, #tpu.memory_space<vmem>>
        %dma_wait3A_99 = arith.constant 0 : i32
        %dma_wait3A_100 = arith.constant 0 : i32
        %dma_wait3A_101 = tpu.memref_slice %arg5[%dma_wait3A_99, %dma_wait3A_100] : memref<10240x128xf32, #tpu.memory_space<vmem_shared>> -> memref<10240x128xf32, #tpu.memory_space<vmem_shared>>
        tpu.wait_indirect_dma semaphore(%arg12 : memref<!tpu.dma_semaphore, #tpu.memory_space<semaphore_mem>>) src(%arg8 : memref<128x128xf32, #tpu.memory_space<vmem>>) dst(%dma_wait3A_101 : memref<10240x128xf32, #tpu.memory_space<vmem_shared>>)
      } else {
      }
      %lt3A_80 = arith.cmpi slt, %add3A_70, %min3A : i32
      %convert_element_type3A_81 = arith.extui %lt3A_80 : i1 to i32
      %cond3A_82 = arith.constant 0 : i32
      %cond3A_83 = arith.cmpi ne, %convert_element_type3A_81, %cond3A_82 : i32
      scf.if %cond3A_83 {
        %add3A_94 = arith.addi %mul3A_2, %add3A_70 : i32
        %mul3A_95 = arith.constant 128 : i32
        %mul3A_96 = arith.muli %add3A_94, %mul3A_95 : i32
        %dma_start3A = arith.constant 0 : i32
        %dma_start3A_97 = tpu.memref_slice %arg2[%mul3A_96, %dma_start3A] : memref<320000x128xf32, #tpu.memory_space<hbm>> -> memref<128x128xf32, #tpu.memory_space<hbm>>
        %dma_start3A_98 = arith.constant 0 : i32
        %dma_start3A_99 = tpu.memref_slice %arg2[%mul3A_96, %dma_start3A_98] : memref<320000x128xf32, #tpu.memory_space<hbm>> -> memref<128x128xf32, #tpu.memory_space<hbm>>
        tpu.enqueue_dma source(%dma_start3A_99 : memref<128x128xf32, #tpu.memory_space<hbm>>) target(%arg8 : memref<128x128xf32, #tpu.memory_space<vmem>>) target_semaphore(%arg10 : memref<!tpu.dma_semaphore, #tpu.memory_space<semaphore_mem>>)
      } else {
      }
      %ge3A_84 = arith.constant 1 : i32
      %ge3A_85 = arith.cmpi sge, %add3A_70, %ge3A_84 : i32
      %sub3A_86 = arith.constant 1 : i32
      %sub3A_87 = arith.subi %add3A_70, %sub3A_86 : i32
      %lt3A_88 = arith.cmpi slt, %sub3A_87, %min3A : i32
      %and3A_89 = arith.andi %ge3A_85, %lt3A_88 : i1
      %convert_element_type3A_90 = arith.extui %and3A_89 : i1 to i32
      %cond3A_91 = arith.constant 0 : i32
      %cond3A_92 = arith.cmpi ne, %convert_element_type3A_90, %cond3A_91 : i32
      scf.if %cond3A_92 {
        %sub3A_94 = arith.constant 1 : i32
        %sub3A_95 = arith.subi %add3A_70, %sub3A_94 : i32
        %add3A_96 = arith.addi %mul3A_2, %sub3A_95 : i32
        %mul3A_97 = arith.constant 128 : i32
        %mul3A_98 = arith.muli %add3A_96, %mul3A_97 : i32
        %dma_wait3A = arith.constant 0 : i32
        %dma_wait3A_99 = tpu.memref_slice %arg2[%mul3A_98, %dma_wait3A] : memref<320000x128xf32, #tpu.memory_space<hbm>> -> memref<128x128xf32, #tpu.memory_space<hbm>>
        %dma_wait3A_100 = arith.constant 0 : i32
        %dma_wait3A_101 = tpu.memref_slice %arg2[%mul3A_98, %dma_wait3A_100] : memref<320000x128xf32, #tpu.memory_space<hbm>> -> memref<128x128xf32, #tpu.memory_space<hbm>>
        tpu.wait_dma2 semaphore(%arg9 : memref<!tpu.dma_semaphore, #tpu.memory_space<semaphore_mem>>) src(%dma_wait3A_101 : memref<128x128xf32, #tpu.memory_space<hbm>>) dst(%arg7 : memref<128x128xf32, #tpu.memory_space<vmem>>)
        %sub3A_102 = arith.constant 1 : i32
        %sub3A_103 = arith.subi %add3A_70, %sub3A_102 : i32
        %dma_start3A = arith.constant 0 : i32
        %dma_start3A_104 = arith.constant 0 : i32
        %dma_start3A_105 = tpu.memref_slice %arg6[%sub3A_103, %dma_start3A, %dma_start3A_104] : memref<80x1x128xi32, #tpu.memory_space<vmem>> -> memref<1x1x128xi32, #tpu.memory_space<vmem>>
        %dma_start3A_106 = tpu.memref_squeeze %dma_start3A_105 : memref<1x1x128xi32, #tpu.memory_space<vmem>> -> memref<128xi32, #tpu.memory_space<vmem>>
        %dma_start3A_107 = arith.constant 0 : i32
        %dma_start3A_108 = arith.constant 0 : i32
        %dma_start3A_109 = tpu.memref_slice %arg5[%dma_start3A_107, %dma_start3A_108] : memref<10240x128xf32, #tpu.memory_space<vmem_shared>> -> memref<10240x128xf32, #tpu.memory_space<vmem_shared>>
        tpu.enqueue_indirect_dma source(%arg7 : memref<128x128xf32, #tpu.memory_space<vmem>>) target(%dma_start3A_109 : memref<10240x128xf32, #tpu.memory_space<vmem_shared>>) offsets(%dma_start3A_106 : memref<128xi32, #tpu.memory_space<vmem>>) semaphore(%arg11 : memref<!tpu.dma_semaphore, #tpu.memory_space<semaphore_mem>>) {add = true}
      } else {
      }
      %scan3A_93 = arith.constant 0 : i32
      scf.yield %scan3A_93 : i32
    }
    %scan3A_38 = arith.constant 41 : i32
    %barrier3A_39 = arith.constant 0 : index
    tpu.barrier barrier_id(%barrier3A_39)
    %mul3A_40 = arith.constant 640 : i32
    %mul3A_41 = arith.muli %arg1, %mul3A_40 : i32
    %mul3A_42 = arith.constant 640 : i32
    %mul3A_43 = arith.muli %arg1, %mul3A_42 : i32
    "tpu.region"() ({
      %run_scoped3A = tpu.sem_alloc : memref<!tpu.dma_semaphore, #tpu.memory_space<semaphore_mem>>
      %dma_start3A = arith.constant 0 : i32
      %dma_start3A_44 = tpu.memref_slice %arg4[%arg0, %mul3A_43, %dma_start3A] : memref<2x10240x128xf32, #tpu.memory_space<hbm>> -> memref<1x640x128xf32, #tpu.memory_space<hbm>>
      %dma_start3A_45 = tpu.memref_squeeze %dma_start3A_44 : memref<1x640x128xf32, #tpu.memory_space<hbm>> -> memref<640x128xf32, #tpu.memory_space<hbm>>
      %dma_start3A_46 = arith.constant 0 : i32
      %dma_start3A_47 = tpu.memref_slice %arg5[%mul3A_41, %dma_start3A_46] : memref<10240x128xf32, #tpu.memory_space<vmem_shared>> -> memref<640x128xf32, #tpu.memory_space<vmem_shared>>
      tpu.enqueue_dma source(%dma_start3A_47 : memref<640x128xf32, #tpu.memory_space<vmem_shared>>) target(%dma_start3A_45 : memref<640x128xf32, #tpu.memory_space<hbm>>) target_semaphore(%run_scoped3A : memref<!tpu.dma_semaphore, #tpu.memory_space<semaphore_mem>>)
      %dma_wait3A = arith.constant 0 : i32
      %dma_wait3A_48 = tpu.memref_slice %arg4[%arg0, %mul3A_43, %dma_wait3A] : memref<2x10240x128xf32, #tpu.memory_space<hbm>> -> memref<1x640x128xf32, #tpu.memory_space<hbm>>
      %dma_wait3A_49 = tpu.memref_squeeze %dma_wait3A_48 : memref<1x640x128xf32, #tpu.memory_space<hbm>> -> memref<640x128xf32, #tpu.memory_space<hbm>>
      %dma_wait3A_50 = arith.constant 0 : i32
      %dma_wait3A_51 = tpu.memref_slice %arg5[%mul3A_41, %dma_wait3A_50] : memref<10240x128xf32, #tpu.memory_space<vmem_shared>> -> memref<640x128xf32, #tpu.memory_space<vmem_shared>>
      tpu.wait_dma2 semaphore(%run_scoped3A : memref<!tpu.dma_semaphore, #tpu.memory_space<semaphore_mem>>) src(%dma_wait3A_51 : memref<640x128xf32, #tpu.memory_space<vmem_shared>>) dst(%dma_wait3A_49 : memref<640x128xf32, #tpu.memory_space<hbm>>)
      tpu.yield
    }) : () -> ()
    return
  }
}

#map = affine_map<(d0, d1) -> (0, 0)>
#map1 = affine_map<(d0, d1) -> (0)>
module attributes {stable_mosaic.version = 14 : i64} {
  func.func @_expand_body(%arg0: i32, %arg1: i32, %arg2: memref<10240x128xf32, #tpu.memory_space<hbm>>, %arg3: memref<327680xi32, #tpu.memory_space<hbm>>, %arg4: memref<320000x128xf32, #tpu.memory_space<hbm>>, %arg5: memref<10240x128xf32, #tpu.memory_space<vmem_shared>>, %arg6: memref<10240xi32, #tpu.memory_space<vmem>>, %arg7: memref<128x128xf32, #tpu.memory_space<vmem>>, %arg8: memref<128x128xf32, #tpu.memory_space<vmem>>, %arg9: memref<!tpu.dma_semaphore, #tpu.memory_space<semaphore_mem>>, %arg10: memref<!tpu.dma_semaphore, #tpu.memory_space<semaphore_mem>>, %arg11: memref<!tpu.dma_semaphore, #tpu.memory_space<semaphore_mem>>, %arg12: memref<!tpu.dma_semaphore, #tpu.memory_space<semaphore_mem>>) attributes {dimension_semantics = [#tpu.dimension_semantics<core_parallel>, #tpu.dimension_semantics<subcore_parallel>], iteration_bounds = array<i64: 2, 16>, scalar_prefetch = 0 : i64, scratch_operands = 8 : i64, tpu.core_type = #tpu.core_type<sc_vector_subcore>, window_params = [{transform_indices = #map}, {transform_indices = #map1}, {transform_indices = #map}]} {
    %mul3A = arith.constant 2 : i32
    %mul3A_0 = arith.muli %arg1, %mul3A : i32
    %add3A = arith.addi %mul3A_0, %arg0 : i32
    %mul3A_1 = arith.constant 80 : i32
    %mul3A_2 = arith.muli %add3A, %mul3A_1 : i32
    %sub3A = arith.constant 2500 : i32
    %sub3A_3 = arith.subi %sub3A, %mul3A_2 : i32
    %jit3A = arith.constant 0 : i32
    %jit3A_4 = arith.constant 80 : i32
    %max3A = arith.maxsi %jit3A, %sub3A_3 : i32
    %min3A = arith.minsi %jit3A_4, %max3A : i32
    %mul3A_5 = arith.constant 640 : i32
    %mul3A_6 = arith.muli %arg1, %mul3A_5 : i32
    %mul3A_7 = arith.constant 640 : i32
    %mul3A_8 = arith.muli %arg1, %mul3A_7 : i32
    "tpu.region"() ({
      %run_scoped3A = tpu.sem_alloc : memref<!tpu.dma_semaphore, #tpu.memory_space<semaphore_mem>>
      %dma_start3A = arith.constant 0 : i32
      %dma_start3A_17 = tpu.memref_slice %arg5[%mul3A_8, %dma_start3A] : memref<10240x128xf32, #tpu.memory_space<vmem_shared>> -> memref<640x128xf32, #tpu.memory_space<vmem_shared>>
      %dma_start3A_18 = arith.constant 0 : i32
      %dma_start3A_19 = tpu.memref_slice %arg2[%mul3A_6, %dma_start3A_18] : memref<10240x128xf32, #tpu.memory_space<hbm>> -> memref<640x128xf32, #tpu.memory_space<hbm>>
      tpu.enqueue_dma source(%dma_start3A_19 : memref<640x128xf32, #tpu.memory_space<hbm>>) target(%dma_start3A_17 : memref<640x128xf32, #tpu.memory_space<vmem_shared>>) target_semaphore(%run_scoped3A : memref<!tpu.dma_semaphore, #tpu.memory_space<semaphore_mem>>)
      %dma_wait3A = arith.constant 0 : i32
      %dma_wait3A_20 = tpu.memref_slice %arg5[%mul3A_8, %dma_wait3A] : memref<10240x128xf32, #tpu.memory_space<vmem_shared>> -> memref<640x128xf32, #tpu.memory_space<vmem_shared>>
      %dma_wait3A_21 = arith.constant 0 : i32
      %dma_wait3A_22 = tpu.memref_slice %arg2[%mul3A_6, %dma_wait3A_21] : memref<10240x128xf32, #tpu.memory_space<hbm>> -> memref<640x128xf32, #tpu.memory_space<hbm>>
      tpu.wait_dma2 semaphore(%run_scoped3A : memref<!tpu.dma_semaphore, #tpu.memory_space<semaphore_mem>>) src(%dma_wait3A_22 : memref<640x128xf32, #tpu.memory_space<hbm>>) dst(%dma_wait3A_20 : memref<640x128xf32, #tpu.memory_space<vmem_shared>>)
      tpu.yield
    }) : () -> ()
    %mul3A_9 = arith.constant 10240 : i32
    %mul3A_10 = arith.muli %add3A, %mul3A_9 : i32
    "tpu.region"() ({
      %run_scoped3A = tpu.sem_alloc : memref<!tpu.dma_semaphore, #tpu.memory_space<semaphore_mem>>
      %dma_start3A = tpu.memref_slice %arg3[%mul3A_10] : memref<327680xi32, #tpu.memory_space<hbm>> -> memref<10240xi32, #tpu.memory_space<hbm>>
      %dma_start3A_17 = tpu.memref_slice %arg3[%mul3A_10] : memref<327680xi32, #tpu.memory_space<hbm>> -> memref<10240xi32, #tpu.memory_space<hbm>>
      tpu.enqueue_dma source(%dma_start3A_17 : memref<10240xi32, #tpu.memory_space<hbm>>) target(%arg6 : memref<10240xi32, #tpu.memory_space<vmem>>) target_semaphore(%run_scoped3A : memref<!tpu.dma_semaphore, #tpu.memory_space<semaphore_mem>>)
      %dma_wait3A = tpu.memref_slice %arg3[%mul3A_10] : memref<327680xi32, #tpu.memory_space<hbm>> -> memref<10240xi32, #tpu.memory_space<hbm>>
      %dma_wait3A_18 = tpu.memref_slice %arg3[%mul3A_10] : memref<327680xi32, #tpu.memory_space<hbm>> -> memref<10240xi32, #tpu.memory_space<hbm>>
      tpu.wait_dma2 semaphore(%run_scoped3A : memref<!tpu.dma_semaphore, #tpu.memory_space<semaphore_mem>>) src(%dma_wait3A_18 : memref<10240xi32, #tpu.memory_space<hbm>>) dst(%arg6 : memref<10240xi32, #tpu.memory_space<vmem>>)
      tpu.yield
    }) : () -> ()
    %barrier3A = arith.constant 0 : index
    tpu.barrier barrier_id(%barrier3A)
    %scan3A = arith.constant 0 : i32
    %scan3A_11 = arith.constant 0 : i32
    %scan3A_12 = arith.constant 41 : i32
    %scan3A_13 = arith.addi %scan3A_11, %scan3A_12 : i32
    %scan3A_14 = arith.constant 1 : i32
    %scan3A_15 = scf.for %scan3A_17 = %scan3A_11 to %scan3A_13 step %scan3A_14 iter_args(%scan3A_18 = %scan3A) -> (i32)  : i32 {
      %mul3A_19 = arith.constant 2 : i32
      %mul3A_20 = arith.muli %scan3A_17, %mul3A_19 : i32
      %add3A_21 = arith.constant 0 : i32
      %add3A_22 = arith.addi %mul3A_20, %add3A_21 : i32
      %ge3A = arith.constant 2 : i32
      %ge3A_23 = arith.cmpi sge, %add3A_22, %ge3A : i32
      %sub3A_24 = arith.constant 2 : i32
      %sub3A_25 = arith.subi %add3A_22, %sub3A_24 : i32
      %lt3A = arith.cmpi slt, %sub3A_25, %min3A : i32
      %and3A = arith.andi %ge3A_23, %lt3A : i1
      %convert_element_type3A = arith.extui %and3A : i1 to i32
      %cond3A = arith.constant 0 : i32
      %cond3A_26 = arith.cmpi ne, %convert_element_type3A, %cond3A : i32
      scf.if %cond3A_26 {
        %sub3A_67 = arith.constant 2 : i32
        %sub3A_68 = arith.subi %add3A_22, %sub3A_67 : i32
        %add3A_69 = arith.addi %mul3A_2, %sub3A_68 : i32
        %mul3A_70 = arith.constant 128 : i32
        %mul3A_71 = arith.muli %add3A_69, %mul3A_70 : i32
        %dma_wait3A = arith.constant 0 : i32
        %dma_wait3A_72 = tpu.memref_slice %arg4[%mul3A_71, %dma_wait3A] : memref<320000x128xf32, #tpu.memory_space<hbm>> -> memref<128x128xf32, #tpu.memory_space<hbm>>
        %dma_wait3A_73 = arith.constant 0 : i32
        %dma_wait3A_74 = tpu.memref_slice %arg4[%mul3A_71, %dma_wait3A_73] : memref<320000x128xf32, #tpu.memory_space<hbm>> -> memref<128x128xf32, #tpu.memory_space<hbm>>
        tpu.wait_dma2 semaphore(%arg11 : memref<!tpu.dma_semaphore, #tpu.memory_space<semaphore_mem>>) src(%arg7 : memref<128x128xf32, #tpu.memory_space<vmem>>) dst(%dma_wait3A_74 : memref<128x128xf32, #tpu.memory_space<hbm>>)
      } else {
      }
      %lt3A_27 = arith.cmpi slt, %add3A_22, %min3A : i32
      %convert_element_type3A_28 = arith.extui %lt3A_27 : i1 to i32
      %cond3A_29 = arith.constant 0 : i32
      %cond3A_30 = arith.cmpi ne, %convert_element_type3A_28, %cond3A_29 : i32
      scf.if %cond3A_30 {
        %mul3A_67 = arith.constant 128 : i32
        %mul3A_68 = arith.muli %add3A_22, %mul3A_67 : i32
        %dma_start3A = tpu.memref_slice %arg6[%mul3A_68] : memref<10240xi32, #tpu.memory_space<vmem>> -> memref<128xi32, #tpu.memory_space<vmem>>
        %dma_start3A_69 = arith.constant 0 : i32
        %dma_start3A_70 = arith.constant 0 : i32
        %dma_start3A_71 = tpu.memref_slice %arg5[%dma_start3A_69, %dma_start3A_70] : memref<10240x128xf32, #tpu.memory_space<vmem_shared>> -> memref<10240x128xf32, #tpu.memory_space<vmem_shared>>
        tpu.enqueue_indirect_dma source(%dma_start3A_71 : memref<10240x128xf32, #tpu.memory_space<vmem_shared>>) target(%arg7 : memref<128x128xf32, #tpu.memory_space<vmem>>) offsets(%dma_start3A : memref<128xi32, #tpu.memory_space<vmem>>) semaphore(%arg9 : memref<!tpu.dma_semaphore, #tpu.memory_space<semaphore_mem>>)
      } else {
      }
      %ge3A_31 = arith.constant 1 : i32
      %ge3A_32 = arith.cmpi sge, %add3A_22, %ge3A_31 : i32
      %sub3A_33 = arith.constant 1 : i32
      %sub3A_34 = arith.subi %add3A_22, %sub3A_33 : i32
      %lt3A_35 = arith.cmpi slt, %sub3A_34, %min3A : i32
      %and3A_36 = arith.andi %ge3A_32, %lt3A_35 : i1
      %convert_element_type3A_37 = arith.extui %and3A_36 : i1 to i32
      %cond3A_38 = arith.constant 0 : i32
      %cond3A_39 = arith.cmpi ne, %convert_element_type3A_37, %cond3A_38 : i32
      scf.if %cond3A_39 {
        %sub3A_67 = arith.constant 1 : i32
        %sub3A_68 = arith.subi %add3A_22, %sub3A_67 : i32
        %mul3A_69 = arith.constant 128 : i32
        %mul3A_70 = arith.muli %sub3A_68, %mul3A_69 : i32
        %dma_wait3A = tpu.memref_slice %arg6[%mul3A_70] : memref<10240xi32, #tpu.memory_space<vmem>> -> memref<128xi32, #tpu.memory_space<vmem>>
        %dma_wait3A_71 = arith.constant 0 : i32
        %dma_wait3A_72 = arith.constant 0 : i32
        %dma_wait3A_73 = tpu.memref_slice %arg5[%dma_wait3A_71, %dma_wait3A_72] : memref<10240x128xf32, #tpu.memory_space<vmem_shared>> -> memref<10240x128xf32, #tpu.memory_space<vmem_shared>>
        tpu.wait_indirect_dma semaphore(%arg10 : memref<!tpu.dma_semaphore, #tpu.memory_space<semaphore_mem>>) src(%dma_wait3A_73 : memref<10240x128xf32, #tpu.memory_space<vmem_shared>>) dst(%arg8 : memref<128x128xf32, #tpu.memory_space<vmem>>)
        %sub3A_74 = arith.constant 1 : i32
        %sub3A_75 = arith.subi %add3A_22, %sub3A_74 : i32
        %add3A_76 = arith.addi %mul3A_2, %sub3A_75 : i32
        %mul3A_77 = arith.constant 128 : i32
        %mul3A_78 = arith.muli %add3A_76, %mul3A_77 : i32
        %dma_start3A = arith.constant 0 : i32
        %dma_start3A_79 = tpu.memref_slice %arg4[%mul3A_78, %dma_start3A] : memref<320000x128xf32, #tpu.memory_space<hbm>> -> memref<128x128xf32, #tpu.memory_space<hbm>>
        %dma_start3A_80 = arith.constant 0 : i32
        %dma_start3A_81 = tpu.memref_slice %arg4[%mul3A_78, %dma_start3A_80] : memref<320000x128xf32, #tpu.memory_space<hbm>> -> memref<128x128xf32, #tpu.memory_space<hbm>>
        tpu.enqueue_dma source(%arg8 : memref<128x128xf32, #tpu.memory_space<vmem>>) target(%dma_start3A_81 : memref<128x128xf32, #tpu.memory_space<hbm>>) target_semaphore(%arg12 : memref<!tpu.dma_semaphore, #tpu.memory_space<semaphore_mem>>)
      } else {
      }
      %mul3A_40 = arith.constant 2 : i32
      %mul3A_41 = arith.muli %scan3A_17, %mul3A_40 : i32
      %add3A_42 = arith.constant 1 : i32
      %add3A_43 = arith.addi %mul3A_41, %add3A_42 : i32
      %ge3A_44 = arith.constant 2 : i32
      %ge3A_45 = arith.cmpi sge, %add3A_43, %ge3A_44 : i32
      %sub3A_46 = arith.constant 2 : i32
      %sub3A_47 = arith.subi %add3A_43, %sub3A_46 : i32
      %lt3A_48 = arith.cmpi slt, %sub3A_47, %min3A : i32
      %and3A_49 = arith.andi %ge3A_45, %lt3A_48 : i1
      %convert_element_type3A_50 = arith.extui %and3A_49 : i1 to i32
      %cond3A_51 = arith.constant 0 : i32
      %cond3A_52 = arith.cmpi ne, %convert_element_type3A_50, %cond3A_51 : i32
      scf.if %cond3A_52 {
        %sub3A_67 = arith.constant 2 : i32
        %sub3A_68 = arith.subi %add3A_43, %sub3A_67 : i32
        %add3A_69 = arith.addi %mul3A_2, %sub3A_68 : i32
        %mul3A_70 = arith.constant 128 : i32
        %mul3A_71 = arith.muli %add3A_69, %mul3A_70 : i32
        %dma_wait3A = arith.constant 0 : i32
        %dma_wait3A_72 = tpu.memref_slice %arg4[%mul3A_71, %dma_wait3A] : memref<320000x128xf32, #tpu.memory_space<hbm>> -> memref<128x128xf32, #tpu.memory_space<hbm>>
        %dma_wait3A_73 = arith.constant 0 : i32
        %dma_wait3A_74 = tpu.memref_slice %arg4[%mul3A_71, %dma_wait3A_73] : memref<320000x128xf32, #tpu.memory_space<hbm>> -> memref<128x128xf32, #tpu.memory_space<hbm>>
        tpu.wait_dma2 semaphore(%arg12 : memref<!tpu.dma_semaphore, #tpu.memory_space<semaphore_mem>>) src(%arg8 : memref<128x128xf32, #tpu.memory_space<vmem>>) dst(%dma_wait3A_74 : memref<128x128xf32, #tpu.memory_space<hbm>>)
      } else {
      }
      %lt3A_53 = arith.cmpi slt, %add3A_43, %min3A : i32
      %convert_element_type3A_54 = arith.extui %lt3A_53 : i1 to i32
      %cond3A_55 = arith.constant 0 : i32
      %cond3A_56 = arith.cmpi ne, %convert_element_type3A_54, %cond3A_55 : i32
      scf.if %cond3A_56 {
        %mul3A_67 = arith.constant 128 : i32
        %mul3A_68 = arith.muli %add3A_43, %mul3A_67 : i32
        %dma_start3A = tpu.memref_slice %arg6[%mul3A_68] : memref<10240xi32, #tpu.memory_space<vmem>> -> memref<128xi32, #tpu.memory_space<vmem>>
        %dma_start3A_69 = arith.constant 0 : i32
        %dma_start3A_70 = arith.constant 0 : i32
        %dma_start3A_71 = tpu.memref_slice %arg5[%dma_start3A_69, %dma_start3A_70] : memref<10240x128xf32, #tpu.memory_space<vmem_shared>> -> memref<10240x128xf32, #tpu.memory_space<vmem_shared>>
        tpu.enqueue_indirect_dma source(%dma_start3A_71 : memref<10240x128xf32, #tpu.memory_space<vmem_shared>>) target(%arg8 : memref<128x128xf32, #tpu.memory_space<vmem>>) offsets(%dma_start3A : memref<128xi32, #tpu.memory_space<vmem>>) semaphore(%arg10 : memref<!tpu.dma_semaphore, #tpu.memory_space<semaphore_mem>>)
      } else {
      }
      %ge3A_57 = arith.constant 1 : i32
      %ge3A_58 = arith.cmpi sge, %add3A_43, %ge3A_57 : i32
      %sub3A_59 = arith.constant 1 : i32
      %sub3A_60 = arith.subi %add3A_43, %sub3A_59 : i32
      %lt3A_61 = arith.cmpi slt, %sub3A_60, %min3A : i32
      %and3A_62 = arith.andi %ge3A_58, %lt3A_61 : i1
      %convert_element_type3A_63 = arith.extui %and3A_62 : i1 to i32
      %cond3A_64 = arith.constant 0 : i32
      %cond3A_65 = arith.cmpi ne, %convert_element_type3A_63, %cond3A_64 : i32
      scf.if %cond3A_65 {
        %sub3A_67 = arith.constant 1 : i32
        %sub3A_68 = arith.subi %add3A_43, %sub3A_67 : i32
        %mul3A_69 = arith.constant 128 : i32
        %mul3A_70 = arith.muli %sub3A_68, %mul3A_69 : i32
        %dma_wait3A = tpu.memref_slice %arg6[%mul3A_70] : memref<10240xi32, #tpu.memory_space<vmem>> -> memref<128xi32, #tpu.memory_space<vmem>>
        %dma_wait3A_71 = arith.constant 0 : i32
        %dma_wait3A_72 = arith.constant 0 : i32
        %dma_wait3A_73 = tpu.memref_slice %arg5[%dma_wait3A_71, %dma_wait3A_72] : memref<10240x128xf32, #tpu.memory_space<vmem_shared>> -> memref<10240x128xf32, #tpu.memory_space<vmem_shared>>
        tpu.wait_indirect_dma semaphore(%arg9 : memref<!tpu.dma_semaphore, #tpu.memory_space<semaphore_mem>>) src(%dma_wait3A_73 : memref<10240x128xf32, #tpu.memory_space<vmem_shared>>) dst(%arg7 : memref<128x128xf32, #tpu.memory_space<vmem>>)
        %sub3A_74 = arith.constant 1 : i32
        %sub3A_75 = arith.subi %add3A_43, %sub3A_74 : i32
        %add3A_76 = arith.addi %mul3A_2, %sub3A_75 : i32
        %mul3A_77 = arith.constant 128 : i32
        %mul3A_78 = arith.muli %add3A_76, %mul3A_77 : i32
        %dma_start3A = arith.constant 0 : i32
        %dma_start3A_79 = tpu.memref_slice %arg4[%mul3A_78, %dma_start3A] : memref<320000x128xf32, #tpu.memory_space<hbm>> -> memref<128x128xf32, #tpu.memory_space<hbm>>
        %dma_start3A_80 = arith.constant 0 : i32
        %dma_start3A_81 = tpu.memref_slice %arg4[%mul3A_78, %dma_start3A_80] : memref<320000x128xf32, #tpu.memory_space<hbm>> -> memref<128x128xf32, #tpu.memory_space<hbm>>
        tpu.enqueue_dma source(%arg7 : memref<128x128xf32, #tpu.memory_space<vmem>>) target(%dma_start3A_81 : memref<128x128xf32, #tpu.memory_space<hbm>>) target_semaphore(%arg11 : memref<!tpu.dma_semaphore, #tpu.memory_space<semaphore_mem>>)
      } else {
      }
      %scan3A_66 = arith.constant 0 : i32
      scf.yield %scan3A_66 : i32
    }
    %scan3A_16 = arith.constant 41 : i32
    return
  }
}

#map = affine_map<(d0, d1) -> (0, 0)>
#map1 = affine_map<(d0, d1) -> (0, 0, 0)>
module attributes {stable_mosaic.version = 14 : i64} {
  func.func @_segsum_body(%arg0: i32, %arg1: i32, %arg2: memref<160000x128xf32, #tpu.memory_space<hbm>>, %arg3: memref<1280x1x128xi32, #tpu.memory_space<hbm>>, %arg4: memref<2x10240x128xf32, #tpu.memory_space<hbm>>, %arg5: memref<10240x128xf32, #tpu.memory_space<vmem_shared>>, %arg6: memref<40x1x128xi32, #tpu.memory_space<vmem>>, %arg7: memref<128x128xf32, #tpu.memory_space<vmem>>, %arg8: memref<128x128xf32, #tpu.memory_space<vmem>>, %arg9: memref<!tpu.dma_semaphore, #tpu.memory_space<semaphore_mem>>, %arg10: memref<!tpu.dma_semaphore, #tpu.memory_space<semaphore_mem>>, %arg11: memref<!tpu.dma_semaphore, #tpu.memory_space<semaphore_mem>>, %arg12: memref<!tpu.dma_semaphore, #tpu.memory_space<semaphore_mem>>) attributes {dimension_semantics = [#tpu.dimension_semantics<core_parallel>, #tpu.dimension_semantics<subcore_parallel>], iteration_bounds = array<i64: 2, 16>, scalar_prefetch = 0 : i64, scratch_operands = 8 : i64, tpu.core_type = #tpu.core_type<sc_vector_subcore>, window_params = [{transform_indices = #map}, {transform_indices = #map1}, {transform_indices = #map1}]} {
    %mul3A = arith.constant 2 : i32
    %mul3A_0 = arith.muli %arg1, %mul3A : i32
    %add3A = arith.addi %mul3A_0, %arg0 : i32
    %mul3A_1 = arith.constant 40 : i32
    %mul3A_2 = arith.muli %add3A, %mul3A_1 : i32
    %sub3A = arith.constant 1250 : i32
    %sub3A_3 = arith.subi %sub3A, %mul3A_2 : i32
    %jit3A = arith.constant 0 : i32
    %jit3A_4 = arith.constant 40 : i32
    %max3A = arith.maxsi %jit3A, %sub3A_3 : i32
    %min3A = arith.minsi %jit3A_4, %max3A : i32
    %broadcast_in_dim3A = arith.constant 0.000000e+00 : f32
    %broadcast_in_dim3A_5 = vector.broadcast %broadcast_in_dim3A : f32 to vector<16xf32>
    %scan3A = arith.constant 0 : i32
    %scan3A_6 = arith.constant 0 : i32
    %scan3A_7 = arith.constant 128 : i32
    %scan3A_8 = arith.addi %scan3A_6, %scan3A_7 : i32
    %scan3A_9 = arith.constant 1 : i32
    %scan3A_10 = scf.for %scan3A_44 = %scan3A_6 to %scan3A_8 step %scan3A_9 iter_args(%scan3A_45 = %scan3A) -> (i32)  : i32 {
      %swap3A = arith.index_cast %scan3A_44 : i32 to index
      %swap3A_46 = arith.constant 0 : index
      %swap3A_47 = tpu.vector_load %arg7[%swap3A, %swap3A_46] {strides = array<i32>} : memref<128x128xf32, #tpu.memory_space<vmem>>, vector<1x16xf32>,
      %swap3A_48 = vector.shape_cast %swap3A_47 : vector<1x16xf32> to vector<16xf32>
      %swap3A_49 = vector.shape_cast %broadcast_in_dim3A_5 : vector<16xf32> to vector<1x16xf32>
      tpu.vector_store %arg7[%swap3A, %swap3A_46], %swap3A_49 {strides = array<i32>} : memref<128x128xf32, #tpu.memory_space<vmem>>, vector<1x16xf32>,
      %swap3A_50 = arith.index_cast %scan3A_44 : i32 to index
      %swap3A_51 = arith.constant 16 : index
      %swap3A_52 = tpu.vector_load %arg7[%swap3A_50, %swap3A_51] {strides = array<i32>} : memref<128x128xf32, #tpu.memory_space<vmem>>, vector<1x16xf32>,
      %swap3A_53 = vector.shape_cast %swap3A_52 : vector<1x16xf32> to vector<16xf32>
      %swap3A_54 = vector.shape_cast %broadcast_in_dim3A_5 : vector<16xf32> to vector<1x16xf32>
      tpu.vector_store %arg7[%swap3A_50, %swap3A_51], %swap3A_54 {strides = array<i32>} : memref<128x128xf32, #tpu.memory_space<vmem>>, vector<1x16xf32>,
      %swap3A_55 = arith.index_cast %scan3A_44 : i32 to index
      %swap3A_56 = arith.constant 32 : index
      %swap3A_57 = tpu.vector_load %arg7[%swap3A_55, %swap3A_56] {strides = array<i32>} : memref<128x128xf32, #tpu.memory_space<vmem>>, vector<1x16xf32>,
      %swap3A_58 = vector.shape_cast %swap3A_57 : vector<1x16xf32> to vector<16xf32>
      %swap3A_59 = vector.shape_cast %broadcast_in_dim3A_5 : vector<16xf32> to vector<1x16xf32>
      tpu.vector_store %arg7[%swap3A_55, %swap3A_56], %swap3A_59 {strides = array<i32>} : memref<128x128xf32, #tpu.memory_space<vmem>>, vector<1x16xf32>,
      %swap3A_60 = arith.index_cast %scan3A_44 : i32 to index
      %swap3A_61 = arith.constant 48 : index
      %swap3A_62 = tpu.vector_load %arg7[%swap3A_60, %swap3A_61] {strides = array<i32>} : memref<128x128xf32, #tpu.memory_space<vmem>>, vector<1x16xf32>,
      %swap3A_63 = vector.shape_cast %swap3A_62 : vector<1x16xf32> to vector<16xf32>
      %swap3A_64 = vector.shape_cast %broadcast_in_dim3A_5 : vector<16xf32> to vector<1x16xf32>
      tpu.vector_store %arg7[%swap3A_60, %swap3A_61], %swap3A_64 {strides = array<i32>} : memref<128x128xf32, #tpu.memory_space<vmem>>, vector<1x16xf32>,
      %swap3A_65 = arith.index_cast %scan3A_44 : i32 to index
      %swap3A_66 = arith.constant 64 : index
      %swap3A_67 = tpu.vector_load %arg7[%swap3A_65, %swap3A_66] {strides = array<i32>} : memref<128x128xf32, #tpu.memory_space<vmem>>, vector<1x16xf32>,
      %swap3A_68 = vector.shape_cast %swap3A_67 : vector<1x16xf32> to vector<16xf32>
      %swap3A_69 = vector.shape_cast %broadcast_in_dim3A_5 : vector<16xf32> to vector<1x16xf32>
      tpu.vector_store %arg7[%swap3A_65, %swap3A_66], %swap3A_69 {strides = array<i32>} : memref<128x128xf32, #tpu.memory_space<vmem>>, vector<1x16xf32>,
      %swap3A_70 = arith.index_cast %scan3A_44 : i32 to index
      %swap3A_71 = arith.constant 80 : index
      %swap3A_72 = tpu.vector_load %arg7[%swap3A_70, %swap3A_71] {strides = array<i32>} : memref<128x128xf32, #tpu.memory_space<vmem>>, vector<1x16xf32>,
      %swap3A_73 = vector.shape_cast %swap3A_72 : vector<1x16xf32> to vector<16xf32>
      %swap3A_74 = vector.shape_cast %broadcast_in_dim3A_5 : vector<16xf32> to vector<1x16xf32>
      tpu.vector_store %arg7[%swap3A_70, %swap3A_71], %swap3A_74 {strides = array<i32>} : memref<128x128xf32, #tpu.memory_space<vmem>>, vector<1x16xf32>,
      %swap3A_75 = arith.index_cast %scan3A_44 : i32 to index
      %swap3A_76 = arith.constant 96 : index
      %swap3A_77 = tpu.vector_load %arg7[%swap3A_75, %swap3A_76] {strides = array<i32>} : memref<128x128xf32, #tpu.memory_space<vmem>>, vector<1x16xf32>,
      %swap3A_78 = vector.shape_cast %swap3A_77 : vector<1x16xf32> to vector<16xf32>
      %swap3A_79 = vector.shape_cast %broadcast_in_dim3A_5 : vector<16xf32> to vector<1x16xf32>
      tpu.vector_store %arg7[%swap3A_75, %swap3A_76], %swap3A_79 {strides = array<i32>} : memref<128x128xf32, #tpu.memory_space<vmem>>, vector<1x16xf32>,
      %swap3A_80 = arith.index_cast %scan3A_44 : i32 to index
      %swap3A_81 = arith.constant 112 : index
      %swap3A_82 = tpu.vector_load %arg7[%swap3A_80, %swap3A_81] {strides = array<i32>} : memref<128x128xf32, #tpu.memory_space<vmem>>, vector<1x16xf32>,
      %swap3A_83 = vector.shape_cast %swap3A_82 : vector<1x16xf32> to vector<16xf32>
      %swap3A_84 = vector.shape_cast %broadcast_in_dim3A_5 : vector<16xf32> to vector<1x16xf32>
      tpu.vector_store %arg7[%swap3A_80, %swap3A_81], %swap3A_84 {strides = array<i32>} : memref<128x128xf32, #tpu.memory_space<vmem>>, vector<1x16xf32>,
      %scan3A_85 = arith.constant 0 : i32
      scf.yield %scan3A_85 : i32
    }
    %scan3A_11 = arith.constant 128 : i32
    %mul3A_12 = arith.constant 640 : i32
    %mul3A_13 = arith.muli %arg1, %mul3A_12 : i32
    %add3A_14 = arith.constant 0 : i32
    %add3A_15 = arith.addi %mul3A_13, %add3A_14 : i32
    "tpu.region"() ({
      %run_scoped3A = tpu.sem_alloc : memref<!tpu.dma_semaphore, #tpu.memory_space<semaphore_mem>>
      %dma_start3A = arith.constant 0 : i32
      %dma_start3A_44 = tpu.memref_slice %arg5[%add3A_15, %dma_start3A] : memref<10240x128xf32, #tpu.memory_space<vmem_shared>> -> memref<128x128xf32, #tpu.memory_space<vmem_shared>>
      %dma_start3A_45 = arith.constant 0 : i32
      %dma_start3A_46 = tpu.memref_slice %arg5[%add3A_15, %dma_start3A_45] : memref<10240x128xf32, #tpu.memory_space<vmem_shared>> -> memref<128x128xf32, #tpu.memory_space<vmem_shared>>
      tpu.enqueue_dma source(%arg7 : memref<128x128xf32, #tpu.memory_space<vmem>>) target(%dma_start3A_46 : memref<128x128xf32, #tpu.memory_space<vmem_shared>>) target_semaphore(%run_scoped3A : memref<!tpu.dma_semaphore, #tpu.memory_space<semaphore_mem>>)
      %dma_wait3A = arith.constant 0 : i32
      %dma_wait3A_47 = tpu.memref_slice %arg5[%add3A_15, %dma_wait3A] : memref<10240x128xf32, #tpu.memory_space<vmem_shared>> -> memref<128x128xf32, #tpu.memory_space<vmem_shared>>
      %dma_wait3A_48 = arith.constant 0 : i32
      %dma_wait3A_49 = tpu.memref_slice %arg5[%add3A_15, %dma_wait3A_48] : memref<10240x128xf32, #tpu.memory_space<vmem_shared>> -> memref<128x128xf32, #tpu.memory_space<vmem_shared>>
      tpu.wait_dma2 semaphore(%run_scoped3A : memref<!tpu.dma_semaphore, #tpu.memory_space<semaphore_mem>>) src(%arg7 : memref<128x128xf32, #tpu.memory_space<vmem>>) dst(%dma_wait3A_49 : memref<128x128xf32, #tpu.memory_space<vmem_shared>>)
      tpu.yield
    }) : () -> ()
    %mul3A_16 = arith.constant 640 : i32
    %mul3A_17 = arith.muli %arg1, %mul3A_16 : i32
    %add3A_18 = arith.constant 128 : i32
    %add3A_19 = arith.addi %mul3A_17, %add3A_18 : i32
    "tpu.region"() ({
      %run_scoped3A = tpu.sem_alloc : memref<!tpu.dma_semaphore, #tpu.memory_space<semaphore_mem>>
      %dma_start3A = arith.constant 0 : i32
      %dma_start3A_44 = tpu.memref_slice %arg5[%add3A_19, %dma_start3A] : memref<10240x128xf32, #tpu.memory_space<vmem_shared>> -> memref<128x128xf32, #tpu.memory_space<vmem_shared>>
      %dma_start3A_45 = arith.constant 0 : i32
      %dma_start3A_46 = tpu.memref_slice %arg5[%add3A_19, %dma_start3A_45] : memref<10240x128xf32, #tpu.memory_space<vmem_shared>> -> memref<128x128xf32, #tpu.memory_space<vmem_shared>>
      tpu.enqueue_dma source(%arg7 : memref<128x128xf32, #tpu.memory_space<vmem>>) target(%dma_start3A_46 : memref<128x128xf32, #tpu.memory_space<vmem_shared>>) target_semaphore(%run_scoped3A : memref<!tpu.dma_semaphore, #tpu.memory_space<semaphore_mem>>)
      %dma_wait3A = arith.constant 0 : i32
      %dma_wait3A_47 = tpu.memref_slice %arg5[%add3A_19, %dma_wait3A] : memref<10240x128xf32, #tpu.memory_space<vmem_shared>> -> memref<128x128xf32, #tpu.memory_space<vmem_shared>>
      %dma_wait3A_48 = arith.constant 0 : i32
      %dma_wait3A_49 = tpu.memref_slice %arg5[%add3A_19, %dma_wait3A_48] : memref<10240x128xf32, #tpu.memory_space<vmem_shared>> -> memref<128x128xf32, #tpu.memory_space<vmem_shared>>
      tpu.wait_dma2 semaphore(%run_scoped3A : memref<!tpu.dma_semaphore, #tpu.memory_space<semaphore_mem>>) src(%arg7 : memref<128x128xf32, #tpu.memory_space<vmem>>) dst(%dma_wait3A_49 : memref<128x128xf32, #tpu.memory_space<vmem_shared>>)
      tpu.yield
    }) : () -> ()
    %mul3A_20 = arith.constant 640 : i32
    %mul3A_21 = arith.muli %arg1, %mul3A_20 : i32
    %add3A_22 = arith.constant 256 : i32
    %add3A_23 = arith.addi %mul3A_21, %add3A_22 : i32
    "tpu.region"() ({
      %run_scoped3A = tpu.sem_alloc : memref<!tpu.dma_semaphore, #tpu.memory_space<semaphore_mem>>
      %dma_start3A = arith.constant 0 : i32
      %dma_start3A_44 = tpu.memref_slice %arg5[%add3A_23, %dma_start3A] : memref<10240x128xf32, #tpu.memory_space<vmem_shared>> -> memref<128x128xf32, #tpu.memory_space<vmem_shared>>
      %dma_start3A_45 = arith.constant 0 : i32
      %dma_start3A_46 = tpu.memref_slice %arg5[%add3A_23, %dma_start3A_45] : memref<10240x128xf32, #tpu.memory_space<vmem_shared>> -> memref<128x128xf32, #tpu.memory_space<vmem_shared>>
      tpu.enqueue_dma source(%arg7 : memref<128x128xf32, #tpu.memory_space<vmem>>) target(%dma_start3A_46 : memref<128x128xf32, #tpu.memory_space<vmem_shared>>) target_semaphore(%run_scoped3A : memref<!tpu.dma_semaphore, #tpu.memory_space<semaphore_mem>>)
      %dma_wait3A = arith.constant 0 : i32
      %dma_wait3A_47 = tpu.memref_slice %arg5[%add3A_23, %dma_wait3A] : memref<10240x128xf32, #tpu.memory_space<vmem_shared>> -> memref<128x128xf32, #tpu.memory_space<vmem_shared>>
      %dma_wait3A_48 = arith.constant 0 : i32
      %dma_wait3A_49 = tpu.memref_slice %arg5[%add3A_23, %dma_wait3A_48] : memref<10240x128xf32, #tpu.memory_space<vmem_shared>> -> memref<128x128xf32, #tpu.memory_space<vmem_shared>>
      tpu.wait_dma2 semaphore(%run_scoped3A : memref<!tpu.dma_semaphore, #tpu.memory_space<semaphore_mem>>) src(%arg7 : memref<128x128xf32, #tpu.memory_space<vmem>>) dst(%dma_wait3A_49 : memref<128x128xf32, #tpu.memory_space<vmem_shared>>)
      tpu.yield
    }) : () -> ()
    %mul3A_24 = arith.constant 640 : i32
    %mul3A_25 = arith.muli %arg1, %mul3A_24 : i32
    %add3A_26 = arith.constant 384 : i32
    %add3A_27 = arith.addi %mul3A_25, %add3A_26 : i32
    "tpu.region"() ({
      %run_scoped3A = tpu.sem_alloc : memref<!tpu.dma_semaphore, #tpu.memory_space<semaphore_mem>>
      %dma_start3A = arith.constant 0 : i32
      %dma_start3A_44 = tpu.memref_slice %arg5[%add3A_27, %dma_start3A] : memref<10240x128xf32, #tpu.memory_space<vmem_shared>> -> memref<128x128xf32, #tpu.memory_space<vmem_shared>>
      %dma_start3A_45 = arith.constant 0 : i32
      %dma_start3A_46 = tpu.memref_slice %arg5[%add3A_27, %dma_start3A_45] : memref<10240x128xf32, #tpu.memory_space<vmem_shared>> -> memref<128x128xf32, #tpu.memory_space<vmem_shared>>
      tpu.enqueue_dma source(%arg7 : memref<128x128xf32, #tpu.memory_space<vmem>>) target(%dma_start3A_46 : memref<128x128xf32, #tpu.memory_space<vmem_shared>>) target_semaphore(%run_scoped3A : memref<!tpu.dma_semaphore, #tpu.memory_space<semaphore_mem>>)
      %dma_wait3A = arith.constant 0 : i32
      %dma_wait3A_47 = tpu.memref_slice %arg5[%add3A_27, %dma_wait3A] : memref<10240x128xf32, #tpu.memory_space<vmem_shared>> -> memref<128x128xf32, #tpu.memory_space<vmem_shared>>
      %dma_wait3A_48 = arith.constant 0 : i32
      %dma_wait3A_49 = tpu.memref_slice %arg5[%add3A_27, %dma_wait3A_48] : memref<10240x128xf32, #tpu.memory_space<vmem_shared>> -> memref<128x128xf32, #tpu.memory_space<vmem_shared>>
      tpu.wait_dma2 semaphore(%run_scoped3A : memref<!tpu.dma_semaphore, #tpu.memory_space<semaphore_mem>>) src(%arg7 : memref<128x128xf32, #tpu.memory_space<vmem>>) dst(%dma_wait3A_49 : memref<128x128xf32, #tpu.memory_space<vmem_shared>>)
      tpu.yield
    }) : () -> ()
    %mul3A_28 = arith.constant 640 : i32
    %mul3A_29 = arith.muli %arg1, %mul3A_28 : i32
    %add3A_30 = arith.constant 512 : i32
    %add3A_31 = arith.addi %mul3A_29, %add3A_30 : i32
    "tpu.region"() ({
      %run_scoped3A = tpu.sem_alloc : memref<!tpu.dma_semaphore, #tpu.memory_space<semaphore_mem>>
      %dma_start3A = arith.constant 0 : i32
      %dma_start3A_44 = tpu.memref_slice %arg5[%add3A_31, %dma_start3A] : memref<10240x128xf32, #tpu.memory_space<vmem_shared>> -> memref<128x128xf32, #tpu.memory_space<vmem_shared>>
      %dma_start3A_45 = arith.constant 0 : i32
      %dma_start3A_46 = tpu.memref_slice %arg5[%add3A_31, %dma_start3A_45] : memref<10240x128xf32, #tpu.memory_space<vmem_shared>> -> memref<128x128xf32, #tpu.memory_space<vmem_shared>>
      tpu.enqueue_dma source(%arg7 : memref<128x128xf32, #tpu.memory_space<vmem>>) target(%dma_start3A_46 : memref<128x128xf32, #tpu.memory_space<vmem_shared>>) target_semaphore(%run_scoped3A : memref<!tpu.dma_semaphore, #tpu.memory_space<semaphore_mem>>)
      %dma_wait3A = arith.constant 0 : i32
      %dma_wait3A_47 = tpu.memref_slice %arg5[%add3A_31, %dma_wait3A] : memref<10240x128xf32, #tpu.memory_space<vmem_shared>> -> memref<128x128xf32, #tpu.memory_space<vmem_shared>>
      %dma_wait3A_48 = arith.constant 0 : i32
      %dma_wait3A_49 = tpu.memref_slice %arg5[%add3A_31, %dma_wait3A_48] : memref<10240x128xf32, #tpu.memory_space<vmem_shared>> -> memref<128x128xf32, #tpu.memory_space<vmem_shared>>
      tpu.wait_dma2 semaphore(%run_scoped3A : memref<!tpu.dma_semaphore, #tpu.memory_space<semaphore_mem>>) src(%arg7 : memref<128x128xf32, #tpu.memory_space<vmem>>) dst(%dma_wait3A_49 : memref<128x128xf32, #tpu.memory_space<vmem_shared>>)
      tpu.yield
    }) : () -> ()
    "tpu.region"() ({
      %run_scoped3A = tpu.sem_alloc : memref<!tpu.dma_semaphore, #tpu.memory_space<semaphore_mem>>
      %dma_start3A = arith.constant 0 : i32
      %dma_start3A_44 = arith.constant 0 : i32
      %dma_start3A_45 = tpu.memref_slice %arg3[%mul3A_2, %dma_start3A, %dma_start3A_44] : memref<1280x1x128xi32, #tpu.memory_space<hbm>> -> memref<40x1x128xi32, #tpu.memory_space<hbm>>
      %dma_start3A_46 = arith.constant 0 : i32
      %dma_start3A_47 = arith.constant 0 : i32
      %dma_start3A_48 = tpu.memref_slice %arg3[%mul3A_2, %dma_start3A_46, %dma_start3A_47] : memref<1280x1x128xi32, #tpu.memory_space<hbm>> -> memref<40x1x128xi32, #tpu.memory_space<hbm>>
      tpu.enqueue_dma source(%dma_start3A_48 : memref<40x1x128xi32, #tpu.memory_space<hbm>>) target(%arg6 : memref<40x1x128xi32, #tpu.memory_space<vmem>>) target_semaphore(%run_scoped3A : memref<!tpu.dma_semaphore, #tpu.memory_space<semaphore_mem>>)
      %dma_wait3A = arith.constant 0 : i32
      %dma_wait3A_49 = arith.constant 0 : i32
      %dma_wait3A_50 = tpu.memref_slice %arg3[%mul3A_2, %dma_wait3A, %dma_wait3A_49] : memref<1280x1x128xi32, #tpu.memory_space<hbm>> -> memref<40x1x128xi32, #tpu.memory_space<hbm>>
      %dma_wait3A_51 = arith.constant 0 : i32
      %dma_wait3A_52 = arith.constant 0 : i32
      %dma_wait3A_53 = tpu.memref_slice %arg3[%mul3A_2, %dma_wait3A_51, %dma_wait3A_52] : memref<1280x1x128xi32, #tpu.memory_space<hbm>> -> memref<40x1x128xi32, #tpu.memory_space<hbm>>
      tpu.wait_dma2 semaphore(%run_scoped3A : memref<!tpu.dma_semaphore, #tpu.memory_space<semaphore_mem>>) src(%dma_wait3A_53 : memref<40x1x128xi32, #tpu.memory_space<hbm>>) dst(%arg6 : memref<40x1x128xi32, #tpu.memory_space<vmem>>)
      tpu.yield
    }) : () -> ()
    %barrier3A = arith.constant 0 : index
    tpu.barrier barrier_id(%barrier3A)
    %scan3A_32 = arith.constant 0 : i32
    %scan3A_33 = arith.constant 0 : i32
    %scan3A_34 = arith.constant 21 : i32
    %scan3A_35 = arith.addi %scan3A_33, %scan3A_34 : i32
    %scan3A_36 = arith.constant 1 : i32
    %scan3A_37 = scf.for %scan3A_44 = %scan3A_33 to %scan3A_35 step %scan3A_36 iter_args(%scan3A_45 = %scan3A_32) -> (i32)  : i32 {
      %mul3A_46 = arith.constant 2 : i32
      %mul3A_47 = arith.muli %scan3A_44, %mul3A_46 : i32
      %add3A_48 = arith.constant 0 : i32
      %add3A_49 = arith.addi %mul3A_47, %add3A_48 : i32
      %ge3A = arith.constant 2 : i32
      %ge3A_50 = arith.cmpi sge, %add3A_49, %ge3A : i32
      %sub3A_51 = arith.constant 2 : i32
      %sub3A_52 = arith.subi %add3A_49, %sub3A_51 : i32
      %lt3A = arith.cmpi slt, %sub3A_52, %min3A : i32
      %and3A = arith.andi %ge3A_50, %lt3A : i1
      %convert_element_type3A = arith.extui %and3A : i1 to i32
      %cond3A = arith.constant 0 : i32
      %cond3A_53 = arith.cmpi ne, %convert_element_type3A, %cond3A : i32
      scf.if %cond3A_53 {
        %sub3A_94 = arith.constant 2 : i32
        %sub3A_95 = arith.subi %add3A_49, %sub3A_94 : i32
        %dma_wait3A = arith.constant 0 : i32
        %dma_wait3A_96 = arith.constant 0 : i32
        %dma_wait3A_97 = tpu.memref_slice %arg6[%sub3A_95, %dma_wait3A, %dma_wait3A_96] : memref<40x1x128xi32, #tpu.memory_space<vmem>> -> memref<1x1x128xi32, #tpu.memory_space<vmem>>
        %dma_wait3A_98 = tpu.memref_squeeze %dma_wait3A_97 : memref<1x1x128xi32, #tpu.memory_space<vmem>> -> memref<128xi32, #tpu.memory_space<vmem>>
        %dma_wait3A_99 = arith.constant 0 : i32
        %dma_wait3A_100 = arith.constant 0 : i32
        %dma_wait3A_101 = tpu.memref_slice %arg5[%dma_wait3A_99, %dma_wait3A_100] : memref<10240x128xf32, #tpu.memory_space<vmem_shared>> -> memref<10240x128xf32, #tpu.memory_space<vmem_shared>>
        tpu.wait_indirect_dma semaphore(%arg11 : memref<!tpu.dma_semaphore, #tpu.memory_space<semaphore_mem>>) src(%arg7 : memref<128x128xf32, #tpu.memory_space<vmem>>) dst(%dma_wait3A_101 : memref<10240x128xf32, #tpu.memory_space<vmem_shared>>)
      } else {
      }
      %lt3A_54 = arith.cmpi slt, %add3A_49, %min3A : i32
      %convert_element_type3A_55 = arith.extui %lt3A_54 : i1 to i32
      %cond3A_56 = arith.constant 0 : i32
      %cond3A_57 = arith.cmpi ne, %convert_element_type3A_55, %cond3A_56 : i32
      scf.if %cond3A_57 {
        %add3A_94 = arith.addi %mul3A_2, %add3A_49 : i32
        %mul3A_95 = arith.constant 128 : i32
        %mul3A_96 = arith.muli %add3A_94, %mul3A_95 : i32
        %dma_start3A = arith.constant 0 : i32
        %dma_start3A_97 = tpu.memref_slice %arg2[%mul3A_96, %dma_start3A] : memref<160000x128xf32, #tpu.memory_space<hbm>> -> memref<128x128xf32, #tpu.memory_space<hbm>>
        %dma_start3A_98 = arith.constant 0 : i32
        %dma_start3A_99 = tpu.memref_slice %arg2[%mul3A_96, %dma_start3A_98] : memref<160000x128xf32, #tpu.memory_space<hbm>> -> memref<128x128xf32, #tpu.memory_space<hbm>>
        tpu.enqueue_dma source(%dma_start3A_99 : memref<128x128xf32, #tpu.memory_space<hbm>>) target(%arg7 : memref<128x128xf32, #tpu.memory_space<vmem>>) target_semaphore(%arg9 : memref<!tpu.dma_semaphore, #tpu.memory_space<semaphore_mem>>)
      } else {
      }
      %ge3A_58 = arith.constant 1 : i32
      %ge3A_59 = arith.cmpi sge, %add3A_49, %ge3A_58 : i32
      %sub3A_60 = arith.constant 1 : i32
      %sub3A_61 = arith.subi %add3A_49, %sub3A_60 : i32
      %lt3A_62 = arith.cmpi slt, %sub3A_61, %min3A : i32
      %and3A_63 = arith.andi %ge3A_59, %lt3A_62 : i1
      %convert_element_type3A_64 = arith.extui %and3A_63 : i1 to i32
      %cond3A_65 = arith.constant 0 : i32
      %cond3A_66 = arith.cmpi ne, %convert_element_type3A_64, %cond3A_65 : i32
      scf.if %cond3A_66 {
        %sub3A_94 = arith.constant 1 : i32
        %sub3A_95 = arith.subi %add3A_49, %sub3A_94 : i32
        %add3A_96 = arith.addi %mul3A_2, %sub3A_95 : i32
        %mul3A_97 = arith.constant 128 : i32
        %mul3A_98 = arith.muli %add3A_96, %mul3A_97 : i32
        %dma_wait3A = arith.constant 0 : i32
        %dma_wait3A_99 = tpu.memref_slice %arg2[%mul3A_98, %dma_wait3A] : memref<160000x128xf32, #tpu.memory_space<hbm>> -> memref<128x128xf32, #tpu.memory_space<hbm>>
        %dma_wait3A_100 = arith.constant 0 : i32
        %dma_wait3A_101 = tpu.memref_slice %arg2[%mul3A_98, %dma_wait3A_100] : memref<160000x128xf32, #tpu.memory_space<hbm>> -> memref<128x128xf32, #tpu.memory_space<hbm>>
        tpu.wait_dma2 semaphore(%arg10 : memref<!tpu.dma_semaphore, #tpu.memory_space<semaphore_mem>>) src(%dma_wait3A_101 : memref<128x128xf32, #tpu.memory_space<hbm>>) dst(%arg8 : memref<128x128xf32, #tpu.memory_space<vmem>>)
        %sub3A_102 = arith.constant 1 : i32
        %sub3A_103 = arith.subi %add3A_49, %sub3A_102 : i32
        %dma_start3A = arith.constant 0 : i32
        %dma_start3A_104 = arith.constant 0 : i32
        %dma_start3A_105 = tpu.memref_slice %arg6[%sub3A_103, %dma_start3A, %dma_start3A_104] : memref<40x1x128xi32, #tpu.memory_space<vmem>> -> memref<1x1x128xi32, #tpu.memory_space<vmem>>
        %dma_start3A_106 = tpu.memref_squeeze %dma_start3A_105 : memref<1x1x128xi32, #tpu.memory_space<vmem>> -> memref<128xi32, #tpu.memory_space<vmem>>
        %dma_start3A_107 = arith.constant 0 : i32
        %dma_start3A_108 = arith.constant 0 : i32
        %dma_start3A_109 = tpu.memref_slice %arg5[%dma_start3A_107, %dma_start3A_108] : memref<10240x128xf32, #tpu.memory_space<vmem_shared>> -> memref<10240x128xf32, #tpu.memory_space<vmem_shared>>
        tpu.enqueue_indirect_dma source(%arg8 : memref<128x128xf32, #tpu.memory_space<vmem>>) target(%dma_start3A_109 : memref<10240x128xf32, #tpu.memory_space<vmem_shared>>) offsets(%dma_start3A_106 : memref<128xi32, #tpu.memory_space<vmem>>) semaphore(%arg12 : memref<!tpu.dma_semaphore, #tpu.memory_space<semaphore_mem>>) {add = true}
      } else {
      }
      %mul3A_67 = arith.constant 2 : i32
      %mul3A_68 = arith.muli %scan3A_44, %mul3A_67 : i32
      %add3A_69 = arith.constant 1 : i32
      %add3A_70 = arith.addi %mul3A_68, %add3A_69 : i32
      %ge3A_71 = arith.constant 2 : i32
      %ge3A_72 = arith.cmpi sge, %add3A_70, %ge3A_71 : i32
      %sub3A_73 = arith.constant 2 : i32
      %sub3A_74 = arith.subi %add3A_70, %sub3A_73 : i32
      %lt3A_75 = arith.cmpi slt, %sub3A_74, %min3A : i32
      %and3A_76 = arith.andi %ge3A_72, %lt3A_75 : i1
      %convert_element_type3A_77 = arith.extui %and3A_76 : i1 to i32
      %cond3A_78 = arith.constant 0 : i32
      %cond3A_79 = arith.cmpi ne, %convert_element_type3A_77, %cond3A_78 : i32
      scf.if %cond3A_79 {
        %sub3A_94 = arith.constant 2 : i32
        %sub3A_95 = arith.subi %add3A_70, %sub3A_94 : i32
        %dma_wait3A = arith.constant 0 : i32
        %dma_wait3A_96 = arith.constant 0 : i32
        %dma_wait3A_97 = tpu.memref_slice %arg6[%sub3A_95, %dma_wait3A, %dma_wait3A_96] : memref<40x1x128xi32, #tpu.memory_space<vmem>> -> memref<1x1x128xi32, #tpu.memory_space<vmem>>
        %dma_wait3A_98 = tpu.memref_squeeze %dma_wait3A_97 : memref<1x1x128xi32, #tpu.memory_space<vmem>> -> memref<128xi32, #tpu.memory_space<vmem>>
        %dma_wait3A_99 = arith.constant 0 : i32
        %dma_wait3A_100 = arith.constant 0 : i32
        %dma_wait3A_101 = tpu.memref_slice %arg5[%dma_wait3A_99, %dma_wait3A_100] : memref<10240x128xf32, #tpu.memory_space<vmem_shared>> -> memref<10240x128xf32, #tpu.memory_space<vmem_shared>>
        tpu.wait_indirect_dma semaphore(%arg12 : memref<!tpu.dma_semaphore, #tpu.memory_space<semaphore_mem>>) src(%arg8 : memref<128x128xf32, #tpu.memory_space<vmem>>) dst(%dma_wait3A_101 : memref<10240x128xf32, #tpu.memory_space<vmem_shared>>)
      } else {
      }
      %lt3A_80 = arith.cmpi slt, %add3A_70, %min3A : i32
      %convert_element_type3A_81 = arith.extui %lt3A_80 : i1 to i32
      %cond3A_82 = arith.constant 0 : i32
      %cond3A_83 = arith.cmpi ne, %convert_element_type3A_81, %cond3A_82 : i32
      scf.if %cond3A_83 {
        %add3A_94 = arith.addi %mul3A_2, %add3A_70 : i32
        %mul3A_95 = arith.constant 128 : i32
        %mul3A_96 = arith.muli %add3A_94, %mul3A_95 : i32
        %dma_start3A = arith.constant 0 : i32
        %dma_start3A_97 = tpu.memref_slice %arg2[%mul3A_96, %dma_start3A] : memref<160000x128xf32, #tpu.memory_space<hbm>> -> memref<128x128xf32, #tpu.memory_space<hbm>>
        %dma_start3A_98 = arith.constant 0 : i32
        %dma_start3A_99 = tpu.memref_slice %arg2[%mul3A_96, %dma_start3A_98] : memref<160000x128xf32, #tpu.memory_space<hbm>> -> memref<128x128xf32, #tpu.memory_space<hbm>>
        tpu.enqueue_dma source(%dma_start3A_99 : memref<128x128xf32, #tpu.memory_space<hbm>>) target(%arg8 : memref<128x128xf32, #tpu.memory_space<vmem>>) target_semaphore(%arg10 : memref<!tpu.dma_semaphore, #tpu.memory_space<semaphore_mem>>)
      } else {
      }
      %ge3A_84 = arith.constant 1 : i32
      %ge3A_85 = arith.cmpi sge, %add3A_70, %ge3A_84 : i32
      %sub3A_86 = arith.constant 1 : i32
      %sub3A_87 = arith.subi %add3A_70, %sub3A_86 : i32
      %lt3A_88 = arith.cmpi slt, %sub3A_87, %min3A : i32
      %and3A_89 = arith.andi %ge3A_85, %lt3A_88 : i1
      %convert_element_type3A_90 = arith.extui %and3A_89 : i1 to i32
      %cond3A_91 = arith.constant 0 : i32
      %cond3A_92 = arith.cmpi ne, %convert_element_type3A_90, %cond3A_91 : i32
      scf.if %cond3A_92 {
        %sub3A_94 = arith.constant 1 : i32
        %sub3A_95 = arith.subi %add3A_70, %sub3A_94 : i32
        %add3A_96 = arith.addi %mul3A_2, %sub3A_95 : i32
        %mul3A_97 = arith.constant 128 : i32
        %mul3A_98 = arith.muli %add3A_96, %mul3A_97 : i32
        %dma_wait3A = arith.constant 0 : i32
        %dma_wait3A_99 = tpu.memref_slice %arg2[%mul3A_98, %dma_wait3A] : memref<160000x128xf32, #tpu.memory_space<hbm>> -> memref<128x128xf32, #tpu.memory_space<hbm>>
        %dma_wait3A_100 = arith.constant 0 : i32
        %dma_wait3A_101 = tpu.memref_slice %arg2[%mul3A_98, %dma_wait3A_100] : memref<160000x128xf32, #tpu.memory_space<hbm>> -> memref<128x128xf32, #tpu.memory_space<hbm>>
        tpu.wait_dma2 semaphore(%arg9 : memref<!tpu.dma_semaphore, #tpu.memory_space<semaphore_mem>>) src(%dma_wait3A_101 : memref<128x128xf32, #tpu.memory_space<hbm>>) dst(%arg7 : memref<128x128xf32, #tpu.memory_space<vmem>>)
        %sub3A_102 = arith.constant 1 : i32
        %sub3A_103 = arith.subi %add3A_70, %sub3A_102 : i32
        %dma_start3A = arith.constant 0 : i32
        %dma_start3A_104 = arith.constant 0 : i32
        %dma_start3A_105 = tpu.memref_slice %arg6[%sub3A_103, %dma_start3A, %dma_start3A_104] : memref<40x1x128xi32, #tpu.memory_space<vmem>> -> memref<1x1x128xi32, #tpu.memory_space<vmem>>
        %dma_start3A_106 = tpu.memref_squeeze %dma_start3A_105 : memref<1x1x128xi32, #tpu.memory_space<vmem>> -> memref<128xi32, #tpu.memory_space<vmem>>
        %dma_start3A_107 = arith.constant 0 : i32
        %dma_start3A_108 = arith.constant 0 : i32
        %dma_start3A_109 = tpu.memref_slice %arg5[%dma_start3A_107, %dma_start3A_108] : memref<10240x128xf32, #tpu.memory_space<vmem_shared>> -> memref<10240x128xf32, #tpu.memory_space<vmem_shared>>
        tpu.enqueue_indirect_dma source(%arg7 : memref<128x128xf32, #tpu.memory_space<vmem>>) target(%dma_start3A_109 : memref<10240x128xf32, #tpu.memory_space<vmem_shared>>) offsets(%dma_start3A_106 : memref<128xi32, #tpu.memory_space<vmem>>) semaphore(%arg11 : memref<!tpu.dma_semaphore, #tpu.memory_space<semaphore_mem>>) {add = true}
      } else {
      }
      %scan3A_93 = arith.constant 0 : i32
      scf.yield %scan3A_93 : i32
    }
    %scan3A_38 = arith.constant 21 : i32
    %barrier3A_39 = arith.constant 0 : index
    tpu.barrier barrier_id(%barrier3A_39)
    %mul3A_40 = arith.constant 640 : i32
    %mul3A_41 = arith.muli %arg1, %mul3A_40 : i32
    %mul3A_42 = arith.constant 640 : i32
    %mul3A_43 = arith.muli %arg1, %mul3A_42 : i32
    "tpu.region"() ({
      %run_scoped3A = tpu.sem_alloc : memref<!tpu.dma_semaphore, #tpu.memory_space<semaphore_mem>>
      %dma_start3A = arith.constant 0 : i32
      %dma_start3A_44 = tpu.memref_slice %arg4[%arg0, %mul3A_43, %dma_start3A] : memref<2x10240x128xf32, #tpu.memory_space<hbm>> -> memref<1x640x128xf32, #tpu.memory_space<hbm>>
      %dma_start3A_45 = tpu.memref_squeeze %dma_start3A_44 : memref<1x640x128xf32, #tpu.memory_space<hbm>> -> memref<640x128xf32, #tpu.memory_space<hbm>>
      %dma_start3A_46 = arith.constant 0 : i32
      %dma_start3A_47 = tpu.memref_slice %arg5[%mul3A_41, %dma_start3A_46] : memref<10240x128xf32, #tpu.memory_space<vmem_shared>> -> memref<640x128xf32, #tpu.memory_space<vmem_shared>>
      tpu.enqueue_dma source(%dma_start3A_47 : memref<640x128xf32, #tpu.memory_space<vmem_shared>>) target(%dma_start3A_45 : memref<640x128xf32, #tpu.memory_space<hbm>>) target_semaphore(%run_scoped3A : memref<!tpu.dma_semaphore, #tpu.memory_space<semaphore_mem>>)
      %dma_wait3A = arith.constant 0 : i32
      %dma_wait3A_48 = tpu.memref_slice %arg4[%arg0, %mul3A_43, %dma_wait3A] : memref<2x10240x128xf32, #tpu.memory_space<hbm>> -> memref<1x640x128xf32, #tpu.memory_space<hbm>>
      %dma_wait3A_49 = tpu.memref_squeeze %dma_wait3A_48 : memref<1x640x128xf32, #tpu.memory_space<hbm>> -> memref<640x128xf32, #tpu.memory_space<hbm>>
      %dma_wait3A_50 = arith.constant 0 : i32
      %dma_wait3A_51 = tpu.memref_slice %arg5[%mul3A_41, %dma_wait3A_50] : memref<10240x128xf32, #tpu.memory_space<vmem_shared>> -> memref<640x128xf32, #tpu.memory_space<vmem_shared>>
      tpu.wait_dma2 semaphore(%run_scoped3A : memref<!tpu.dma_semaphore, #tpu.memory_space<semaphore_mem>>) src(%dma_wait3A_51 : memref<640x128xf32, #tpu.memory_space<vmem_shared>>) dst(%dma_wait3A_49 : memref<640x128xf32, #tpu.memory_space<hbm>>)
      tpu.yield
    }) : () -> ()
    return
  }
}

module attributes {stable_mosaic.version = 14 : i64} {
  func.func @_fc_body(%arg0: i32, %arg1: memref<2000x128xf32, #tpu.memory_space<vmem>>, %arg2: memref<2000x128xf32, #tpu.memory_space<vmem>>, %arg3: memref<2000x128xf32, #tpu.memory_space<vmem>>, %arg4: memref<128x128xf32, #tpu.memory_space<vmem>>, %arg5: memref<128xf32, #tpu.memory_space<vmem>>, %arg6: memref<2000x128xf32, #tpu.memory_space<vmem>>) attributes {dimension_semantics = [#tpu.dimension_semantics<arbitrary>], iteration_bounds = array<i64: 80>, scalar_prefetch = 0 : i64, scratch_operands = 0 : i64, tpu.core_type = #tpu.core_type<tc>, window_params = [{transform_indices = @transform_0, window_bounds = array<i64: 2000, 128>}, {transform_indices = @transform_1, window_bounds = array<i64: 2000, 128>}, {transform_indices = @transform_2, window_bounds = array<i64: 2000, 128>}, {pipeline_mode = #tpu.pipeline_mode<synchronous>, transform_indices = @transform_3, window_bounds = array<i64: 128, 128>}, {pipeline_mode = #tpu.pipeline_mode<synchronous>, transform_indices = @transform_4, window_bounds = array<i64: 128>}, {transform_indices = @transform_5, window_bounds = array<i64: 2000, 128>}]} {
    %get3A = arith.constant 0 : index
    %get3A_0 = arith.constant 0 : index
    %get3A_1 = vector.load %arg1[%get3A, %get3A_0] : memref<2000x128xf32, #tpu.memory_space<vmem>>, vector<2000x128xf32>
    %get3A_2 = arith.constant 0 : index
    %get3A_3 = arith.constant 0 : index
    %get3A_4 = vector.load %arg4[%get3A_2, %get3A_3] : memref<128x128xf32, #tpu.memory_space<vmem>>, vector<128x128xf32>
    %dot_general3A = arith.constant dense<0.000000e+00> : vector<2000x128xf32>
    %dot_general3A_5 = tpu.matmul %get3A_1, %get3A_4, %dot_general3A {dimension_numbers = #tpu.dot_dimension_numbers<[1], [1], [0], [0], [0, 0, 1, 0], [], []>, transpose_lhs_hint = false} : vector<2000x128xf32>, vector<128x128xf32>, vector<2000x128xf32> -> vector<2000x128xf32>
    %get3A_6 = arith.constant 0 : index
    %get3A_7 = vector.load %arg5[%get3A_6] : memref<128xf32, #tpu.memory_space<vmem>>, vector<128xf32>
    %broadcast_in_dim3A = vector.shape_cast %get3A_7 : vector<128xf32> to vector<1x128xf32>
    %add3A = vector.broadcast %broadcast_in_dim3A : vector<1x128xf32> to vector<2000x128xf32>
    %add3A_8 = arith.addf %dot_general3A_5, %add3A : vector<2000x128xf32>
    %get3A_9 = arith.constant 0 : index
    %get3A_10 = arith.constant 0 : index
    %get3A_11 = vector.load %arg2[%get3A_9, %get3A_10] : memref<2000x128xf32, #tpu.memory_space<vmem>>, vector<2000x128xf32>
    %add3A_12 = arith.addf %add3A_8, %get3A_11 : vector<2000x128xf32>
    %get3A_13 = arith.constant 0 : index
    %get3A_14 = arith.constant 0 : index
    %get3A_15 = vector.load %arg3[%get3A_13, %get3A_14] : memref<2000x128xf32, #tpu.memory_space<vmem>>, vector<2000x128xf32>
    %logistic3A = arith.negf %add3A_12 : vector<2000x128xf32>
    %logistic3A_16 = math.exp %logistic3A : vector<2000x128xf32>
    %logistic3A_17 = arith.constant 1.000000e+00 : f32
    %logistic3A_18 = vector.broadcast %logistic3A_17 : f32 to vector<2000x128xf32>
    %logistic3A_19 = arith.addf %logistic3A_18, %logistic3A_16 : vector<2000x128xf32>
    %logistic3A_20 = arith.divf %logistic3A_18, %logistic3A_19 : vector<2000x128xf32>
    %mul3A = arith.mulf %get3A_15, %logistic3A_20 : vector<2000x128xf32>
    %swap3A = arith.constant 0 : index
    %swap3A_21 = arith.constant 0 : index
    %swap3A_22 = vector.load %arg6[%swap3A, %swap3A_21] : memref<2000x128xf32, #tpu.memory_space<vmem>>, vector<2000x128xf32>
    tpu.vector_store %arg6[%swap3A, %swap3A_21], %mul3A {strides = array<i32>} : memref<2000x128xf32, #tpu.memory_space<vmem>>, vector<2000x128xf32>,
    return
  }
  func.func @transform_0(%arg0: i32) -> (i32, i32) {
    %add3A = arith.constant 80 : i32
    %add3A_0 = arith.addi %arg0, %add3A : i32
    %c0_i32 = arith.constant 0 : i32
    %c0_i32_1 = arith.constant 0 : i32
    return %add3A_0, %c0_i32 : i32, i32
  }
  func.func @transform_1(%arg0: i32) -> (i32, i32) {
    %add3A = arith.constant 80 : i32
    %add3A_0 = arith.addi %arg0, %add3A : i32
    %c0_i32 = arith.constant 0 : i32
    %c0_i32_1 = arith.constant 0 : i32
    return %add3A_0, %c0_i32 : i32, i32
  }
  func.func @transform_2(%arg0: i32) -> (i32, i32) {
    %add3A = arith.constant 80 : i32
    %add3A_0 = arith.addi %arg0, %add3A : i32
    %c0_i32 = arith.constant 0 : i32
    %c0_i32_1 = arith.constant 0 : i32
    return %add3A_0, %c0_i32 : i32, i32
  }
  func.func @transform_3(%arg0: i32) -> (i32, i32) {
    %c0_i32 = arith.constant 0 : i32
    %c0_i32_0 = arith.constant 0 : i32
    %c0_i32_1 = arith.constant 0 : i32
    return %c0_i32, %c0_i32_0 : i32, i32
  }
  func.func @transform_4(%arg0: i32) -> i32 {
    %c0_i32 = arith.constant 0 : i32
    %c0_i32_0 = arith.constant 0 : i32
    return %c0_i32 : i32
  }
  func.func @transform_5(%arg0: i32) -> (i32, i32) {
    %c0_i32 = arith.constant 0 : i32
    %c0_i32_0 = arith.constant 0 : i32
    return %arg0, %c0_i32 : i32, i32
  }
}

module attributes {stable_mosaic.version = 14 : i64} {
  func.func @_proj_body(%arg0: i32, %arg1: memref<1280x128xf32, #tpu.memory_space<vmem>>, %arg2: memref<128x128xf32, #tpu.memory_space<vmem>>, %arg3: memref<128xf32, #tpu.memory_space<vmem>>, %arg4: memref<1280x128xf32, #tpu.memory_space<vmem>>) attributes {dimension_semantics = [#tpu.dimension_semantics<arbitrary>], iteration_bounds = array<i64: 8>, scalar_prefetch = 0 : i64, scratch_operands = 0 : i64, tpu.core_type = #tpu.core_type<tc>, window_params = [{transform_indices = @transform_0, window_bounds = array<i64: 1280, 128>}, {pipeline_mode = #tpu.pipeline_mode<synchronous>, transform_indices = @transform_1, window_bounds = array<i64: 128, 128>}, {pipeline_mode = #tpu.pipeline_mode<synchronous>, transform_indices = @transform_2, window_bounds = array<i64: 128>}, {transform_indices = @transform_3, window_bounds = array<i64: 1280, 128>}]} {
    %get3A = arith.constant 0 : index
    %get3A_0 = arith.constant 0 : index
    %get3A_1 = vector.load %arg1[%get3A, %get3A_0] : memref<1280x128xf32, #tpu.memory_space<vmem>>, vector<1280x128xf32>
    %get3A_2 = arith.constant 0 : index
    %get3A_3 = arith.constant 0 : index
    %get3A_4 = vector.load %arg2[%get3A_2, %get3A_3] : memref<128x128xf32, #tpu.memory_space<vmem>>, vector<128x128xf32>
    %dot_general3A = arith.constant dense<0.000000e+00> : vector<1280x128xf32>
    %dot_general3A_5 = tpu.matmul %get3A_1, %get3A_4, %dot_general3A {dimension_numbers = #tpu.dot_dimension_numbers<[1], [1], [0], [0], [0, 0, 1, 0], [], []>, transpose_lhs_hint = false} : vector<1280x128xf32>, vector<128x128xf32>, vector<1280x128xf32> -> vector<1280x128xf32>
    %get3A_6 = arith.constant 0 : index
    %get3A_7 = vector.load %arg3[%get3A_6] : memref<128xf32, #tpu.memory_space<vmem>>, vector<128xf32>
    %broadcast_in_dim3A = vector.shape_cast %get3A_7 : vector<128xf32> to vector<1x128xf32>
    %add3A = vector.broadcast %broadcast_in_dim3A : vector<1x128xf32> to vector<1280x128xf32>
    %add3A_8 = arith.addf %dot_general3A_5, %add3A : vector<1280x128xf32>
    %swap3A = arith.constant 0 : index
    %swap3A_9 = arith.constant 0 : index
    %swap3A_10 = vector.load %arg4[%swap3A, %swap3A_9] : memref<1280x128xf32, #tpu.memory_space<vmem>>, vector<1280x128xf32>
    tpu.vector_store %arg4[%swap3A, %swap3A_9], %add3A_8 {strides = array<i32>} : memref<1280x128xf32, #tpu.memory_space<vmem>>, vector<1280x128xf32>,
    return
  }
  func.func @transform_0(%arg0: i32) -> (i32, i32) {
    %c0_i32 = arith.constant 0 : i32
    %c0_i32_0 = arith.constant 0 : i32
    return %arg0, %c0_i32 : i32, i32
  }
  func.func @transform_1(%arg0: i32) -> (i32, i32) {
    %c0_i32 = arith.constant 0 : i32
    %c0_i32_0 = arith.constant 0 : i32
    %c0_i32_1 = arith.constant 0 : i32
    return %c0_i32, %c0_i32_0 : i32, i32
  }
  func.func @transform_2(%arg0: i32) -> i32 {
    %c0_i32 = arith.constant 0 : i32
    %c0_i32_0 = arith.constant 0 : i32
    return %c0_i32 : i32
  }
  func.func @transform_3(%arg0: i32) -> (i32, i32) {
    %c0_i32 = arith.constant 0 : i32
    %c0_i32_0 = arith.constant 0 : i32
    return %arg0, %c0_i32 : i32, i32
  }
}

module attributes {stable_mosaic.version = 14 : i64} {
  func.func @_fc_body(%arg0: i32, %arg1: memref<2000x128xf32, #tpu.memory_space<vmem>>, %arg2: memref<2000x128xf32, #tpu.memory_space<vmem>>, %arg3: memref<2000x128xf32, #tpu.memory_space<vmem>>, %arg4: memref<128x128xf32, #tpu.memory_space<vmem>>, %arg5: memref<128xf32, #tpu.memory_space<vmem>>, %arg6: memref<2000x128xf32, #tpu.memory_space<vmem>>) attributes {dimension_semantics = [#tpu.dimension_semantics<arbitrary>], iteration_bounds = array<i64: 80>, scalar_prefetch = 0 : i64, scratch_operands = 0 : i64, tpu.core_type = #tpu.core_type<tc>, window_params = [{transform_indices = @transform_0, window_bounds = array<i64: 2000, 128>}, {transform_indices = @transform_1, window_bounds = array<i64: 2000, 128>}, {transform_indices = @transform_2, window_bounds = array<i64: 2000, 128>}, {pipeline_mode = #tpu.pipeline_mode<synchronous>, transform_indices = @transform_3, window_bounds = array<i64: 128, 128>}, {pipeline_mode = #tpu.pipeline_mode<synchronous>, transform_indices = @transform_4, window_bounds = array<i64: 128>}, {transform_indices = @transform_5, window_bounds = array<i64: 2000, 128>}]} {
    %get3A = arith.constant 0 : index
    %get3A_0 = arith.constant 0 : index
    %get3A_1 = vector.load %arg1[%get3A, %get3A_0] : memref<2000x128xf32, #tpu.memory_space<vmem>>, vector<2000x128xf32>
    %get3A_2 = arith.constant 0 : index
    %get3A_3 = arith.constant 0 : index
    %get3A_4 = vector.load %arg4[%get3A_2, %get3A_3] : memref<128x128xf32, #tpu.memory_space<vmem>>, vector<128x128xf32>
    %dot_general3A = arith.constant dense<0.000000e+00> : vector<2000x128xf32>
    %dot_general3A_5 = tpu.matmul %get3A_1, %get3A_4, %dot_general3A {dimension_numbers = #tpu.dot_dimension_numbers<[1], [1], [0], [0], [0, 0, 1, 0], [], []>, transpose_lhs_hint = false} : vector<2000x128xf32>, vector<128x128xf32>, vector<2000x128xf32> -> vector<2000x128xf32>
    %get3A_6 = arith.constant 0 : index
    %get3A_7 = vector.load %arg5[%get3A_6] : memref<128xf32, #tpu.memory_space<vmem>>, vector<128xf32>
    %broadcast_in_dim3A = vector.shape_cast %get3A_7 : vector<128xf32> to vector<1x128xf32>
    %add3A = vector.broadcast %broadcast_in_dim3A : vector<1x128xf32> to vector<2000x128xf32>
    %add3A_8 = arith.addf %dot_general3A_5, %add3A : vector<2000x128xf32>
    %get3A_9 = arith.constant 0 : index
    %get3A_10 = arith.constant 0 : index
    %get3A_11 = vector.load %arg2[%get3A_9, %get3A_10] : memref<2000x128xf32, #tpu.memory_space<vmem>>, vector<2000x128xf32>
    %add3A_12 = arith.addf %add3A_8, %get3A_11 : vector<2000x128xf32>
    %get3A_13 = arith.constant 0 : index
    %get3A_14 = arith.constant 0 : index
    %get3A_15 = vector.load %arg3[%get3A_13, %get3A_14] : memref<2000x128xf32, #tpu.memory_space<vmem>>, vector<2000x128xf32>
    %logistic3A = arith.negf %add3A_12 : vector<2000x128xf32>
    %logistic3A_16 = math.exp %logistic3A : vector<2000x128xf32>
    %logistic3A_17 = arith.constant 1.000000e+00 : f32
    %logistic3A_18 = vector.broadcast %logistic3A_17 : f32 to vector<2000x128xf32>
    %logistic3A_19 = arith.addf %logistic3A_18, %logistic3A_16 : vector<2000x128xf32>
    %logistic3A_20 = arith.divf %logistic3A_18, %logistic3A_19 : vector<2000x128xf32>
    %mul3A = arith.mulf %get3A_15, %logistic3A_20 : vector<2000x128xf32>
    %swap3A = arith.constant 0 : index
    %swap3A_21 = arith.constant 0 : index
    %swap3A_22 = vector.load %arg6[%swap3A, %swap3A_21] : memref<2000x128xf32, #tpu.memory_space<vmem>>, vector<2000x128xf32>
    tpu.vector_store %arg6[%swap3A, %swap3A_21], %mul3A {strides = array<i32>} : memref<2000x128xf32, #tpu.memory_space<vmem>>, vector<2000x128xf32>,
    return
  }
  func.func @transform_0(%arg0: i32) -> (i32, i32) {
    %add3A = arith.constant 0 : i32
    %add3A_0 = arith.addi %arg0, %add3A : i32
    %c0_i32 = arith.constant 0 : i32
    %c0_i32_1 = arith.constant 0 : i32
    return %add3A_0, %c0_i32 : i32, i32
  }
  func.func @transform_1(%arg0: i32) -> (i32, i32) {
    %add3A = arith.constant 0 : i32
    %add3A_0 = arith.addi %arg0, %add3A : i32
    %c0_i32 = arith.constant 0 : i32
    %c0_i32_1 = arith.constant 0 : i32
    return %add3A_0, %c0_i32 : i32, i32
  }
  func.func @transform_2(%arg0: i32) -> (i32, i32) {
    %add3A = arith.constant 0 : i32
    %add3A_0 = arith.addi %arg0, %add3A : i32
    %c0_i32 = arith.constant 0 : i32
    %c0_i32_1 = arith.constant 0 : i32
    return %add3A_0, %c0_i32 : i32, i32
  }
  func.func @transform_3(%arg0: i32) -> (i32, i32) {
    %c0_i32 = arith.constant 0 : i32
    %c0_i32_0 = arith.constant 0 : i32
    %c0_i32_1 = arith.constant 0 : i32
    return %c0_i32, %c0_i32_0 : i32, i32
  }
  func.func @transform_4(%arg0: i32) -> i32 {
    %c0_i32 = arith.constant 0 : i32
    %c0_i32_0 = arith.constant 0 : i32
    return %c0_i32 : i32
  }
  func.func @transform_5(%arg0: i32) -> (i32, i32) {
    %c0_i32 = arith.constant 0 : i32
    %c0_i32_0 = arith.constant 0 : i32
    return %arg0, %c0_i32 : i32, i32
  }
}

module attributes {stable_mosaic.version = 14 : i64} {
  func.func @_gates_body(%arg0: i32, %arg1: memref<1280x128xf32, #tpu.memory_space<vmem>>, %arg2: memref<2x1280x128xf32, #tpu.memory_space<vmem>>, %arg3: memref<2x1280x128xf32, #tpu.memory_space<vmem>>, %arg4: memref<2x1280x128xf32, #tpu.memory_space<vmem>>, %arg5: memref<128x128xf32, #tpu.memory_space<vmem>>, %arg6: memref<128xf32, #tpu.memory_space<vmem>>, %arg7: memref<128x128xf32, #tpu.memory_space<vmem>>, %arg8: memref<128xf32, #tpu.memory_space<vmem>>, %arg9: memref<128x128xf32, #tpu.memory_space<vmem>>, %arg10: memref<128xf32, #tpu.memory_space<vmem>>, %arg11: memref<128x128xf32, #tpu.memory_space<vmem>>, %arg12: memref<128xf32, #tpu.memory_space<vmem>>, %arg13: memref<128x128xf32, #tpu.memory_space<vmem>>, %arg14: memref<128xf32, #tpu.memory_space<vmem>>, %arg15: memref<128x128xf32, #tpu.memory_space<vmem>>, %arg16: memref<128xf32, #tpu.memory_space<vmem>>, %arg17: memref<128x128xf32, #tpu.memory_space<vmem>>, %arg18: memref<128xf32, #tpu.memory_space<vmem>>, %arg19: memref<1280x128xf32, #tpu.memory_space<vmem>>, %arg20: memref<1280x128xf32, #tpu.memory_space<vmem>>, %arg21: memref<1280x128xf32, #tpu.memory_space<vmem>>) attributes {dimension_semantics = [#tpu.dimension_semantics<arbitrary>], iteration_bounds = array<i64: 8>, scalar_prefetch = 0 : i64, scratch_operands = 0 : i64, tpu.core_type = #tpu.core_type<tc>, window_params = [{transform_indices = @transform_0, window_bounds = array<i64: 1280, 128>}, {transform_indices = @transform_1, window_bounds = array<i64: 2, 1280, 128>}, {transform_indices = @transform_2, window_bounds = array<i64: 2, 1280, 128>}, {transform_indices = @transform_3, window_bounds = array<i64: 2, 1280, 128>}, {pipeline_mode = #tpu.pipeline_mode<synchronous>, transform_indices = @transform_4, window_bounds = array<i64: 128, 128>}, {pipeline_mode = #tpu.pipeline_mode<synchronous>, transform_indices = @transform_5, window_bounds = array<i64: 128>}, {pipeline_mode = #tpu.pipeline_mode<synchronous>, transform_indices = @transform_6, window_bounds = array<i64: 128, 128>}, {pipeline_mode = #tpu.pipeline_mode<synchronous>, transform_indices = @transform_7, window_bounds = array<i64: 128>}, {pipeline_mode = #tpu.pipeline_mode<synchronous>, transform_indices = @transform_8, window_bounds = array<i64: 128, 128>}, {pipeline_mode = #tpu.pipeline_mode<synchronous>, transform_indices = @transform_9, window_bounds = array<i64: 128>}, {pipeline_mode = #tpu.pipeline_mode<synchronous>, transform_indices = @transform_10, window_bounds = array<i64: 128, 128>}, {pipeline_mode = #tpu.pipeline_mode<synchronous>, transform_indices = @transform_11, window_bounds = array<i64: 128>}, {pipeline_mode = #tpu.pipeline_mode<synchronous>, transform_indices = @transform_12, window_bounds = array<i64: 128, 128>}, {pipeline_mode = #tpu.pipeline_mode<synchronous>, transform_indices = @transform_13, window_bounds = array<i64: 128>}, {pipeline_mode = #tpu.pipeline_mode<synchronous>, transform_indices = @transform_14, window_bounds = array<i64: 128, 128>}, {pipeline_mode = #tpu.pipeline_mode<synchronous>, transform_indices = @transform_15, window_bounds = array<i64: 128>}, {pipeline_mode = #tpu.pipeline_mode<synchronous>, transform_indices = @transform_16, window_bounds = array<i64: 128, 128>}, {transform_indices = @transform_17, window_bounds = array<i64: 128>}, {transform_indices = @transform_18, window_bounds = array<i64: 1280, 128>}, {transform_indices = @transform_19, window_bounds = array<i64: 1280, 128>}, {transform_indices = @transform_20, window_bounds = array<i64: 1280, 128>}]} {
    %get3A = arith.constant 0 : index
    %get3A_0 = arith.constant 0 : index
    %get3A_1 = vector.load %arg1[%get3A, %get3A_0] : memref<1280x128xf32, #tpu.memory_space<vmem>>, vector<1280x128xf32>
    %get3A_2 = arith.constant 0 : index
    %get3A_3 = arith.constant 0 : index
    %get3A_4 = arith.constant 0 : index
    %get3A_5 = vector.load %arg2[%get3A_2, %get3A_3, %get3A_4] : memref<2x1280x128xf32, #tpu.memory_space<vmem>>, vector<1x1280x128xf32>
    %get3A_6 = vector.shape_cast %get3A_5 : vector<1x1280x128xf32> to vector<1280x128xf32>
    %get3A_7 = arith.constant 1 : index
    %get3A_8 = arith.constant 0 : index
    %get3A_9 = arith.constant 0 : index
    %get3A_10 = vector.load %arg2[%get3A_7, %get3A_8, %get3A_9] : memref<2x1280x128xf32, #tpu.memory_space<vmem>>, vector<1x1280x128xf32>
    %get3A_11 = vector.shape_cast %get3A_10 : vector<1x1280x128xf32> to vector<1280x128xf32>
    %add3A = arith.addf %get3A_6, %get3A_11 : vector<1280x128xf32>
    %get3A_12 = arith.constant 0 : index
    %get3A_13 = arith.constant 0 : index
    %get3A_14 = arith.constant 0 : index
    %get3A_15 = vector.load %arg3[%get3A_12, %get3A_13, %get3A_14] : memref<2x1280x128xf32, #tpu.memory_space<vmem>>, vector<1x1280x128xf32>
    %get3A_16 = vector.shape_cast %get3A_15 : vector<1x1280x128xf32> to vector<1280x128xf32>
    %get3A_17 = arith.constant 1 : index
    %get3A_18 = arith.constant 0 : index
    %get3A_19 = arith.constant 0 : index
    %get3A_20 = vector.load %arg3[%get3A_17, %get3A_18, %get3A_19] : memref<2x1280x128xf32, #tpu.memory_space<vmem>>, vector<1x1280x128xf32>
    %get3A_21 = vector.shape_cast %get3A_20 : vector<1x1280x128xf32> to vector<1280x128xf32>
    %add3A_22 = arith.addf %get3A_16, %get3A_21 : vector<1280x128xf32>
    %get3A_23 = arith.constant 0 : index
    %get3A_24 = arith.constant 0 : index
    %get3A_25 = arith.constant 0 : index
    %get3A_26 = vector.load %arg4[%get3A_23, %get3A_24, %get3A_25] : memref<2x1280x128xf32, #tpu.memory_space<vmem>>, vector<1x1280x128xf32>
    %get3A_27 = vector.shape_cast %get3A_26 : vector<1x1280x128xf32> to vector<1280x128xf32>
    %get3A_28 = arith.constant 1 : index
    %get3A_29 = arith.constant 0 : index
    %get3A_30 = arith.constant 0 : index
    %get3A_31 = vector.load %arg4[%get3A_28, %get3A_29, %get3A_30] : memref<2x1280x128xf32, #tpu.memory_space<vmem>>, vector<1x1280x128xf32>
    %get3A_32 = vector.shape_cast %get3A_31 : vector<1x1280x128xf32> to vector<1280x128xf32>
    %add3A_33 = arith.addf %get3A_27, %get3A_32 : vector<1280x128xf32>
    %add3A_34 = arith.addf %add3A_22, %add3A_33 : vector<1280x128xf32>
    %get3A_35 = arith.constant 0 : index
    %get3A_36 = arith.constant 0 : index
    %get3A_37 = vector.load %arg5[%get3A_35, %get3A_36] : memref<128x128xf32, #tpu.memory_space<vmem>>, vector<128x128xf32>
    %dot_general3A = arith.constant dense<0.000000e+00> : vector<1280x128xf32>
    %dot_general3A_38 = tpu.matmul %get3A_1, %get3A_37, %dot_general3A {dimension_numbers = #tpu.dot_dimension_numbers<[1], [1], [0], [0], [0, 0, 1, 0], [], []>, transpose_lhs_hint = false} : vector<1280x128xf32>, vector<128x128xf32>, vector<1280x128xf32> -> vector<1280x128xf32>
    %get3A_39 = arith.constant 0 : index
    %get3A_40 = vector.load %arg6[%get3A_39] : memref<128xf32, #tpu.memory_space<vmem>>, vector<128xf32>
    %broadcast_in_dim3A = vector.shape_cast %get3A_40 : vector<128xf32> to vector<1x128xf32>
    %add3A_41 = vector.broadcast %broadcast_in_dim3A : vector<1x128xf32> to vector<1280x128xf32>
    %add3A_42 = arith.addf %dot_general3A_38, %add3A_41 : vector<1280x128xf32>
    %get3A_43 = arith.constant 0 : index
    %get3A_44 = arith.constant 0 : index
    %get3A_45 = vector.load %arg7[%get3A_43, %get3A_44] : memref<128x128xf32, #tpu.memory_space<vmem>>, vector<128x128xf32>
    %dot_general3A_46 = arith.constant dense<0.000000e+00> : vector<1280x128xf32>
    %dot_general3A_47 = tpu.matmul %add3A, %get3A_45, %dot_general3A_46 {dimension_numbers = #tpu.dot_dimension_numbers<[1], [1], [0], [0], [0, 0, 1, 0], [], []>, transpose_lhs_hint = false} : vector<1280x128xf32>, vector<128x128xf32>, vector<1280x128xf32> -> vector<1280x128xf32>
    %add3A_48 = arith.addf %add3A_42, %dot_general3A_47 : vector<1280x128xf32>
    %get3A_49 = arith.constant 0 : index
    %get3A_50 = vector.load %arg8[%get3A_49] : memref<128xf32, #tpu.memory_space<vmem>>, vector<128xf32>
    %broadcast_in_dim3A_51 = vector.shape_cast %get3A_50 : vector<128xf32> to vector<1x128xf32>
    %add3A_52 = vector.broadcast %broadcast_in_dim3A_51 : vector<1x128xf32> to vector<1280x128xf32>
    %add3A_53 = arith.addf %add3A_48, %add3A_52 : vector<1280x128xf32>
    %logistic3A = arith.negf %add3A_53 : vector<1280x128xf32>
    %logistic3A_54 = math.exp %logistic3A : vector<1280x128xf32>
    %logistic3A_55 = arith.constant 1.000000e+00 : f32
    %logistic3A_56 = vector.broadcast %logistic3A_55 : f32 to vector<1280x128xf32>
    %logistic3A_57 = arith.addf %logistic3A_56, %logistic3A_54 : vector<1280x128xf32>
    %logistic3A_58 = arith.divf %logistic3A_56, %logistic3A_57 : vector<1280x128xf32>
    %get3A_59 = arith.constant 0 : index
    %get3A_60 = arith.constant 0 : index
    %get3A_61 = vector.load %arg9[%get3A_59, %get3A_60] : memref<128x128xf32, #tpu.memory_space<vmem>>, vector<128x128xf32>
    %dot_general3A_62 = arith.constant dense<0.000000e+00> : vector<1280x128xf32>
    %dot_general3A_63 = tpu.matmul %get3A_1, %get3A_61, %dot_general3A_62 {dimension_numbers = #tpu.dot_dimension_numbers<[1], [1], [0], [0], [0, 0, 1, 0], [], []>, transpose_lhs_hint = false} : vector<1280x128xf32>, vector<128x128xf32>, vector<1280x128xf32> -> vector<1280x128xf32>
    %get3A_64 = arith.constant 0 : index
    %get3A_65 = vector.load %arg10[%get3A_64] : memref<128xf32, #tpu.memory_space<vmem>>, vector<128xf32>
    %broadcast_in_dim3A_66 = vector.shape_cast %get3A_65 : vector<128xf32> to vector<1x128xf32>
    %add3A_67 = vector.broadcast %broadcast_in_dim3A_66 : vector<1x128xf32> to vector<1280x128xf32>
    %add3A_68 = arith.addf %dot_general3A_63, %add3A_67 : vector<1280x128xf32>
    %get3A_69 = arith.constant 0 : index
    %get3A_70 = arith.constant 0 : index
    %get3A_71 = vector.load %arg11[%get3A_69, %get3A_70] : memref<128x128xf32, #tpu.memory_space<vmem>>, vector<128x128xf32>
    %dot_general3A_72 = arith.constant dense<0.000000e+00> : vector<1280x128xf32>
    %dot_general3A_73 = tpu.matmul %add3A, %get3A_71, %dot_general3A_72 {dimension_numbers = #tpu.dot_dimension_numbers<[1], [1], [0], [0], [0, 0, 1, 0], [], []>, transpose_lhs_hint = false} : vector<1280x128xf32>, vector<128x128xf32>, vector<1280x128xf32> -> vector<1280x128xf32>
    %add3A_74 = arith.addf %add3A_68, %dot_general3A_73 : vector<1280x128xf32>
    %get3A_75 = arith.constant 0 : index
    %get3A_76 = vector.load %arg12[%get3A_75] : memref<128xf32, #tpu.memory_space<vmem>>, vector<128xf32>
    %broadcast_in_dim3A_77 = vector.shape_cast %get3A_76 : vector<128xf32> to vector<1x128xf32>
    %add3A_78 = vector.broadcast %broadcast_in_dim3A_77 : vector<1x128xf32> to vector<1280x128xf32>
    %add3A_79 = arith.addf %add3A_74, %add3A_78 : vector<1280x128xf32>
    %logistic3A_80 = arith.negf %add3A_79 : vector<1280x128xf32>
    %logistic3A_81 = math.exp %logistic3A_80 : vector<1280x128xf32>
    %logistic3A_82 = arith.constant 1.000000e+00 : f32
    %logistic3A_83 = vector.broadcast %logistic3A_82 : f32 to vector<1280x128xf32>
    %logistic3A_84 = arith.addf %logistic3A_83, %logistic3A_81 : vector<1280x128xf32>
    %logistic3A_85 = arith.divf %logistic3A_83, %logistic3A_84 : vector<1280x128xf32>
    %get3A_86 = arith.constant 0 : index
    %get3A_87 = arith.constant 0 : index
    %get3A_88 = vector.load %arg13[%get3A_86, %get3A_87] : memref<128x128xf32, #tpu.memory_space<vmem>>, vector<128x128xf32>
    %dot_general3A_89 = arith.constant dense<0.000000e+00> : vector<1280x128xf32>
    %dot_general3A_90 = tpu.matmul %get3A_1, %get3A_88, %dot_general3A_89 {dimension_numbers = #tpu.dot_dimension_numbers<[1], [1], [0], [0], [0, 0, 1, 0], [], []>, transpose_lhs_hint = false} : vector<1280x128xf32>, vector<128x128xf32>, vector<1280x128xf32> -> vector<1280x128xf32>
    %get3A_91 = arith.constant 0 : index
    %get3A_92 = vector.load %arg14[%get3A_91] : memref<128xf32, #tpu.memory_space<vmem>>, vector<128xf32>
    %broadcast_in_dim3A_93 = vector.shape_cast %get3A_92 : vector<128xf32> to vector<1x128xf32>
    %add3A_94 = vector.broadcast %broadcast_in_dim3A_93 : vector<1x128xf32> to vector<1280x128xf32>
    %add3A_95 = arith.addf %dot_general3A_90, %add3A_94 : vector<1280x128xf32>
    %get3A_96 = arith.constant 0 : index
    %get3A_97 = arith.constant 0 : index
    %get3A_98 = vector.load %arg15[%get3A_96, %get3A_97] : memref<128x128xf32, #tpu.memory_space<vmem>>, vector<128x128xf32>
    %dot_general3A_99 = arith.constant dense<0.000000e+00> : vector<1280x128xf32>
    %dot_general3A_100 = tpu.matmul %add3A, %get3A_98, %dot_general3A_99 {dimension_numbers = #tpu.dot_dimension_numbers<[1], [1], [0], [0], [0, 0, 1, 0], [], []>, transpose_lhs_hint = false} : vector<1280x128xf32>, vector<128x128xf32>, vector<1280x128xf32> -> vector<1280x128xf32>
    %add3A_101 = arith.addf %add3A_95, %dot_general3A_100 : vector<1280x128xf32>
    %get3A_102 = arith.constant 0 : index
    %get3A_103 = vector.load %arg16[%get3A_102] : memref<128xf32, #tpu.memory_space<vmem>>, vector<128xf32>
    %broadcast_in_dim3A_104 = vector.shape_cast %get3A_103 : vector<128xf32> to vector<1x128xf32>
    %add3A_105 = vector.broadcast %broadcast_in_dim3A_104 : vector<1x128xf32> to vector<1280x128xf32>
    %add3A_106 = arith.addf %add3A_101, %add3A_105 : vector<1280x128xf32>
    %tanh3A = math.tanh %add3A_106 : vector<1280x128xf32>
    %mul3A = arith.mulf %logistic3A_58, %tanh3A : vector<1280x128xf32>
    %add3A_107 = arith.addf %mul3A, %add3A_34 : vector<1280x128xf32>
    %tanh3A_108 = math.tanh %add3A_107 : vector<1280x128xf32>
    %mul3A_109 = arith.mulf %logistic3A_85, %tanh3A_108 : vector<1280x128xf32>
    %get3A_110 = arith.constant 0 : index
    %get3A_111 = arith.constant 0 : index
    %get3A_112 = vector.load %arg17[%get3A_110, %get3A_111] : memref<128x128xf32, #tpu.memory_space<vmem>>, vector<128x128xf32>
    %dot_general3A_113 = arith.constant dense<0.000000e+00> : vector<1280x128xf32>
    %dot_general3A_114 = tpu.matmul %mul3A_109, %get3A_112, %dot_general3A_113 {dimension_numbers = #tpu.dot_dimension_numbers<[1], [1], [0], [0], [0, 0, 1, 0], [], []>, transpose_lhs_hint = false} : vector<1280x128xf32>, vector<128x128xf32>, vector<1280x128xf32> -> vector<1280x128xf32>
    %swap3A = arith.constant 0 : index
    %swap3A_115 = arith.constant 0 : index
    %swap3A_116 = vector.load %arg19[%swap3A, %swap3A_115] : memref<1280x128xf32, #tpu.memory_space<vmem>>, vector<1280x128xf32>
    tpu.vector_store %arg19[%swap3A, %swap3A_115], %dot_general3A_114 {strides = array<i32>} : memref<1280x128xf32, #tpu.memory_space<vmem>>, vector<1280x128xf32>,
    %swap3A_117 = arith.constant 0 : index
    %swap3A_118 = arith.constant 0 : index
    %swap3A_119 = vector.load %arg20[%swap3A_117, %swap3A_118] : memref<1280x128xf32, #tpu.memory_space<vmem>>, vector<1280x128xf32>
    tpu.vector_store %arg20[%swap3A_117, %swap3A_118], %add3A_107 {strides = array<i32>} : memref<1280x128xf32, #tpu.memory_space<vmem>>, vector<1280x128xf32>,
    %swap3A_120 = arith.constant 0 : index
    %swap3A_121 = arith.constant 0 : index
    %swap3A_122 = vector.load %arg21[%swap3A_120, %swap3A_121] : memref<1280x128xf32, #tpu.memory_space<vmem>>, vector<1280x128xf32>
    tpu.vector_store %arg21[%swap3A_120, %swap3A_121], %mul3A_109 {strides = array<i32>} : memref<1280x128xf32, #tpu.memory_space<vmem>>, vector<1280x128xf32>,
    return
  }
  func.func @transform_0(%arg0: i32) -> (i32, i32) {
    %c0_i32 = arith.constant 0 : i32
    %c0_i32_0 = arith.constant 0 : i32
    return %arg0, %c0_i32 : i32, i32
  }
  func.func @transform_1(%arg0: i32) -> (i32, i32, i32) {
    %c0_i32 = arith.constant 0 : i32
    %c0_i32_0 = arith.constant 0 : i32
    %c0_i32_1 = arith.constant 0 : i32
    return %c0_i32, %arg0, %c0_i32_0 : i32, i32, i32
  }
  func.func @transform_2(%arg0: i32) -> (i32, i32, i32) {
    %c0_i32 = arith.constant 0 : i32
    %c0_i32_0 = arith.constant 0 : i32
    %c0_i32_1 = arith.constant 0 : i32
    return %c0_i32, %arg0, %c0_i32_0 : i32, i32, i32
  }
  func.func @transform_3(%arg0: i32) -> (i32, i32, i32) {
    %c0_i32 = arith.constant 0 : i32
    %c0_i32_0 = arith.constant 0 : i32
    %c0_i32_1 = arith.constant 0 : i32
    return %c0_i32, %arg0, %c0_i32_0 : i32, i32, i32
  }
  func.func @transform_4(%arg0: i32) -> (i32, i32) {
    %c0_i32 = arith.constant 0 : i32
    %c0_i32_0 = arith.constant 0 : i32
    %c0_i32_1 = arith.constant 0 : i32
    return %c0_i32, %c0_i32_0 : i32, i32
  }
  func.func @transform_5(%arg0: i32) -> i32 {
    %c0_i32 = arith.constant 0 : i32
    %c0_i32_0 = arith.constant 0 : i32
    return %c0_i32 : i32
  }
  func.func @transform_6(%arg0: i32) -> (i32, i32) {
    %c0_i32 = arith.constant 0 : i32
    %c0_i32_0 = arith.constant 0 : i32
    %c0_i32_1 = arith.constant 0 : i32
    return %c0_i32, %c0_i32_0 : i32, i32
  }
  func.func @transform_7(%arg0: i32) -> i32 {
    %c0_i32 = arith.constant 0 : i32
    %c0_i32_0 = arith.constant 0 : i32
    return %c0_i32 : i32
  }
  func.func @transform_8(%arg0: i32) -> (i32, i32) {
    %c0_i32 = arith.constant 0 : i32
    %c0_i32_0 = arith.constant 0 : i32
    %c0_i32_1 = arith.constant 0 : i32
    return %c0_i32, %c0_i32_0 : i32, i32
  }
  func.func @transform_9(%arg0: i32) -> i32 {
    %c0_i32 = arith.constant 0 : i32
    %c0_i32_0 = arith.constant 0 : i32
    return %c0_i32 : i32
  }
  func.func @transform_10(%arg0: i32) -> (i32, i32) {
    %c0_i32 = arith.constant 0 : i32
    %c0_i32_0 = arith.constant 0 : i32
    %c0_i32_1 = arith.constant 0 : i32
    return %c0_i32, %c0_i32_0 : i32, i32
  }
  func.func @transform_11(%arg0: i32) -> i32 {
    %c0_i32 = arith.constant 0 : i32
    %c0_i32_0 = arith.constant 0 : i32
    return %c0_i32 : i32
  }
  func.func @transform_12(%arg0: i32) -> (i32, i32) {
    %c0_i32 = arith.constant 0 : i32
    %c0_i32_0 = arith.constant 0 : i32
    %c0_i32_1 = arith.constant 0 : i32
    return %c0_i32, %c0_i32_0 : i32, i32
  }
  func.func @transform_13(%arg0: i32) -> i32 {
    %c0_i32 = arith.constant 0 : i32
    %c0_i32_0 = arith.constant 0 : i32
    return %c0_i32 : i32
  }
  func.func @transform_14(%arg0: i32) -> (i32, i32) {
    %c0_i32 = arith.constant 0 : i32
    %c0_i32_0 = arith.constant 0 : i32
    %c0_i32_1 = arith.constant 0 : i32
    return %c0_i32, %c0_i32_0 : i32, i32
  }
  func.func @transform_15(%arg0: i32) -> i32 {
    %c0_i32 = arith.constant 0 : i32
    %c0_i32_0 = arith.constant 0 : i32
    return %c0_i32 : i32
  }
  func.func @transform_16(%arg0: i32) -> (i32, i32) {
    %c0_i32 = arith.constant 0 : i32
    %c0_i32_0 = arith.constant 0 : i32
    %c0_i32_1 = arith.constant 0 : i32
    return %c0_i32, %c0_i32_0 : i32, i32
  }
  func.func @transform_17(%arg0: i32) -> i32 {
    %c0_i32 = arith.constant 0 : i32
    %c0_i32_0 = arith.constant 0 : i32
    return %c0_i32 : i32
  }
  func.func @transform_18(%arg0: i32) -> (i32, i32) {
    %c0_i32 = arith.constant 0 : i32
    %c0_i32_0 = arith.constant 0 : i32
    return %arg0, %c0_i32 : i32, i32
  }
  func.func @transform_19(%arg0: i32) -> (i32, i32) {
    %c0_i32 = arith.constant 0 : i32
    %c0_i32_0 = arith.constant 0 : i32
    return %arg0, %c0_i32 : i32, i32
  }
  func.func @transform_20(%arg0: i32) -> (i32, i32) {
    %c0_i32 = arith.constant 0 : i32
    %c0_i32_0 = arith.constant 0 : i32
    return %arg0, %c0_i32 : i32, i32
  }
}

</mosaic_0001>

<sc_bundles>
// kernel: kernel.11.cloned.1.call-start
scs
__scs_entry_jumppad:
0x0: {  	(pc) =	sbr.rel $0x88, $3  }
0x1: {  	(tag) =	ssettag $0x0;
	lr =	simm.s32 $0x1  }
0x2: {  	[smem:$0x3F89] =	sst lr;
	_ =	strace $0xD0000000  }
0x3: {  	_ = 	snop  }
0x4: {  	_ = 	snop  }
0x5: {  	_ = 	snop  }
0x6: {  	_ = 	snop  }
0x7: {  	_ = 	snop  }
__scs_overlays_trampoline_lowered:
0x8: {  	[smem:$0x3F98] =	sst s0  }
0x9: {  	[smem:$0x3F99] =	sst s1  }
0xa: {  	[smem:$0x3F9A] =	sst s2  }
0xb: {  	[smem:$0x3F9B] =	sst s3  }
0xc: {  	[smem:$0x3F9C] =	sst s4  }
0xd: {  	[smem:$0x3F9D] =	sst s5  }
0xe: {  	[smem:$0x3F9E] =	sst s6  }
0xf: {  	[smem:$0x3F9F] =	sst s7  }
0x10: {  	[smem:$0x3FA0] =	sst s8  }
0x11: {  	[smem:$0x3FA1] =	sst s9;
	s0 =	simm.s32 @!p0 $0x0  }
0x12: {  	s1 =	sld [smem:$0x3F87];
	s0 =	simm.s32 @p0 $0x1  }
0x13: {  	[smem:$0x3FA2] =	sst s0;
	s0 =	simm.s32 @!p1 $0x0  }
0x14: {  	s2 =	sld [smem:$0x3F86];
	s0 =	simm.s32 @p1 $0x1  }
0x15: {  	[smem:$0x3FA3] =	sst s0;
	s0 =	simm.s32 @!p2 $0x0  }
0x16: {  	s3 =	sld [smem:$0x3FDB];
	s0 =	simm.s32 @p2 $0x1  }
0x17: {  	s4 =	simm.s32 $0x1BF5;
	[smem:$0x3FA5] =	sst s0  }
0x18: {  	s0 =	sld [smem:$0x3F88];
	_ =	swait.ge [sflag:s4], $0x0  }
0x19: {  	s7 =	sld [smem:$0x3F89]  }
0x1a: {  	s8 =	sadd.s32 $0xFFFFE003, lr  }
0x1b: {  	s9 =	sadd.s32 $0xFFFFFEF7, lr;
	s5 =	simm.s32 $0xFFFFFFFF;
	p2 =	slt.u32 s8, $0xFFFFF086  }
0x1c: {  	p1 =	slt.u32 s9, $0xF7A;
	s5 =	simm.s32 @!p2 $0x0  }
0x1d: {  	s5 =	simm.s32 @p1 $0x1;
	p0 =	seq.s32 s7, s2  }
0x1e: {  	s7 =	smul.u32 @!p0 $0xF7A, s2;
	p2 =	seq.s32 @!p0 s5, $0x0  }
0x1f: {  	s9 =	smul.u32 $0xF7A, s1;
	s8 =	simm.s32 @!p0 $0x1BF5;
	p2 =	por !p2, p0  }
0x20: {  	[sflag:s8] =	ssyncset.s32 @!p0 $0xFFFFF086;
	s6 =	sadd.s32 @!p0 s3, s7;
	s7 =	simm.s32 @!p0 $0x108  }
0x21: {  	s3 =	sadd.s32 s3, s9;
	s6 =	sadd.s32 @!p0 $0x88, s6;
	s7 =	simm.s32 @p2 $0x1082  }
0x22: {  	[simem:s7], [sflag:s8] =	dma.local @!p0 [hbm:s6], $0xF7A  }
0x23: {  	s9 =	sor.u32 $0xD0000000, s2;
	s6 =	simm.s32 $0x108;
	_ =	swait.ge @!p0 [sflag:s8], $0x0  }
0x24: {  	s3 =	sadd.s32 $0x88, s3;
	s6 =	simm.s32 @!p1 $0x1082;
	[sflag:s4] =	ssyncset.s32 $0xFFFFF086  }
0x25: {  	[simem:s6], [sflag:s4] =	dma.local [hbm:s3], $0xF7A  }
0x26: {  	[smem:$0x3F89] =	sst s1;
	(tag) =	ssettag s2;
	_ =	strace s9  }
0x27: {  	s1 =	sld [smem:$0x3F99]  }
0x28: {  	s2 =	sld [smem:$0x3F9A]  }
0x29: {  	s4 =	sld [smem:$0x3F9C]  }
0x2a: {  	p0 =	seq.s32 s5, $0x0;
	s5 =	sld [smem:$0x3F9D]  }
0x2b: {  	s6 =	sld [smem:$0x3F9E]  }
0x2c: {  	s7 =	sld [smem:$0x3F9F]  }
0x2d: {  	s3 =	simm.s32 $0x108;
	s8 =	sld [smem:$0x3FA0]  }
0x2e: {  	s3 =	simm.s32 @!p0 $0x1082;
	s9 =	sld [smem:$0x3FA1]  }
0x2f: {  	lr =	sadd.s32 s0, s3;
	s0 =	sld [smem:$0x3F98]  }
0x30: {  	s3 =	sld [smem:$0x3F9B]  }
0x31: {  	[smem:$0x3FA4] =	sst s10  }
0x32: {  	s10 =	sld [smem:$0x3FA2];
	_ =	sdelay $0x3  }
0x33: {  	p0 =	seq.s32 s10, $0x1;
	s10 =	sld [smem:$0x3FA4];
	_ =	sdelay $0x3  }
0x34: {  	[smem:$0x3FA4] =	sst s10  }
0x35: {  	s10 =	sld [smem:$0x3FA3];
	_ =	sdelay $0x3  }
0x36: {  	p1 =	seq.s32 s10, $0x1;
	s10 =	sld [smem:$0x3FA4];
	_ =	sdelay $0x3  }
0x37: {  	[smem:$0x3FA4] =	sst s10  }
0x38: {  	s10 =	sld [smem:$0x3FA5]  }
0x39: {  	_ = 	snop;
	(pc) =	sbr.ind lr, $3  }
0x3a: {  	_ = 	snop  }
0x3b: {  	_ = 	snop  }
0x3c: {  	p2 =	seq.s32 s10, $0x1;
	s10 =	sld [smem:$0x3FA4]  }
0x3d: {  	_ =	shalt  }
0x3e: {  	_ =	shalt  }
0x3f: {  	_ =	shalt  }
0x40: {  	_ =	shalt  }
0x41: {  	_ =	shalt  }
0x42: {  	_ =	shalt  }
0x43: {  	_ =	shalt  }
0x44: {  	_ =	shalt  }
0x45: {  	_ =	shalt  }
0x46: {  	_ =	shalt  }
0x47: {  	_ =	shalt  }
0x48: {  	_ =	shalt  }
0x49: {  	_ =	shalt  }
0x4a: {  	_ =	shalt  }
0x4b: {  	_ =	shalt  }
0x4c: {  	_ =	shalt  }
0x4d: {  	_ =	shalt  }
0x4e: {  	_ =	shalt  }
0x4f: {  	_ =	shalt  }
0x50: {  	_ =	shalt  }
0x51: {  	_ =	shalt  }
0x52: {  	_ =	shalt  }
0x53: {  	_ =	shalt  }
0x54: {  	_ =	shalt  }
0x55: {  	_ =	shalt  }
0x56: {  	_ =	shalt  }
0x57: {  	_ =	shalt  }
0x58: {  	_ =	shalt  }
0x59: {  	_ =	shalt  }
0x5a: {  	_ =	shalt  }
0x5b: {  	_ =	shalt  }
0x5c: {  	_ =	shalt  }
0x5d: {  	_ =	shalt  }
0x5e: {  	_ =	shalt  }
0x5f: {  	_ =	shalt  }
0x60: {  	_ =	shalt  }
0x61: {  	_ =	shalt  }
0x62: {  	_ =	shalt  }
0x63: {  	_ =	shalt  }
0x64: {  	_ =	shalt  }
0x65: {  	_ =	shalt  }
0x66: {  	_ =	shalt  }
0x67: {  	_ =	shalt  }
0x68: {  	_ =	shalt  }
0x69: {  	_ =	shalt  }
0x6a: {  	_ =	shalt  }
0x6b: {  	_ =	shalt  }
0x6c: {  	_ =	shalt  }
0x6d: {  	_ =	shalt  }
0x6e: {  	_ =	shalt  }
0x6f: {  	_ =	shalt  }
0x70: {  	_ =	shalt  }
0x71: {  	_ =	shalt  }
0x72: {  	_ =	shalt  }
0x73: {  	_ =	shalt  }
0x74: {  	_ =	shalt  }
0x75: {  	_ =	shalt  }
0x76: {  	_ =	shalt  }
0x77: {  	_ =	shalt  }
0x78: {  	_ =	shalt  }
0x79: {  	_ =	shalt  }
0x7a: {  	_ =	shalt  }
0x7b: {  	_ =	shalt  }
0x7c: {  	_ =	shalt  }
0x7d: {  	_ =	shalt  }
0x7e: {  	_ =	shalt  }
0x7f: {  	_ =	shalt  }
0x80: {  	_ =	shalt  }
0x81: {  	_ =	shalt  }
0x82: {  	_ =	shalt  }
0x83: {  	_ =	shalt  }
0x84: {  	_ =	shalt  }
0x85: {  	_ =	shalt  }
0x86: {  	_ =	shalt  }
0x87: {  	_ =	shalt  }
.Lfunc_end0:
.L_simem_size_0:
called_computation_lowered:
.L_overlay_start_0:
0x88: {  	s2 =	sld [smem:$0x3FD9]  }
0x89: {  	s3 =	sld [smem:$0x3FFE];
	_ =	sdelay $0x1  }
0x8a: {  	s1 =	srdreg.scid  }
0x8b: {  	s0 =	sand.u32 $0x1, s1  }
0x8c: {  	s15 =	sshll.u32 s0, $0xA;
	s2 =	sadd.s32 s3, s2  }
0x8d: {  	s2 =	sadd.s32 s2, s15  }
0x8e: {  	[smem:$0x3FB0] =	sst s2  }
0x8f: {  	_ = 	snop  }
0x90: {  	s2 =	sld [smem:$0x3FD0];
	_ =	sdelay $0x2  }
0x91: {  	s4 =	simm.s32 $0xC;
	s5 =	simm.s32 $0x10;
	s16 =	sld [smem:$0x3FB6]  }
0x92: {  	[smem:s5], [sflag:s4] =	dma.local [hbm:s2], $0x1  }
0x93: {  	_ =	swait.eq [sflag:s4], $0x1  }
0x94: {  	[sflag:s4] =	ssyncset.done $0x0  }
0x95: {  	[sflag:s4] =	ssyncadd.s32 $0xFFFFFFFF  }
0x96: {  	s17 =	sld [smem:$0x12];
	(tm) =	ssettm $0x1  }
0x97: {  	s18 =	sld [smem:$0x3FFB];
	_ =	sdelay $0x3  }
0x98: {  	_ =	strace s18  }
0x99: {  	s2 =	sld [smem:$0x3FFC];
	_ =	sdelay $0x3  }
0x9a: {  	_ =	strace s2  }
0x9b: {  	s2 =	sld [smem:$0x3FFD];
	_ =	sdelay $0x3  }
0x9c: {  	_ =	strace s2  }
0x9d: {  	_ =	strace $0x8FFFFFFF  }
0x9e: {  	s19 =	sld [smem:$0x3FDB];
	_ =	sdelay $0x1  }
0x9f: {  	s20 =	simm.s32 $_scs_section_size  }
0xa0: {  	s6 =	simm.s32 $_size__tile_overlayer_lowered;
	s7 =	simm.s32 $_tile_overlayer_lowered  }
0xa1: {  	s8 =	simm.s32 $0x1BFF;
	s21 =	sshll.u32 s7, $0x1;
	s5 =	sadd.s32 s20, s19  }
0xa2: {  	s22 =	simm.s32 $0x0;
	s6 =	sshll.u32 s6, $0x1;
	s7 =	sadd.s32 s21, s5  }
0xa3: {  	[timem:s22], [sflag:s8] =	dma.local [hbm:s7], s6  }
0xa4: {  	_ =	swait.ge [sflag:s8], s6  }
0xa5: {  	s6 =	ssub.s32 $0x0, s6;
	[sflag:s8] =	ssyncset.done $0x0  }
0xa6: {  	[sflag:s8] =	ssyncadd.s32 s6;
	_ =	sdelay $0x1  }
0xa7: {  	s23 =	simm.s32 $0x1B8B  }
0xa8: {  	_ =	swait.ge [sflag:s23], $0x1  }
0xa9: {  	[sflag:s23] =	ssyncset.done $0x0  }
0xaa: {  	[sflag:s23] =	ssyncadd.s32 $0xFFFFFFFF  }
0xab: {  	s6 =	sld [smem:$0x0]  }
0xac: {  	s7 =	sand.u32 $0xFFFFFFFE, s1  }
0xad: {  	p0 =	sne.s32 s1, s7  }
0xae: {  	s7 =	sshll.u32 @p0 s7, $0xE  }
0xaf: {  	s7 =	sadd.s32 @p0 $0x11B8D, s7;
	s8 =	sshll.u32 @p0 s6, $0x11  }
0xb0: {  	s7 =	sor.u32 @p0 s8, s7  }
0xb1: {  	[sflag:s7] =	ssyncadd.remote.s32 @p0 $0x1;
	_ =	sdelay $0x1  }
0xb2: {  	s7 =	simm.s32 @p0 $0x1B8D  }
0xb3: {  	_ =	swait.eq @p0 [sflag:s7], $0x1  }
0xb4: {  	[sflag:s7] =	ssyncadd.s32 @p0 $0xFFFFFFFF  }
0xb5: {  	s8 =	sshll.u32 @!p0 s1, $0xE  }
0xb6: {  	s8 =	sor.u32 @!p0 $0x4000, s8;
	s7 =	simm.s32 @!p0 $0x1B8D  }
0xb7: {  	s6 =	sshll.u32 @!p0 s6, $0x11;
	s8 =	sadd.s32 @!p0 $0x11B8D, s8;
	_ =	swait.eq @!p0 [sflag:s7], $0x1  }
0xb8: {  	s6 =	sor.u32 @!p0 s6, s8;
	[sflag:s7] =	ssyncadd.s32 @!p0 $0xFFFFFFFF  }
0xb9: {  	s25 =	simm.s32 $0x1B8E;
	s24 =	sld [smem:$0x3FFE];
	[sflag:s6] =	ssyncadd.remote.s32 @!p0 $0x1  }
0xba: {  	s26 =	simm.s32 $execute0_lowered;
	[smem:$0x3FD2] =	sst s25  }
0xbb: {  	s7 =	sshll.u32 s26, $0x1;
	_ =	strace $0x8000004C;
	[dreg:$0x1] =	wrdreg $0xFFFFFFFF  }
0xbc: {  	s28 =	simm.s32 $_size_execute0_lowered;
	s5 =	sadd.s32 s5, s7;
	[dreg:$0x0] =	wrdreg $0x0  }
0xbd: {  	s7 =	sshll.u32 s28, $0x1;
	[dreg:$0x2] =	wrdreg s5  }
0xbe: {  	[dreg:$0x3] =	wrdreg s7  }
0xbf: {  	[dreg:$0x4] =	wrdreg $0xC0  }
0xc0: {  	_ =	task [dreg:s22], $0x5FFFF  }
0xc1: {  	[dreg:$0x1] =	wrdreg $0xFFFFFFFF  }
0xc2: {  	[dreg:$0x0] =	wrdreg $0x60  }
0xc3: {  	[dreg:$0x2] =	wrdreg s16  }
0xc4: {  	[dreg:$0x3] =	wrdreg s17  }
0xc5: {  	[dreg:$0x4] =	wrdreg s24  }
0xc6: {  	[dreg:$0x5] =	wrdreg $0x0  }
0xc7: {  	[dreg:$0x6] =	wrdreg $0x9  }
0xc8: {  	_ =	task.clear_ibuf [dreg:s22], $0x7FFFF;
	_ =	strace $0x9000004C  }
0xc9: {  	s29 =	simm.s32 $0x9;
	_ =	strace $0x8000004E  }
0xca: {  	_ =	swait.ge [sflag:s29], $0x1  }
0xcb: {  	[sflag:s29] =	ssyncadd.s32 $0xFFFFFFFF  }
0xcc: {  	_ =	strace $0x9000004E  }
0xcd: {  	_ =	sfence  }
0xce: {  	s30 =	sld [smem:$0x0];
	_ =	sdelay $0x2  }
0xcf: {  	s31 =	sshll.u32 s1, $0xD;
	s1 =	sshrl.u32 s1, $0x2  }
0xd0: {  	s4 =	sand.u32 $0x4000, s31;
	s1 =	sadd.s32 s1, s30  }
0xd1: {  	s0 =	sor.u32 s4, s0;
	s1 =	sshll.u32 s1, $0x11  }
0xd2: {  	s0 =	sor.u32 s1, s0  }
0xd3: {  	s0 =	sadd.s32 $0x8F2B, s0  }
0xd4: {  	[sflag:s0] =	ssyncadd.remote.s32 $0x1  }
0xd5: {  	_ =	sfence.sel $0xFFFF  }
0xd6: {  	[dreg:$0x0] =	wrdreg $0xFFFFFFFF;
	(pc) =	sbr.abs _section_cstart, $3  }
0xd7: {  	[dreg:$0x1] =	wrdreg $0xFFFFFFFF  }
0xd8: {  	_ =	task.clear_ibuf [dreg:s22], $0x2FFFF;
	_ =	strace $0x9FFFFFFF  }
0xd9: {  	(tm) =	ssettm $0x7FFFFFFF  }
tec
execute0_lowered:
.L_overlay_start_1:
0x0: {  	(tag) =	ssettag $0x1  }
0x1: {  	s0 =	rddreg [dreg:$0x0]  }
0x2: {  	s1 =	rddreg [dreg:$0x1];
	s8 =	stileid.u32  }
0x3: {  	s2 =	srdreg.scid;
	s6 =	smul.u32 $0x14000, s8  }
0x4: {  	s4 =	rddreg [dreg:$0x2];
	s14 =	smul.u32 $0x50000, s8  }
0x5: {  	s3 =	simm.s32 $0x0;
	s13 =	sand.u32 $0x1, s2;
	s16 =	smul.u32 $0xA0, s8  }
0x6: {  	s18 =	simm.s32 $0x5;
	s19 =	simm.s32 $0x14000;
	s5 =	smul.u32 $0x140000, s13  }
0x7: {  	s2 =	rddreg [dreg:$0x3];
	s7 =	sshll.u32 s8, $0x1;
	s17 =	smul.u32 $0x50, s13  }
0x8: {  	[smem:$0x7FF] =	sst s3;
	s12 =	sor.u32 s13, s7;
	s30 =	smul.u32 $0x28000, s13  }
0x9: {  	s21 =	ssub.s32 $0x2, s13;
	_ =	strace $0x8000004D;
	s20 =	smul.u32 $0x50, s12  }
0xa: {  	s22 =	sshrl.u32 s21, $0x1;
	s24 =	sshrl.u32 s14, $0x2;
	s10 =	smul.u32 $0x500, s12  }
0xb: {  	s29 =	smul.u32 $0x28000, s12;
	s31 =	sadd.s32 s14, s0;
	s5 =	sadd.s32 s6, s5  }
0xc: {  	s15 =	ssub.s32 s21, s22;
	s16 =	sadd.s32 s17, s16;
	s17 =	simm.s32 $0x16800  }
0xd: {  	s21 =	simm.s32 $0x1;
	s5 =	sshrl.u32 s5, $0x3;
	s23 =	ssub.s32 $0x9C4, s20  }
0xe: {  	s10 =	sadd.s32 s1, s10;
	s12 =	smax.u32 s15, $0x1;
	s13 =	sadd.s32 s0, s29  }
0xf: {  	s16 =	sshll.u32 s16, $0xB;
	s1 =	sadd.s32 s30, s31;
	s11 =	sadd.s32 s5, s4  }
0x10: {  	s4 =	smin.u32 s23, $0x50;
	s5 =	sadd.s32 s24, s2;
	s14 =	sadd.s32 $0x800, s13  }
0x11: {  	s0 =	sadd.s32 s16, s0;
	s15 =	sadd.s32 $0x1000, s1;
	s25 =	sadd.s32 $0x4000, s5  }
0x12: {  	s23 =	simm.s32 $0x0;
	s26 =	sadd.s32 $0x8000, s5;
	[dreg:$0x5] =	wrdreg s25  }
0x13: {  	s28 =	sadd.s32 $0xC000, s5;
	s9 =	sadd.s32 $0x10000, s5;
	[dreg:$0x6] =	wrdreg s26  }
0x14: {  	v0 =	vimm.f32 $0.0e+00;
	s11 =	sadd.s32 $0x536600, s11;
	s16 =	sadd.s32 $0x1800, s0;
	[dreg:$0x7] =	wrdreg s28  }
.LBB2_1:
0x15: {  	s1 =	simm.s32 $0x0;
	s0 =	simm.s32 $0x200  }
.LBB2_2:
0x16: {  	p0 =	sne.s32 s0, $0xFE00;
	[tilespmem:s1+$0x16870] =	vst v0  }
0x17: {  	[tilespmem:s1+$0x16800] =	vst v0  }
0x18: {  	[tilespmem:s1+$0x16810] =	vst v0  }
.Ltmp0:
0x19: {  	[tilespmem:s1+$0x16820] =	vst v0;
	(pc) =	sbr.rel @p0 .LBB2_2-.Ltmp0, $4  }
0x1a: {  	[tilespmem:s1+$0x16830] =	vst v0  }
0x1b: {  	[tilespmem:s1+$0x16840] =	vst v0  }
0x1c: {  	[tilespmem:s1+$0x16850] =	vst v0  }
0x1d: {  	[tilespmem:s1+$0x16860] =	vst v0;
	s1 =	sshra.s32 s0, $0x2;
	s0 =	sadd.s32 $0x200, s0  }
0x1e: {  	[tilespmem:s1+$0x16870] =	vst v0  }
0x1f: {  	[tilespmem:s1+$0x16800] =	vst v0  }
0x20: {  	[tilespmem:s1+$0x16810] =	vst v0  }
0x21: {  	[tilespmem:s1+$0x16820] =	vst v0  }
0x22: {  	[tilespmem:s1+$0x16830] =	vst v0  }
0x23: {  	[tilespmem:s1+$0x16840] =	vst v0  }
0x24: {  	[tilespmem:s1+$0x16850] =	vst v0  }
0x25: {  	[tilespmem:s1+$0x16860] =	vst v0  }
0x26: {  	[spmem:s5] =	stream.linear.scatter [tilespmem:s17], [sflag:$0x5], $0x4000, $0x38;
	[tilespmem:$0x1E800] =	vst v63  }
0x27: {  	_ =	swait.ge [sflag:s18], $0x4000  }
0x28: {  	[sflag:s18] =	ssyncset.done $0x0  }
0x29: {  	s0 =	rddreg [dreg:$0x5];
	[sflag:s18] =	ssyncadd.s32 $0xFFFFC000  }
0x2a: {  	[spmem:s0] =	stream.linear.scatter [tilespmem:s17], [sflag:$0x5], $0x4000, $0x38;
	[tilespmem:$0x1E800] =	vst v63  }
0x2b: {  	_ =	swait.ge [sflag:s18], $0x4000  }
0x2c: {  	[sflag:s18] =	ssyncset.done $0x0  }
0x2d: {  	s22 =	rddreg [dreg:$0x6];
	[sflag:s18] =	ssyncadd.s32 $0xFFFFC000  }
0x2e: {  	[spmem:s22] =	stream.linear.scatter [tilespmem:s17], [sflag:$0x5], $0x4000, $0x38;
	[tilespmem:$0x1E800] =	vst v63  }
0x2f: {  	_ =	swait.ge [sflag:s18], $0x4000  }
0x30: {  	[sflag:s18] =	ssyncset.done $0x0  }
0x31: {  	s24 =	rddreg [dreg:$0x7];
	[sflag:s18] =	ssyncadd.s32 $0xFFFFC000  }
0x32: {  	[spmem:s24] =	stream.linear.scatter [tilespmem:s17], [sflag:$0x5], $0x4000, $0x38;
	[tilespmem:$0x1E800] =	vst v63  }
0x33: {  	_ =	swait.ge [sflag:s18], $0x4000  }
0x34: {  	[sflag:s18] =	ssyncset.done $0x0  }
0x35: {  	[sflag:s18] =	ssyncadd.s32 $0xFFFFC000  }
0x36: {  	[spmem:s9] =	stream.linear.scatter [tilespmem:s17], [sflag:$0x5], $0x4000, $0x38;
	[tilespmem:$0x1E800] =	vst v63  }
0x37: {  	_ =	swait.ge [sflag:s18], $0x4000  }
0x38: {  	[sflag:s18] =	ssyncset.done $0x0  }
0x39: {  	[sflag:s18] =	ssyncadd.s32 $0xFFFFC000  }
0x3a: {  	[tilespmem:s19], [sflag:$0x5] =	stream.linear.gather [hbm4b:s10+s3], $0x2800, $0x38;
	[tilespmem:$0x1E800] =	vst v63  }
0x3b: {  	_ =	swait.ge [sflag:s18], $0x2800  }
0x3c: {  	[sflag:s18] =	ssyncset.done $0x0  }
0x3d: {  	[sflag:s18] =	ssyncadd.s32 $0xFFFFD800  }
0x3e: {  	[bflag:$0x0] =	sbarrier.arrive $0xFFFF  }
0x3f: {  	[tilespmem:s17], [sflag:$0x1] =	stream.linear.gather [hbm4b:s13+s3], $0x4000, $0x38;
	[tilespmem:$0x1E800] =	vst v63  }
0x40: {  	s25 =	simm.s32 $0x1A800  }
0x41: {  	[tilespmem:s25], [sflag:$0x2] =	stream.linear.gather [hbm4b:s14+s3], $0x4000, $0x38;
	[tilespmem:$0x1E800] =	vst v63  }
0x42: {  	_ =	swait.ge [sflag:s21], $0x4000  }
0x43: {  	p1 =	slt.u32 s4, $0x2;
	[sflag:s21] =	ssyncset.done $0x0  }
0x44: {  	s26 =	simm.s32 $0x80;
	s0 =	simm.s32 @!p1 $0x3;
	[sflag:s21] =	ssyncadd.s32 $0xFFFFC000  }
0x45: {  	[spmem:s2] =	stream.indirect.scatter.add.f32 [tilespmem:s17], [sflag:$0x3], $0x80, s19, s26, $0xb8;
	[tilespmem:$0x1E800] =	vst v63  }
0x46: {  	_ =	swait.ge @!p1 [sflag:s0], $0x4000  }
0x47: {  	p0 =	sle.u32 s4, $0x2;
	s1 =	simm.s32 @!p1 $0x2;
	[sflag:s0] =	ssyncset.done @!p1 $0x0  }
0x48: {  	s20 =	simm.s32 @!p0 $0x0;
	s28 =	simm.s32 @!p0 $0x16800;
	[sflag:s0] =	ssyncadd.s32 @!p1 $0xFFFFC000  }
0x49: {  	[tilespmem:s28], [sflag:$0x1] =	stream.linear.gather @!p0 [hbm4b:s15+s20], $0x4000, $0x38;
	[tilespmem:$0x1E800] =	vst v63  }
0x4a: {  	s29 =	simm.s32 $0x14100;
	s31 =	simm.s32 $0x7;
	_ =	swait.ge @!p1 [sflag:s1], $0x4000  }
0x4b: {  	s25 =	simm.s32 @!p1 $0x14080;
	s26 =	simm.s32 @!p1 $0x80;
	[sflag:s1] =	ssyncset.done @!p1 $0x0  }
0x4c: {  	s0 =	simm.s32 @!p1 $0x1A800;
	s20 =	simm.s32 @!p1 $0x4;
	[sflag:s1] =	ssyncadd.s32 @!p1 $0xFFFFC000  }
0x4d: {  	[spmem:s2] =	stream.indirect.scatter.add.f32 @!p1 [tilespmem:s0], [sflag:$0x4], $0x80, s25, s26, $0xb8;
	[tilespmem:$0x1E800] =	vst v63  }
0x4e: {  	p2 =	sle.u32 s4, $0x3;
	s30 =	sadd.s32 $0x1000, s15;
	_ =	swait.ge @!p1 [sflag:s20], $0x4000  }
0x4f: {  	s24 =	simm.s32 $0x5;
	s1 =	simm.s32 @!p2 $0x1A800;
	[sflag:s20] =	ssyncset.done @!p1 $0x0  }
0x50: {  	s26 =	sadd.s32 $0x1000, s16;
	s0 =	simm.s32 @!p2 $0x0;
	[sflag:s20] =	ssyncadd.s32 @!p1 $0xFFFFC000  }
0x51: {  	[tilespmem:s1], [sflag:$0x2] =	stream.linear.gather @!p2 [hbm4b:s16+s0], $0x4000, $0x38;
	[tilespmem:$0x1E800] =	vst v63  }
0x52: {  	s25 =	simm.s32 $0x14200;
	p1 =	slt.u32 s4, $0x4;
	s0 =	simm.s32 @!p0 $0x1  }
0x53: {  	s20 =	simm.s32 @!p0 $0x80;
	s1 =	simm.s32 $0x4;
	_ =	swait.ge @!p0 [sflag:s0], $0x4000  }
.LBB2_4:
0x54: {  	s22 =	simm.s32 @!p1 $0x3;
	[sflag:s0] =	ssyncset.done @!p0 $0x0;
	s6 =	smov.u32 s24  }
0x55: {  	s24 =	smov.u32 s31;
	s31 =	sadd.s32 $0x2, s31;
	s7 =	smov.u32 s26  }
0x56: {  	p2 =	sne.s32 s31, $0x53;
	[sflag:s0] =	ssyncadd.s32 @!p0 $0xFFFFC000  }
0x57: {  	[spmem:s2] =	stream.indirect.scatter.add.f32 @!p0 [tilespmem:s28], [sflag:$0x3], $0x80, s29, s20, $0xb8;
	[tilespmem:$0x1E800] =	vst v63  }
0x58: {  	s0 =	simm.s32 @!p1 $0x2;
	p0 =	sge.u32 s1, s4;
	_ =	swait.ge @!p1 [sflag:s22], $0x4000  }
0x59: {  	s1 =	simm.s32 @!p0 $0x0;
	s28 =	simm.s32 @!p0 $0x16800;
	[sflag:s22] =	ssyncset.done @!p1 $0x0  }
0x5a: {  	s26 =	sadd.s32 $0x1000, s26;
	s29 =	smov.u32 s25;
	[sflag:s22] =	ssyncadd.s32 @!p1 $0xFFFFC000  }
0x5b: {  	[tilespmem:s28], [sflag:$0x1] =	stream.linear.gather @!p0 [hbm4b:s30+s1], $0x4000, $0x38;
	[tilespmem:$0x1E800] =	vst v63  }
0x5c: {  	s20 =	simm.s32 @!p1 $0x4;
	s1 =	simm.s32 @!p1 $0x1A800;
	_ =	swait.ge @!p1 [sflag:s0], $0x4000  }
0x5d: {  	s8 =	simm.s32 @!p1 $0x80;
	s22 =	sadd.s32 @!p1 $0xFFFFFF80, s25;
	[sflag:s0] =	ssyncset.done @!p1 $0x0  }
0x5e: {  	s25 =	sadd.s32 $0x100, s25;
	s30 =	sadd.s32 $0x1000, s30;
	[sflag:s0] =	ssyncadd.s32 @!p1 $0xFFFFC000  }
0x5f: {  	[spmem:s2] =	stream.indirect.scatter.add.f32 @!p1 [tilespmem:s1], [sflag:$0x4], $0x80, s22, s8, $0xb8;
	[tilespmem:$0x1E800] =	vst v63  }
.Ltmp1:
0x60: {  	p3 =	sge.u32 s6, s4;
	_ =	swait.ge @!p1 [sflag:s20], $0x4000;
	(pc) =	sbr.rel @p2 .LBB2_4-.Ltmp1, $4  }
0x61: {  	s6 =	simm.s32 @!p3 $0x0;
	s0 =	simm.s32 @!p0 $0x1;
	[sflag:s20] =	ssyncset.done @!p1 $0x0  }
0x62: {  	s1 =	sadd.s32 $0xFFFFFFFF, s24;
	s8 =	simm.s32 @!p3 $0x1A800;
	[sflag:s20] =	ssyncadd.s32 @!p1 $0xFFFFC000  }
0x63: {  	[tilespmem:s8], [sflag:$0x2] =	stream.linear.gather @!p3 [hbm4b:s7+s6], $0x4000, $0x38;
	[tilespmem:$0x1E800] =	vst v63  }
0x64: {  	p1 =	sgt.u32 s1, s4;
	s20 =	simm.s32 @!p0 $0x80;
	_ =	swait.ge @!p0 [sflag:s0], $0x4000  }
0x65: {  	[sflag:s0] =	ssyncset.done @!p0 $0x0  }
0x66: {  	s6 =	simm.s32 @!p1 $0x3;
	[sflag:s0] =	ssyncadd.s32 @!p0 $0xFFFFC000  }
0x67: {  	[spmem:s2] =	stream.indirect.scatter.add.f32 @!p0 [tilespmem:s28], [sflag:$0x3], $0x80, s29, s20, $0xb8;
	[tilespmem:$0x1E800] =	vst v63  }
0x68: {  	_ =	swait.ge @!p1 [sflag:s6], $0x4000  }
0x69: {  	s0 =	simm.s32 @!p1 $0x2;
	p0 =	sge.u32 s1, s4;
	[sflag:s6] =	ssyncset.done @!p1 $0x0  }
0x6a: {  	s1 =	simm.s32 @!p0 $0x0;
	s7 =	simm.s32 @!p0 $0x16800;
	[sflag:s6] =	ssyncadd.s32 @!p1 $0xFFFFC000  }
0x6b: {  	[tilespmem:s7], [sflag:$0x1] =	stream.linear.gather @!p0 [hbm4b:s30+s1], $0x4000, $0x38;
	[tilespmem:$0x1E800] =	vst v63  }
0x6c: {  	_ =	swait.ge @!p1 [sflag:s0], $0x4000  }
0x6d: {  	s8 =	sadd.s32 @!p1 $0xFFFFFF80, s25;
	s20 =	simm.s32 @!p1 $0x80;
	[sflag:s0] =	ssyncset.done @!p1 $0x0  }
0x6e: {  	s6 =	simm.s32 @!p1 $0x4;
	s1 =	simm.s32 @!p1 $0x1A800;
	[sflag:s0] =	ssyncadd.s32 @!p1 $0xFFFFC000  }
0x6f: {  	[spmem:s2] =	stream.indirect.scatter.add.f32 @!p1 [tilespmem:s1], [sflag:$0x4], $0x80, s8, s20, $0xb8;
	[tilespmem:$0x1E800] =	vst v63  }
0x70: {  	p2 =	sge.u32 s24, s4;
	_ =	swait.ge @!p1 [sflag:s6], $0x4000  }
0x71: {  	s0 =	simm.s32 @!p2 $0x0;
	[sflag:s6] =	ssyncset.done @!p1 $0x0  }
0x72: {  	s1 =	simm.s32 @!p0 $0x1;
	[sflag:s6] =	ssyncadd.s32 @!p1 $0xFFFFC000;
	s6 =	simm.s32 @!p2 $0x1A800  }
0x73: {  	[tilespmem:s6], [sflag:$0x2] =	stream.linear.gather @!p2 [hbm4b:s26+s0], $0x4000, $0x38;
	[tilespmem:$0x1E800] =	vst v63  }
0x74: {  	_ =	swait.ge @!p0 [sflag:s1], $0x4000  }
0x75: {  	s23 =	sadd.s32 $0x1, s23;
	[sflag:s1] =	ssyncset.done @!p0 $0x0  }
0x76: {  	s30 =	stileid.u32;
	s0 =	simm.s32 @!p0 $0x80;
	[sflag:s1] =	ssyncadd.s32 @!p0 $0xFFFFC000  }
0x77: {  	[spmem:s2] =	stream.indirect.scatter.add.f32 @!p0 [tilespmem:s7], [sflag:$0x3], $0x80, s25, s0, $0xb8;
	[tilespmem:$0x1E800] =	vst v63  }
0x78: {  	s31 =	sshrl.u32 s5, $0x3;
	s0 =	sshll.u32 s30, $0x6;
	p0 =	sne.s32 s23, s12  }
.Ltmp2:
0x79: {  	[bflag:$0x0] =	sbarrier.arrive $0xFFFF;
	s0 =	sor.u32 $0x1C05, s0;
	(pc) =	sbr.rel @p0 .LBB2_1-.Ltmp2, $4  }
0x7a: {  	[hbm:s11], [sflag:s0] =	dma.local [spmem:s31], $0x2800  }
0x7b: {  	_ =	swait.ge [sflag:s18], $0x2800  }
0x7c: {  	[sflag:s18] =	ssyncset.done $0x0  }
0x7d: {  	[sflag:s18] =	ssyncadd.s32 $0xFFFFD800  }
0x7e: {  	_ =	sfence.sel $0x180000  }
0x7f: {  	[bflag:$0x0] =	sbarrier.arrive $0xFFFF  }
0x80: {  	_ =	strace $0x9000004D  }
0x81: {  	s0 =	stileid.u32;
	[bflag:$0x2] =	sbarrier.arrive $0xFFFF  }
0x82: {  	p0 =	sne.s32 s0, $0x0;
	s0 =	rddreg [dreg:$0x4]  }
0x83: {  	s0 =	sadd.s32 @!p0 $0x100000, s0  }
0x84: {  	[sflag:s0] =	ssyncadd.tile.s32 @!p0 $0x1;
	_ =	shalt  }
.Lfunc_end2:
_tile_overlayer_lowered:
.L_overlay_start_2:
0x85: {  	(tag) =	ssettag $0x2  }
0x86: {  	s0 =	rddreg [dreg:$0x0];
	s2 =	stileid.u32  }
0x87: {  	s1 =	rddreg [dreg:$0x1];
	p0 =	sne.s32 s2, $0x0  }
0x88: {  	s3 =	rddreg [dreg:$0x2];
	[bflag:$0x3] =	sbarrier.arrive $0xFFFF;
	s2 =	simm.s32 @!p0 $0x1C05  }
0x89: {  	[timem:s3], [sflag:s2] =	dma.local @!p0 [hbm:s0], s1  }
0x8a: {  	s0 =	simm.s32 @!p0 $0x5  }
0x8b: {  	_ =	swait.ge @!p0 [sflag:s0], s1  }
0x8c: {  	s1 =	ssub.s32 @!p0 $0x0, s1;
	[sflag:s0] =	ssyncset.done @!p0 $0x0  }
0x8d: {  	[sflag:s0] =	ssyncadd.s32 @!p0 s1  }
0x8e: {  	[bflag:$0x3] =	sbarrier.arrive $0xFFFF  }
0x8f: {  	_ =	shalt  }

// kernel: kernel.14.cloned.1.call-start
scs
__scs_entry_jumppad:
0x0: {  	(pc) =	sbr.rel $0x88, $3  }
0x1: {  	(tag) =	ssettag $0x0;
	lr =	simm.s32 $0x1  }
0x2: {  	[smem:$0x3F89] =	sst lr;
	_ =	strace $0xD0000000  }
0x3: {  	_ = 	snop  }
0x4: {  	_ = 	snop  }
0x5: {  	_ = 	snop  }
0x6: {  	_ = 	snop  }
0x7: {  	_ = 	snop  }
__scs_overlays_trampoline_lowered:
0x8: {  	[smem:$0x3F98] =	sst s0  }
0x9: {  	[smem:$0x3F99] =	sst s1  }
0xa: {  	[smem:$0x3F9A] =	sst s2  }
0xb: {  	[smem:$0x3F9B] =	sst s3  }
0xc: {  	[smem:$0x3F9C] =	sst s4  }
0xd: {  	[smem:$0x3F9D] =	sst s5  }
0xe: {  	[smem:$0x3F9E] =	sst s6  }
0xf: {  	[smem:$0x3F9F] =	sst s7  }
0x10: {  	[smem:$0x3FA0] =	sst s8  }
0x11: {  	[smem:$0x3FA1] =	sst s9;
	s0 =	simm.s32 @!p0 $0x0  }
0x12: {  	s1 =	sld [smem:$0x3F87];
	s0 =	simm.s32 @p0 $0x1  }
0x13: {  	[smem:$0x3FA2] =	sst s0;
	s0 =	simm.s32 @!p1 $0x0  }
0x14: {  	s2 =	sld [smem:$0x3F86];
	s0 =	simm.s32 @p1 $0x1  }
0x15: {  	[smem:$0x3FA3] =	sst s0;
	s0 =	simm.s32 @!p2 $0x0  }
0x16: {  	s3 =	sld [smem:$0x3FDB];
	s0 =	simm.s32 @p2 $0x1  }
0x17: {  	s4 =	simm.s32 $0x1BF5;
	[smem:$0x3FA5] =	sst s0  }
0x18: {  	s0 =	sld [smem:$0x3F88];
	_ =	swait.ge [sflag:s4], $0x0  }
0x19: {  	s7 =	sld [smem:$0x3F89]  }
0x1a: {  	s8 =	sadd.s32 $0xFFFFE003, lr  }
0x1b: {  	s9 =	sadd.s32 $0xFFFFFEF7, lr;
	s5 =	simm.s32 $0xFFFFFFFF;
	p2 =	slt.u32 s8, $0xFFFFF086  }
0x1c: {  	p1 =	slt.u32 s9, $0xF7A;
	s5 =	simm.s32 @!p2 $0x0  }
0x1d: {  	s5 =	simm.s32 @p1 $0x1;
	p0 =	seq.s32 s7, s2  }
0x1e: {  	s7 =	smul.u32 @!p0 $0xF7A, s2;
	p2 =	seq.s32 @!p0 s5, $0x0  }
0x1f: {  	s9 =	smul.u32 $0xF7A, s1;
	s8 =	simm.s32 @!p0 $0x1BF5;
	p2 =	por !p2, p0  }
0x20: {  	[sflag:s8] =	ssyncset.s32 @!p0 $0xFFFFF086;
	s6 =	sadd.s32 @!p0 s3, s7;
	s7 =	simm.s32 @!p0 $0x108  }
0x21: {  	s3 =	sadd.s32 s3, s9;
	s6 =	sadd.s32 @!p0 $0x88, s6;
	s7 =	simm.s32 @p2 $0x1082  }
0x22: {  	[simem:s7], [sflag:s8] =	dma.local @!p0 [hbm:s6], $0xF7A  }
0x23: {  	s9 =	sor.u32 $0xD0000000, s2;
	s6 =	simm.s32 $0x108;
	_ =	swait.ge @!p0 [sflag:s8], $0x0  }
0x24: {  	s3 =	sadd.s32 $0x88, s3;
	s6 =	simm.s32 @!p1 $0x1082;
	[sflag:s4] =	ssyncset.s32 $0xFFFFF086  }
0x25: {  	[simem:s6], [sflag:s4] =	dma.local [hbm:s3], $0xF7A  }
0x26: {  	[smem:$0x3F89] =	sst s1;
	(tag) =	ssettag s2;
	_ =	strace s9  }
0x27: {  	s1 =	sld [smem:$0x3F99]  }
0x28: {  	s2 =	sld [smem:$0x3F9A]  }
0x29: {  	s4 =	sld [smem:$0x3F9C]  }
0x2a: {  	p0 =	seq.s32 s5, $0x0;
	s5 =	sld [smem:$0x3F9D]  }
0x2b: {  	s6 =	sld [smem:$0x3F9E]  }
0x2c: {  	s7 =	sld [smem:$0x3F9F]  }
0x2d: {  	s3 =	simm.s32 $0x108;
	s8 =	sld [smem:$0x3FA0]  }
0x2e: {  	s3 =	simm.s32 @!p0 $0x1082;
	s9 =	sld [smem:$0x3FA1]  }
0x2f: {  	lr =	sadd.s32 s0, s3;
	s0 =	sld [smem:$0x3F98]  }
0x30: {  	s3 =	sld [smem:$0x3F9B]  }
0x31: {  	[smem:$0x3FA4] =	sst s10  }
0x32: {  	s10 =	sld [smem:$0x3FA2];
	_ =	sdelay $0x3  }
0x33: {  	p0 =	seq.s32 s10, $0x1;
	s10 =	sld [smem:$0x3FA4];
	_ =	sdelay $0x3  }
0x34: {  	[smem:$0x3FA4] =	sst s10  }
0x35: {  	s10 =	sld [smem:$0x3FA3];
	_ =	sdelay $0x3  }
0x36: {  	p1 =	seq.s32 s10, $0x1;
	s10 =	sld [smem:$0x3FA4];
	_ =	sdelay $0x3  }
0x37: {  	[smem:$0x3FA4] =	sst s10  }
0x38: {  	s10 =	sld [smem:$0x3FA5]  }
0x39: {  	_ = 	snop;
	(pc) =	sbr.ind lr, $3  }
0x3a: {  	_ = 	snop  }
0x3b: {  	_ = 	snop  }
0x3c: {  	p2 =	seq.s32 s10, $0x1;
	s10 =	sld [smem:$0x3FA4]  }
0x3d: {  	_ =	shalt  }
0x3e: {  	_ =	shalt  }
0x3f: {  	_ =	shalt  }
0x40: {  	_ =	shalt  }
0x41: {  	_ =	shalt  }
0x42: {  	_ =	shalt  }
0x43: {  	_ =	shalt  }
0x44: {  	_ =	shalt  }
0x45: {  	_ =	shalt  }
0x46: {  	_ =	shalt  }
0x47: {  	_ =	shalt  }
0x48: {  	_ =	shalt  }
0x49: {  	_ =	shalt  }
0x4a: {  	_ =	shalt  }
0x4b: {  	_ =	shalt  }
0x4c: {  	_ =	shalt  }
0x4d: {  	_ =	shalt  }
0x4e: {  	_ =	shalt  }
0x4f: {  	_ =	shalt  }
0x50: {  	_ =	shalt  }
0x51: {  	_ =	shalt  }
0x52: {  	_ =	shalt  }
0x53: {  	_ =	shalt  }
0x54: {  	_ =	shalt  }
0x55: {  	_ =	shalt  }
0x56: {  	_ =	shalt  }
0x57: {  	_ =	shalt  }
0x58: {  	_ =	shalt  }
0x59: {  	_ =	shalt  }
0x5a: {  	_ =	shalt  }
0x5b: {  	_ =	shalt  }
0x5c: {  	_ =	shalt  }
0x5d: {  	_ =	shalt  }
0x5e: {  	_ =	shalt  }
0x5f: {  	_ =	shalt  }
0x60: {  	_ =	shalt  }
0x61: {  	_ =	shalt  }
0x62: {  	_ =	shalt  }
0x63: {  	_ =	shalt  }
0x64: {  	_ =	shalt  }
0x65: {  	_ =	shalt  }
0x66: {  	_ =	shalt  }
0x67: {  	_ =	shalt  }
0x68: {  	_ =	shalt  }
0x69: {  	_ =	shalt  }
0x6a: {  	_ =	shalt  }
0x6b: {  	_ =	shalt  }
0x6c: {  	_ =	shalt  }
0x6d: {  	_ =	shalt  }
0x6e: {  	_ =	shalt  }
0x6f: {  	_ =	shalt  }
0x70: {  	_ =	shalt  }
0x71: {  	_ =	shalt  }
0x72: {  	_ =	shalt  }
0x73: {  	_ =	shalt  }
0x74: {  	_ =	shalt  }
0x75: {  	_ =	shalt  }
0x76: {  	_ =	shalt  }
0x77: {  	_ =	shalt  }
0x78: {  	_ =	shalt  }
0x79: {  	_ =	shalt  }
0x7a: {  	_ =	shalt  }
0x7b: {  	_ =	shalt  }
0x7c: {  	_ =	shalt  }
0x7d: {  	_ =	shalt  }
0x7e: {  	_ =	shalt  }
0x7f: {  	_ =	shalt  }
0x80: {  	_ =	shalt  }
0x81: {  	_ =	shalt  }
0x82: {  	_ =	shalt  }
0x83: {  	_ =	shalt  }
0x84: {  	_ =	shalt  }
0x85: {  	_ =	shalt  }
0x86: {  	_ =	shalt  }
0x87: {  	_ =	shalt  }
.Lfunc_end0:
.L_simem_size_0:
called_computation.1_lowered:
.L_overlay_start_0:
0x88: {  	s2 =	sld [smem:$0x3FD9]  }
0x89: {  	s3 =	sld [smem:$0x3FFE];
	_ =	sdelay $0x1  }
0x8a: {  	s1 =	srdreg.scid  }
0x8b: {  	s0 =	sand.u32 $0x1, s1  }
0x8c: {  	s14 =	sshll.u32 s0, $0xA;
	s2 =	sadd.s32 s3, s2  }
0x8d: {  	s2 =	sadd.s32 s2, s14  }
0x8e: {  	[smem:$0x3FB0] =	sst s2  }
0x8f: {  	_ = 	snop  }
0x90: {  	s2 =	sld [smem:$0x3FD0];
	_ =	sdelay $0x1  }
0x91: {  	s15 =	sld [smem:$0x3FC9]  }
0x92: {  	s5 =	simm.s32 $0xC;
	s6 =	simm.s32 $0x10;
	s4 =	sld [smem:$0x3FB4]  }
0x93: {  	[smem:s6], [sflag:s5] =	dma.local [hbm:s2], $0x1  }
0x94: {  	_ =	swait.eq [sflag:s5], $0x1  }
0x95: {  	[sflag:s5] =	ssyncset.done $0x0  }
0x96: {  	[sflag:s5] =	ssyncadd.s32 $0xFFFFFFFF  }
0x97: {  	s16 =	sld [smem:$0x10];
	(tm) =	ssettm $0x1  }
0x98: {  	s17 =	sld [smem:$0x3FFB];
	_ =	sdelay $0x3  }
0x99: {  	_ =	strace s17  }
0x9a: {  	s5 =	sld [smem:$0x3FFC];
	_ =	sdelay $0x3  }
0x9b: {  	_ =	strace s5  }
0x9c: {  	s5 =	sld [smem:$0x3FFD];
	_ =	sdelay $0x3  }
0x9d: {  	_ =	strace s5  }
0x9e: {  	_ =	strace $0x8FFFFFFF  }
0x9f: {  	s18 =	sld [smem:$0x3FDB];
	_ =	sdelay $0x1  }
0xa0: {  	s19 =	simm.s32 $_scs_section_size  }
0xa1: {  	s7 =	simm.s32 $_size__tile_overlayer_lowered;
	s8 =	simm.s32 $_tile_overlayer_lowered  }
0xa2: {  	s22 =	simm.s32 $0x1BFF;
	s21 =	sshll.u32 s8, $0x1;
	s5 =	sadd.s32 s19, s18  }
0xa3: {  	s9 =	simm.s32 $0x0;
	s20 =	sshll.u32 s7, $0x1;
	s7 =	sadd.s32 s21, s5  }
0xa4: {  	[timem:s9], [sflag:s22] =	dma.local [hbm:s7], s20  }
0xa5: {  	_ =	swait.ge [sflag:s22], s20  }
0xa6: {  	s6 =	ssub.s32 $0x0, s20;
	[sflag:s22] =	ssyncset.done $0x0  }
0xa7: {  	[sflag:s22] =	ssyncadd.s32 s6;
	_ =	sdelay $0x1  }
0xa8: {  	s23 =	simm.s32 $0x1B8B  }
0xa9: {  	_ =	swait.ge [sflag:s23], $0x1  }
0xaa: {  	[sflag:s23] =	ssyncset.done $0x0  }
0xab: {  	s25 =	simm.s32 $0x1B8E;
	s24 =	sld [smem:$0x3FFE];
	[sflag:s23] =	ssyncadd.s32 $0xFFFFFFFF  }
0xac: {  	s26 =	simm.s32 $execute0_lowered;
	[smem:$0x3FD2] =	sst s25  }
0xad: {  	s7 =	sshll.u32 s26, $0x1;
	_ =	strace $0x80000046;
	[dreg:$0x1] =	wrdreg $0xFFFFFFFF  }
0xae: {  	s28 =	simm.s32 $_size_execute0_lowered;
	s5 =	sadd.s32 s5, s7;
	[dreg:$0x0] =	wrdreg $0x0  }
0xaf: {  	s7 =	sshll.u32 s28, $0x1;
	[dreg:$0x2] =	wrdreg s5  }
0xb0: {  	[dreg:$0x3] =	wrdreg s7  }
0xb1: {  	[dreg:$0x4] =	wrdreg $0xC0  }
0xb2: {  	_ =	task [dreg:s9], $0x5FFFF  }
0xb3: {  	[dreg:$0x1] =	wrdreg $0xFFFFFFFF  }
0xb4: {  	[dreg:$0x0] =	wrdreg $0x60  }
0xb5: {  	[dreg:$0x2] =	wrdreg s15  }
0xb6: {  	[dreg:$0x3] =	wrdreg s4  }
0xb7: {  	[dreg:$0x4] =	wrdreg s16  }
0xb8: {  	[dreg:$0x5] =	wrdreg s24  }
0xb9: {  	[dreg:$0x6] =	wrdreg $0x9  }
0xba: {  	_ =	task.clear_ibuf [dreg:s9], $0x7FFFF;
	_ =	strace $0x90000046  }
0xbb: {  	s29 =	simm.s32 $0x9;
	_ =	strace $0x80000048  }
0xbc: {  	_ =	swait.ge [sflag:s29], $0x1  }
0xbd: {  	[sflag:s29] =	ssyncadd.s32 $0xFFFFFFFF  }
0xbe: {  	_ =	strace $0x90000048  }
0xbf: {  	_ =	sfence  }
0xc0: {  	s30 =	sld [smem:$0x0];
	_ =	sdelay $0x2  }
0xc1: {  	s31 =	sshll.u32 s1, $0xD;
	s1 =	sshrl.u32 s1, $0x2  }
0xc2: {  	s3 =	sand.u32 $0x4000, s31;
	s1 =	sadd.s32 s1, s30  }
0xc3: {  	s0 =	sor.u32 s3, s0;
	s1 =	sshll.u32 s1, $0x11  }
0xc4: {  	s0 =	sor.u32 s1, s0  }
0xc5: {  	s0 =	sadd.s32 $0x8F2B, s0  }
0xc6: {  	[sflag:s0] =	ssyncadd.remote.s32 $0x1  }
0xc7: {  	_ =	sfence.sel $0xFFFF  }
0xc8: {  	[dreg:$0x0] =	wrdreg $0xFFFFFFFF;
	(pc) =	sbr.abs _section_cstart, $3  }
0xc9: {  	[dreg:$0x1] =	wrdreg $0xFFFFFFFF  }
0xca: {  	_ =	task.clear_ibuf [dreg:s9], $0x2FFFF;
	_ =	strace $0x9FFFFFFF  }
0xcb: {  	(tm) =	ssettm $0x7FFFFFFF  }
tec
execute0_lowered:
.L_overlay_start_1:
0x0: {  	(tag) =	ssettag $0x1  }
0x1: {  	s1 =	rddreg [dreg:$0x0]  }
0x2: {  	s2 =	rddreg [dreg:$0x1]  }
0x3: {  	s3 =	srdreg.scid;
	s0 =	stileid.u32  }
0x4: {  	s5 =	rddreg [dreg:$0x2];
	s19 =	sand.u32 $0x1, s3;
	s30 =	sshll.u32 s0, $0x1  }
0x5: {  	s16 =	rddreg [dreg:$0x3];
	s17 =	sor.u32 s19, s30  }
0x6: {  	s4 =	simm.s32 $0x0;
	s3 =	rddreg [dreg:$0x4];
	s6 =	smul.u32 $0x28, s17  }
0x7: {  	[smem:$0x7FF] =	sst s4  }
0x8: {  	_ =	strace $0x80000047;
	s6 =	sadd.s32 s5, s6;
	s5 =	simm.s32 $0x2  }
0x9: {  	[tilespmem:s4], [sflag:$0x2] =	stream.linear.gather [hbm4b:s6+s4], $0x140, $0x38;
	[tilespmem:$0x2B00] =	vst v63  }
0xa: {  	_ =	swait.ge [sflag:s5], $0x140  }
0xb: {  	s7 =	simm.s32 $0x50;
	[sflag:s5] =	ssyncset.done $0x0  }
0xc: {  	s8 =	simm.s32 $0x180;
	s9 =	simm.s32 $0x1;
	[sflag:s5] =	ssyncadd.s32 $0xFFFFFEC0  }
0xd: {  	[tilespmem:s8], [sflag:$0x1] =	stream.indirect.gather [hbm4b:s2+s7], $0x1, s4, s7, $0xb8;
	[tilespmem:$0x2B00] =	vst v63  }
0xe: {  	_ =	swait.ge [sflag:s9], $0x50  }
0xf: {  	[sflag:s9] =	ssyncset.done $0x0  }
0x10: {  	s10 =	simm.s32 $0x1D0;
	[sflag:s9] =	ssyncadd.s32 $0xFFFFFFB0  }
0x11: {  	[tilespmem:s10], [sflag:$0x1] =	stream.indirect.gather [hbm4b:s2+s7], $0x1, s7, s7, $0xb8;
	[tilespmem:$0x2B00] =	vst v63  }
0x12: {  	_ =	swait.ge [sflag:s9], $0x50  }
0x13: {  	[sflag:s9] =	ssyncset.done $0x0  }
0x14: {  	s11 =	simm.s32 $0xA0;
	s12 =	simm.s32 $0x220;
	[sflag:s9] =	ssyncadd.s32 $0xFFFFFFB0  }
0x15: {  	[tilespmem:s12], [sflag:$0x1] =	stream.indirect.gather [hbm4b:s2+s7], $0x1, s11, s7, $0xb8;
	[tilespmem:$0x2B00] =	vst v63  }
0x16: {  	_ =	swait.ge [sflag:s9], $0x50  }
0x17: {  	[sflag:s9] =	ssyncset.done $0x0  }
0x18: {  	s13 =	simm.s32 $0xF0;
	s14 =	simm.s32 $0x270;
	[sflag:s9] =	ssyncadd.s32 $0xFFFFFFB0  }
0x19: {  	[tilespmem:s14], [sflag:$0x1] =	stream.indirect.gather [hbm4b:s2+s7], $0x1, s13, s7, $0xb8;
	[tilespmem:$0x2B00] =	vst v63  }
0x1a: {  	_ =	swait.ge [sflag:s9], $0x50  }
0x1b: {  	[sflag:s9] =	ssyncset.done $0x0  }
0x1c: {  	s15 =	simm.s32 $0x300;
	[sflag:s9] =	ssyncadd.s32 $0xFFFFFFB0  }
0x1d: {  	[tilespmem:s15], [sflag:$0x1] =	stream.indirect.gather [hbm4b:s1+s7], $0x80, s8, s7, $0xb8;
	[tilespmem:$0x2B00] =	vst v63  }
0x1e: {  	s18 =	smul.u32 $0x1400, s17;
	_ =	swait.ge [sflag:s9], $0x2800  }
0x1f: {  	s20 =	sadd.s32 $0x4600, s16;
	[sflag:s9] =	ssyncset.done $0x0  }
0x20: {  	s16 =	sadd.s32 s20, s18;
	[sflag:s9] =	ssyncadd.s32 $0xFFFFD800  }
0x21: {  	[hbm4b:s16+s4] =	stream.linear.scatter [tilespmem:s15], [sflag:$0x2], $0x2800, $0x38;
	[tilespmem:$0x2B00] =	vst v63  }
0x22: {  	_ =	swait.ge [sflag:s5], $0x2800  }
0x23: {  	[sflag:s5] =	ssyncset.done $0x0  }
0x24: {  	s17 =	smul.u32 $0xA000, s17;
	[sflag:s5] =	ssyncadd.s32 $0xFFFFD800  }
0x25: {  	[tilespmem:s15], [sflag:$0x1] =	stream.indirect.gather [hbm4b:s1+s7], $0x80, s10, s7, $0xb8;
	[tilespmem:$0x2B00] =	vst v63  }
0x26: {  	s17 =	sshrl.u32 s17, $0x3;
	_ =	swait.ge [sflag:s9], $0x2800  }
0x27: {  	s20 =	sadd.s32 s20, s17;
	[sflag:s9] =	ssyncset.done $0x0  }
0x28: {  	s17 =	sadd.s32 $0x500, s20;
	[sflag:s9] =	ssyncadd.s32 $0xFFFFD800  }
0x29: {  	[hbm4b:s17+s4] =	stream.linear.scatter [tilespmem:s15], [sflag:$0x2], $0x2800, $0x38;
	[tilespmem:$0x2B00] =	vst v63  }
0x2a: {  	_ =	swait.ge [sflag:s5], $0x2800  }
0x2b: {  	[sflag:s5] =	ssyncset.done $0x0  }
0x2c: {  	[sflag:s5] =	ssyncadd.s32 $0xFFFFD800  }
0x2d: {  	[tilespmem:s15], [sflag:$0x1] =	stream.indirect.gather [hbm4b:s1+s7], $0x80, s12, s7, $0xb8;
	[tilespmem:$0x2B00] =	vst v63  }
0x2e: {  	_ =	swait.ge [sflag:s9], $0x2800  }
0x2f: {  	[sflag:s9] =	ssyncset.done $0x0  }
0x30: {  	s19 =	ssub.s32 $0x2, s19;
	s18 =	sadd.s32 $0xA00, s20;
	[sflag:s9] =	ssyncadd.s32 $0xFFFFD800  }
0x31: {  	[hbm4b:s18+s4] =	stream.linear.scatter [tilespmem:s15], [sflag:$0x2], $0x2800, $0x38;
	[tilespmem:$0x2B00] =	vst v63  }
0x32: {  	s21 =	sshrl.u32 s19, $0x1;
	_ =	swait.ge [sflag:s5], $0x2800  }
0x33: {  	s21 =	ssub.s32 s19, s21;
	[sflag:s5] =	ssyncset.done $0x0  }
0x34: {  	s31 =	smax.u32 s21, $0x1;
	[sflag:s5] =	ssyncadd.s32 $0xFFFFD800  }
0x35: {  	[tilespmem:s15], [sflag:$0x1] =	stream.indirect.gather [hbm4b:s1+s7], $0x80, s14, s7, $0xb8;
	[tilespmem:$0x2B00] =	vst v63  }
0x36: {  	p0 =	sne.s32 s31, $0x1;
	_ =	swait.ge [sflag:s9], $0x2800  }
.Ltmp0:
0x37: {  	[sflag:s9] =	ssyncset.done $0x0;
	(pc) =	sbr.rel @!p0 .LBB2_2-.Ltmp0, $4  }
0x38: {  	s19 =	sadd.s32 $0xF00, s20;
	[sflag:s9] =	ssyncadd.s32 $0xFFFFD800  }
0x39: {  	[hbm4b:s19+s4] =	stream.linear.scatter [tilespmem:s15], [sflag:$0x2], $0x2800, $0x38;
	[tilespmem:$0x2B00] =	vst v63  }
0x3a: {  	_ =	swait.ge [sflag:s5], $0x2800  }
0x3b: {  	s20 =	sadd.s32 $0xFFFFFFFF, s31;
	[sflag:s5] =	ssyncset.done $0x0  }
.LBB2_1:
0x3c: {  	p0 =	sne.s32 s20, $0x1;
	s20 =	sadd.s32 $0xFFFFFFFF, s20;
	[sflag:s5] =	ssyncadd.s32 $0xFFFFD800  }
0x3d: {  	[tilespmem:s4], [sflag:$0x2] =	stream.linear.gather [hbm4b:s6+s4], $0x140, $0x38;
	[tilespmem:$0x2B00] =	vst v63  }
0x3e: {  	_ =	swait.ge [sflag:s5], $0x140  }
0x3f: {  	[sflag:s5] =	ssyncset.done $0x0  }
0x40: {  	[sflag:s5] =	ssyncadd.s32 $0xFFFFFEC0  }
0x41: {  	[tilespmem:s8], [sflag:$0x1] =	stream.indirect.gather [hbm4b:s2+s7], $0x1, s4, s7, $0xb8;
	[tilespmem:$0x2B00] =	vst v63  }
0x42: {  	_ =	swait.ge [sflag:s9], $0x50  }
0x43: {  	[sflag:s9] =	ssyncset.done $0x0  }
0x44: {  	[sflag:s9] =	ssyncadd.s32 $0xFFFFFFB0  }
0x45: {  	[tilespmem:s10], [sflag:$0x1] =	stream.indirect.gather [hbm4b:s2+s7], $0x1, s7, s7, $0xb8;
	[tilespmem:$0x2B00] =	vst v63  }
0x46: {  	_ =	swait.ge [sflag:s9], $0x50  }
0x47: {  	[sflag:s9] =	ssyncset.done $0x0  }
0x48: {  	[sflag:s9] =	ssyncadd.s32 $0xFFFFFFB0  }
0x49: {  	[tilespmem:s12], [sflag:$0x1] =	stream.indirect.gather [hbm4b:s2+s7], $0x1, s11, s7, $0xb8;
	[tilespmem:$0x2B00] =	vst v63  }
0x4a: {  	_ =	swait.ge [sflag:s9], $0x50  }
0x4b: {  	[sflag:s9] =	ssyncset.done $0x0  }
0x4c: {  	[sflag:s9] =	ssyncadd.s32 $0xFFFFFFB0  }
0x4d: {  	[tilespmem:s14], [sflag:$0x1] =	stream.indirect.gather [hbm4b:s2+s7], $0x1, s13, s7, $0xb8;
	[tilespmem:$0x2B00] =	vst v63  }
0x4e: {  	_ =	swait.ge [sflag:s9], $0x50  }
0x4f: {  	[sflag:s9] =	ssyncset.done $0x0  }
0x50: {  	[sflag:s9] =	ssyncadd.s32 $0xFFFFFFB0  }
0x51: {  	[tilespmem:s15], [sflag:$0x1] =	stream.indirect.gather [hbm4b:s1+s7], $0x80, s8, s7, $0xb8;
	[tilespmem:$0x2B00] =	vst v63  }
0x52: {  	_ =	swait.ge [sflag:s9], $0x2800  }
0x53: {  	[sflag:s9] =	ssyncset.done $0x0  }
0x54: {  	[sflag:s9] =	ssyncadd.s32 $0xFFFFD800  }
0x55: {  	[hbm4b:s16+s4] =	stream.linear.scatter [tilespmem:s15], [sflag:$0x2], $0x2800, $0x38;
	[tilespmem:$0x2B00] =	vst v63  }
0x56: {  	_ =	swait.ge [sflag:s5], $0x2800  }
0x57: {  	[sflag:s5] =	ssyncset.done $0x0  }
0x58: {  	[sflag:s5] =	ssyncadd.s32 $0xFFFFD800  }
0x59: {  	[tilespmem:s15], [sflag:$0x1] =	stream.indirect.gather [hbm4b:s1+s7], $0x80, s10, s7, $0xb8;
	[tilespmem:$0x2B00] =	vst v63  }
0x5a: {  	_ =	swait.ge [sflag:s9], $0x2800  }
0x5b: {  	[sflag:s9] =	ssyncset.done $0x0  }
0x5c: {  	[sflag:s9] =	ssyncadd.s32 $0xFFFFD800  }
0x5d: {  	[hbm4b:s17+s4] =	stream.linear.scatter [tilespmem:s15], [sflag:$0x2], $0x2800, $0x38;
	[tilespmem:$0x2B00] =	vst v63  }
0x5e: {  	_ =	swait.ge [sflag:s5], $0x2800  }
0x5f: {  	[sflag:s5] =	ssyncset.done $0x0  }
0x60: {  	[sflag:s5] =	ssyncadd.s32 $0xFFFFD800  }
0x61: {  	[tilespmem:s15], [sflag:$0x1] =	stream.indirect.gather [hbm4b:s1+s7], $0x80, s12, s7, $0xb8;
	[tilespmem:$0x2B00] =	vst v63  }
0x62: {  	_ =	swait.ge [sflag:s9], $0x2800  }
0x63: {  	[sflag:s9] =	ssyncset.done $0x0  }
0x64: {  	[sflag:s9] =	ssyncadd.s32 $0xFFFFD800  }
0x65: {  	[hbm4b:s18+s4] =	stream.linear.scatter [tilespmem:s15], [sflag:$0x2], $0x2800, $0x38;
	[tilespmem:$0x2B00] =	vst v63  }
0x66: {  	_ =	swait.ge [sflag:s5], $0x2800  }
0x67: {  	[sflag:s5] =	ssyncset.done $0x0  }
0x68: {  	[sflag:s5] =	ssyncadd.s32 $0xFFFFD800  }
0x69: {  	[tilespmem:s15], [sflag:$0x1] =	stream.indirect.gather [hbm4b:s1+s7], $0x80, s14, s7, $0xb8;
	[tilespmem:$0x2B00] =	vst v63  }
0x6a: {  	_ =	swait.ge [sflag:s9], $0x2800  }
.Ltmp1:
0x6b: {  	[sflag:s9] =	ssyncset.done $0x0;
	(pc) =	sbr.rel @p0 .LBB2_1-.Ltmp1, $4  }
0x6c: {  	[sflag:s9] =	ssyncadd.s32 $0xFFFFD800  }
0x6d: {  	[hbm4b:s19+s4] =	stream.linear.scatter [tilespmem:s15], [sflag:$0x2], $0x2800, $0x38;
	[tilespmem:$0x2B00] =	vst v63  }
0x6e: {  	_ =	swait.ge [sflag:s5], $0x2800  }
0x6f: {  	[sflag:s5] =	ssyncset.done $0x0  }
.LBB2_2:
0x70: {  	[sflag:s5] =	ssyncadd.s32 $0xFFFFD800  }
0x71: {  	_ =	sfence.sel $0x180000  }
0x72: {  	[bflag:$0x0] =	sbarrier.arrive $0xFFFF  }
0x73: {  	p0 =	sne.s32 s0, $0x0;
	_ =	strace $0x90000047  }
0x74: {  	s0 =	sadd.s32 @!p0 $0x100000, s3;
	[bflag:$0x2] =	sbarrier.arrive $0xFFFF  }
0x75: {  	[sflag:s0] =	ssyncadd.tile.s32 @!p0 $0x1;
	_ =	shalt  }
.Lfunc_end2:
_tile_overlayer_lowered:
.L_overlay_start_2:
0x76: {  	(tag) =	ssettag $0x2  }
0x77: {  	s0 =	rddreg [dreg:$0x0];
	s2 =	stileid.u32  }
0x78: {  	s1 =	rddreg [dreg:$0x1];
	p0 =	sne.s32 s2, $0x0  }
0x79: {  	s3 =	rddreg [dreg:$0x2];
	[bflag:$0x3] =	sbarrier.arrive $0xFFFF;
	s2 =	simm.s32 @!p0 $0x1C02  }
0x7a: {  	[timem:s3], [sflag:s2] =	dma.local @!p0 [hbm:s0], s1  }
0x7b: {  	s0 =	simm.s32 @!p0 $0x2  }
0x7c: {  	_ =	swait.ge @!p0 [sflag:s0], s1  }
0x7d: {  	s1 =	ssub.s32 @!p0 $0x0, s1;
	[sflag:s0] =	ssyncset.done @!p0 $0x0  }
0x7e: {  	[sflag:s0] =	ssyncadd.s32 @!p0 s1  }
0x7f: {  	[bflag:$0x3] =	sbarrier.arrive $0xFFFF  }
0x80: {  	_ =	shalt  }

// kernel: kernel.17.cloned.1.call-start
scs
__scs_entry_jumppad:
0x0: {  	(pc) =	sbr.rel $0x88, $3  }
0x1: {  	(tag) =	ssettag $0x0;
	lr =	simm.s32 $0x1  }
0x2: {  	[smem:$0x3F89] =	sst lr;
	_ =	strace $0xD0000000  }
0x3: {  	_ = 	snop  }
0x4: {  	_ = 	snop  }
0x5: {  	_ = 	snop  }
0x6: {  	_ = 	snop  }
0x7: {  	_ = 	snop  }
__scs_overlays_trampoline_lowered:
0x8: {  	[smem:$0x3F98] =	sst s0  }
0x9: {  	[smem:$0x3F99] =	sst s1  }
0xa: {  	[smem:$0x3F9A] =	sst s2  }
0xb: {  	[smem:$0x3F9B] =	sst s3  }
0xc: {  	[smem:$0x3F9C] =	sst s4  }
0xd: {  	[smem:$0x3F9D] =	sst s5  }
0xe: {  	[smem:$0x3F9E] =	sst s6  }
0xf: {  	[smem:$0x3F9F] =	sst s7  }
0x10: {  	[smem:$0x3FA0] =	sst s8  }
0x11: {  	[smem:$0x3FA1] =	sst s9;
	s0 =	simm.s32 @!p0 $0x0  }
0x12: {  	s1 =	sld [smem:$0x3F87];
	s0 =	simm.s32 @p0 $0x1  }
0x13: {  	[smem:$0x3FA2] =	sst s0;
	s0 =	simm.s32 @!p1 $0x0  }
0x14: {  	s2 =	sld [smem:$0x3F86];
	s0 =	simm.s32 @p1 $0x1  }
0x15: {  	[smem:$0x3FA3] =	sst s0;
	s0 =	simm.s32 @!p2 $0x0  }
0x16: {  	s3 =	sld [smem:$0x3FDB];
	s0 =	simm.s32 @p2 $0x1  }
0x17: {  	s4 =	simm.s32 $0x1BF5;
	[smem:$0x3FA5] =	sst s0  }
0x18: {  	s0 =	sld [smem:$0x3F88];
	_ =	swait.ge [sflag:s4], $0x0  }
0x19: {  	s7 =	sld [smem:$0x3F89]  }
0x1a: {  	s8 =	sadd.s32 $0xFFFFE003, lr  }
0x1b: {  	s9 =	sadd.s32 $0xFFFFFEF7, lr;
	s5 =	simm.s32 $0xFFFFFFFF;
	p2 =	slt.u32 s8, $0xFFFFF086  }
0x1c: {  	p1 =	slt.u32 s9, $0xF7A;
	s5 =	simm.s32 @!p2 $0x0  }
0x1d: {  	s5 =	simm.s32 @p1 $0x1;
	p0 =	seq.s32 s7, s2  }
0x1e: {  	s7 =	smul.u32 @!p0 $0xF7A, s2;
	p2 =	seq.s32 @!p0 s5, $0x0  }
0x1f: {  	s9 =	smul.u32 $0xF7A, s1;
	s8 =	simm.s32 @!p0 $0x1BF5;
	p2 =	por !p2, p0  }
0x20: {  	[sflag:s8] =	ssyncset.s32 @!p0 $0xFFFFF086;
	s6 =	sadd.s32 @!p0 s3, s7;
	s7 =	simm.s32 @!p0 $0x108  }
0x21: {  	s3 =	sadd.s32 s3, s9;
	s6 =	sadd.s32 @!p0 $0x88, s6;
	s7 =	simm.s32 @p2 $0x1082  }
0x22: {  	[simem:s7], [sflag:s8] =	dma.local @!p0 [hbm:s6], $0xF7A  }
0x23: {  	s9 =	sor.u32 $0xD0000000, s2;
	s6 =	simm.s32 $0x108;
	_ =	swait.ge @!p0 [sflag:s8], $0x0  }
0x24: {  	s3 =	sadd.s32 $0x88, s3;
	s6 =	simm.s32 @!p1 $0x1082;
	[sflag:s4] =	ssyncset.s32 $0xFFFFF086  }
0x25: {  	[simem:s6], [sflag:s4] =	dma.local [hbm:s3], $0xF7A  }
0x26: {  	[smem:$0x3F89] =	sst s1;
	(tag) =	ssettag s2;
	_ =	strace s9  }
0x27: {  	s1 =	sld [smem:$0x3F99]  }
0x28: {  	s2 =	sld [smem:$0x3F9A]  }
0x29: {  	s4 =	sld [smem:$0x3F9C]  }
0x2a: {  	p0 =	seq.s32 s5, $0x0;
	s5 =	sld [smem:$0x3F9D]  }
0x2b: {  	s6 =	sld [smem:$0x3F9E]  }
0x2c: {  	s7 =	sld [smem:$0x3F9F]  }
0x2d: {  	s3 =	simm.s32 $0x108;
	s8 =	sld [smem:$0x3FA0]  }
0x2e: {  	s3 =	simm.s32 @!p0 $0x1082;
	s9 =	sld [smem:$0x3FA1]  }
0x2f: {  	lr =	sadd.s32 s0, s3;
	s0 =	sld [smem:$0x3F98]  }
0x30: {  	s3 =	sld [smem:$0x3F9B]  }
0x31: {  	[smem:$0x3FA4] =	sst s10  }
0x32: {  	s10 =	sld [smem:$0x3FA2];
	_ =	sdelay $0x3  }
0x33: {  	p0 =	seq.s32 s10, $0x1;
	s10 =	sld [smem:$0x3FA4];
	_ =	sdelay $0x3  }
0x34: {  	[smem:$0x3FA4] =	sst s10  }
0x35: {  	s10 =	sld [smem:$0x3FA3];
	_ =	sdelay $0x3  }
0x36: {  	p1 =	seq.s32 s10, $0x1;
	s10 =	sld [smem:$0x3FA4];
	_ =	sdelay $0x3  }
0x37: {  	[smem:$0x3FA4] =	sst s10  }
0x38: {  	s10 =	sld [smem:$0x3FA5]  }
0x39: {  	_ = 	snop;
	(pc) =	sbr.ind lr, $3  }
0x3a: {  	_ = 	snop  }
0x3b: {  	_ = 	snop  }
0x3c: {  	p2 =	seq.s32 s10, $0x1;
	s10 =	sld [smem:$0x3FA4]  }
0x3d: {  	_ =	shalt  }
0x3e: {  	_ =	shalt  }
0x3f: {  	_ =	shalt  }
0x40: {  	_ =	shalt  }
0x41: {  	_ =	shalt  }
0x42: {  	_ =	shalt  }
0x43: {  	_ =	shalt  }
0x44: {  	_ =	shalt  }
0x45: {  	_ =	shalt  }
0x46: {  	_ =	shalt  }
0x47: {  	_ =	shalt  }
0x48: {  	_ =	shalt  }
0x49: {  	_ =	shalt  }
0x4a: {  	_ =	shalt  }
0x4b: {  	_ =	shalt  }
0x4c: {  	_ =	shalt  }
0x4d: {  	_ =	shalt  }
0x4e: {  	_ =	shalt  }
0x4f: {  	_ =	shalt  }
0x50: {  	_ =	shalt  }
0x51: {  	_ =	shalt  }
0x52: {  	_ =	shalt  }
0x53: {  	_ =	shalt  }
0x54: {  	_ =	shalt  }
0x55: {  	_ =	shalt  }
0x56: {  	_ =	shalt  }
0x57: {  	_ =	shalt  }
0x58: {  	_ =	shalt  }
0x59: {  	_ =	shalt  }
0x5a: {  	_ =	shalt  }
0x5b: {  	_ =	shalt  }
0x5c: {  	_ =	shalt  }
0x5d: {  	_ =	shalt  }
0x5e: {  	_ =	shalt  }
0x5f: {  	_ =	shalt  }
0x60: {  	_ =	shalt  }
0x61: {  	_ =	shalt  }
0x62: {  	_ =	shalt  }
0x63: {  	_ =	shalt  }
0x64: {  	_ =	shalt  }
0x65: {  	_ =	shalt  }
0x66: {  	_ =	shalt  }
0x67: {  	_ =	shalt  }
0x68: {  	_ =	shalt  }
0x69: {  	_ =	shalt  }
0x6a: {  	_ =	shalt  }
0x6b: {  	_ =	shalt  }
0x6c: {  	_ =	shalt  }
0x6d: {  	_ =	shalt  }
0x6e: {  	_ =	shalt  }
0x6f: {  	_ =	shalt  }
0x70: {  	_ =	shalt  }
0x71: {  	_ =	shalt  }
0x72: {  	_ =	shalt  }
0x73: {  	_ =	shalt  }
0x74: {  	_ =	shalt  }
0x75: {  	_ =	shalt  }
0x76: {  	_ =	shalt  }
0x77: {  	_ =	shalt  }
0x78: {  	_ =	shalt  }
0x79: {  	_ =	shalt  }
0x7a: {  	_ =	shalt  }
0x7b: {  	_ =	shalt  }
0x7c: {  	_ =	shalt  }
0x7d: {  	_ =	shalt  }
0x7e: {  	_ =	shalt  }
0x7f: {  	_ =	shalt  }
0x80: {  	_ =	shalt  }
0x81: {  	_ =	shalt  }
0x82: {  	_ =	shalt  }
0x83: {  	_ =	shalt  }
0x84: {  	_ =	shalt  }
0x85: {  	_ =	shalt  }
0x86: {  	_ =	shalt  }
0x87: {  	_ =	shalt  }
.Lfunc_end0:
.L_simem_size_0:
called_computation.2_lowered:
.L_overlay_start_0:
0x88: {  	s2 =	sld [smem:$0x3FD9]  }
0x89: {  	s3 =	sld [smem:$0x3FFE];
	_ =	sdelay $0x1  }
0x8a: {  	s1 =	srdreg.scid  }
0x8b: {  	s0 =	sand.u32 $0x1, s1  }
0x8c: {  	s14 =	sshll.u32 s0, $0xA;
	s2 =	sadd.s32 s3, s2  }
0x8d: {  	s2 =	sadd.s32 s2, s14  }
0x8e: {  	[smem:$0x3FB0] =	sst s2  }
0x8f: {  	_ = 	snop  }
0x90: {  	s2 =	sld [smem:$0x3FD0];
	_ =	sdelay $0x2  }
0x91: {  	s15 =	simm.s32 $0xC;
	s4 =	simm.s32 $0x10  }
0x92: {  	[smem:s4], [sflag:s15] =	dma.local [hbm:s2], $0x1  }
0x93: {  	_ =	swait.eq [sflag:s15], $0x1  }
0x94: {  	[sflag:s15] =	ssyncset.done $0x0  }
0x95: {  	[sflag:s15] =	ssyncadd.s32 $0xFFFFFFFF  }
0x96: {  	s16 =	sld [smem:$0x12];
	(tm) =	ssettm $0x1  }
0x97: {  	s17 =	sld [smem:$0x3FFB];
	_ =	sdelay $0x3  }
0x98: {  	_ =	strace s17  }
0x99: {  	s3 =	sld [smem:$0x3FFC];
	_ =	sdelay $0x3  }
0x9a: {  	_ =	strace s3  }
0x9b: {  	s3 =	sld [smem:$0x3FFD];
	_ =	sdelay $0x3  }
0x9c: {  	_ =	strace s3  }
0x9d: {  	_ =	strace $0x8FFFFFFF  }
0x9e: {  	s18 =	sld [smem:$0x3FDB];
	_ =	sdelay $0x1  }
0x9f: {  	s19 =	simm.s32 $_scs_section_size  }
0xa0: {  	s5 =	simm.s32 $_size__tile_overlayer_lowered;
	s6 =	simm.s32 $_tile_overlayer_lowered  }
0xa1: {  	s22 =	simm.s32 $0x1BFF;
	s21 =	sshll.u32 s6, $0x1;
	s3 =	sadd.s32 s19, s18  }
0xa2: {  	s7 =	simm.s32 $0x0;
	s20 =	sshll.u32 s5, $0x1;
	s5 =	sadd.s32 s21, s3  }
0xa3: {  	[timem:s7], [sflag:s22] =	dma.local [hbm:s5], s20  }
0xa4: {  	_ =	swait.ge [sflag:s22], s20  }
0xa5: {  	s4 =	ssub.s32 $0x0, s20;
	[sflag:s22] =	ssyncset.done $0x0  }
0xa6: {  	[sflag:s22] =	ssyncadd.s32 s4;
	_ =	sdelay $0x1  }
0xa7: {  	s23 =	simm.s32 $0x1B8B  }
0xa8: {  	_ =	swait.ge [sflag:s23], $0x1  }
0xa9: {  	[sflag:s23] =	ssyncset.done $0x0  }
0xaa: {  	s25 =	simm.s32 $0x1B8E;
	s24 =	sld [smem:$0x3FFE];
	[sflag:s23] =	ssyncadd.s32 $0xFFFFFFFF  }
0xab: {  	s26 =	simm.s32 $execute0_lowered;
	[smem:$0x3FD2] =	sst s25  }
0xac: {  	s5 =	sshll.u32 s26, $0x1;
	_ =	strace $0x80000049;
	[dreg:$0x1] =	wrdreg $0xFFFFFFFF  }
0xad: {  	s28 =	simm.s32 $_size_execute0_lowered;
	s3 =	sadd.s32 s3, s5;
	[dreg:$0x0] =	wrdreg $0x0  }
0xae: {  	s5 =	sshll.u32 s28, $0x1;
	[dreg:$0x2] =	wrdreg s3  }
0xaf: {  	[dreg:$0x3] =	wrdreg s5  }
0xb0: {  	[dreg:$0x4] =	wrdreg $0xC0  }
0xb1: {  	_ =	task [dreg:s7], $0x5FFFF  }
0xb2: {  	[dreg:$0x1] =	wrdreg $0xFFFFFFFF  }
0xb3: {  	[dreg:$0x0] =	wrdreg $0x60  }
0xb4: {  	[dreg:$0x2] =	wrdreg s24  }
0xb5: {  	[dreg:$0x3] =	wrdreg s16  }
0xb6: {  	[dreg:$0x4] =	wrdreg $0x0  }
0xb7: {  	[dreg:$0x5] =	wrdreg $0xA  }
0xb8: {  	_ =	task.clear_ibuf [dreg:s7], $0x6FFFF;
	_ =	strace $0x90000049  }
0xb9: {  	s29 =	simm.s32 $0xA;
	_ =	strace $0x8000004B  }
0xba: {  	_ =	swait.ge [sflag:s29], $0x1  }
0xbb: {  	[sflag:s29] =	ssyncadd.s32 $0xFFFFFFFF  }
0xbc: {  	_ =	strace $0x9000004B  }
0xbd: {  	_ =	sfence  }
0xbe: {  	s30 =	sld [smem:$0x0];
	_ =	sdelay $0x2  }
0xbf: {  	s31 =	sshll.u32 s1, $0xD;
	s1 =	sshrl.u32 s1, $0x2  }
0xc0: {  	s3 =	sand.u32 $0x4000, s31;
	s1 =	sadd.s32 s1, s30  }
0xc1: {  	s0 =	sor.u32 s3, s0;
	s1 =	sshll.u32 s1, $0x11  }
0xc2: {  	s0 =	sor.u32 s1, s0  }
0xc3: {  	s0 =	sadd.s32 $0x8F2B, s0  }
0xc4: {  	[sflag:s0] =	ssyncadd.remote.s32 $0x1  }
0xc5: {  	_ =	sfence.sel $0xFFFF  }
0xc6: {  	[dreg:$0x0] =	wrdreg $0xFFFFFFFF;
	(pc) =	sbr.abs _section_cstart, $3  }
0xc7: {  	[dreg:$0x1] =	wrdreg $0xFFFFFFFF  }
0xc8: {  	_ =	task.clear_ibuf [dreg:s7], $0x2FFFF;
	_ =	strace $0x9FFFFFFF  }
0xc9: {  	(tm) =	ssettm $0x7FFFFFFF  }
tec
execute0_lowered:
.L_overlay_start_1:
0x0: {  	(tag) =	ssettag $0x1  }
0x1: {  	s4 =	rddreg [dreg:$0x0]  }
0x2: {  	s7 =	rddreg [dreg:$0x1];
	s0 =	stileid.u32  }
0x3: {  	s2 =	rddreg [dreg:$0x2];
	s1 =	simm.s32 $0x0;
	s6 =	smul.u32 $0x2800, s0  }
0x4: {  	s5 =	srdreg.scid;
	s19 =	simm.s32 $0x1;
	s11 =	smul.u32 $0x50000, s0  }
0x5: {  	s20 =	simm.s32 $0x0;
	s8 =	sand.u32 $0x1, s5;
	s14 =	smul.u32 $0xA0, s0  }
0x6: {  	s23 =	sshll.u32 s0, $0x1;
	[smem:$0x7FF] =	sst s1;
	s16 =	smul.u32 $0x50, s8  }
0x7: {  	s10 =	sadd.s32 $0x54600, s4;
	s9 =	sor.u32 s8, s23;
	s29 =	smul.u32 $0x28000, s8  }
0x8: {  	s15 =	sshll.u32 s0, $0x6;
	_ =	strace $0x8000004A;
	s25 =	smul.u32 $0x50, s9  }
0x9: {  	s26 =	ssub.s32 $0x2, s8;
	s24 =	sadd.s32 s6, s4;
	s13 =	smul.u32 $0x500, s9  }
0xa: {  	s12 =	sshrl.u32 s26, $0x1;
	s28 =	sshrl.u32 s11, $0x2;
	s9 =	smul.u32 $0x28000, s9  }
0xb: {  	s11 =	sadd.s32 s11, s10;
	s12 =	ssub.s32 s26, s12;
	s17 =	sadd.s32 s28, s2  }
0xc: {  	s5 =	sadd.s32 $0x2C600, s24;
	s30 =	sadd.s32 s16, s14;
	s11 =	sadd.s32 s29, s11  }
0xd: {  	s16 =	simm.s32 $0x16800;
	s6 =	ssub.s32 $0x9C4, s25;
	s7 =	sadd.s32 s7, s13  }
0xe: {  	s14 =	sshll.u32 s30, $0xB;
	s8 =	smax.u32 s12, $0x1;
	s9 =	sadd.s32 s10, s9  }
0xf: {  	s12 =	sshrl.u32 s17, $0x3;
	s13 =	simm.s32 $0x5;
	s4 =	smin.u32 s6, $0x50  }
0x10: {  	s6 =	sor.u32 $0x1C05, s15;
	s31 =	sadd.s32 s14, s10;
	s10 =	sadd.s32 $0x1000, s11  }
0x11: {  	s14 =	simm.s32 $0x14000;
	s15 =	simm.s32 $0x80;
	s11 =	sadd.s32 $0x800, s31  }
.LBB2_1:
0x12: {  	[spmem:s12], [sflag:s6] =	dma.local [hbm:s5], $0x2800  }
0x13: {  	_ =	swait.ge [sflag:s13], $0x2800  }
0x14: {  	[sflag:s13] =	ssyncset.done $0x0  }
0x15: {  	s0 =	simm.s32 $0x0;
	[sflag:s13] =	ssyncadd.s32 $0xFFFFD800  }
0x16: {  	[tilespmem:s14], [sflag:$0x5] =	stream.linear.gather [hbm4b:s7+s0], $0x2800, $0x38;
	[tilespmem:$0x1E800] =	vst v63  }
0x17: {  	_ =	swait.ge [sflag:s13], $0x2800  }
0x18: {  	[sflag:s13] =	ssyncset.done $0x0  }
0x19: {  	[sflag:s13] =	ssyncadd.s32 $0xFFFFD800  }
0x1a: {  	[bflag:$0x0] =	sbarrier.arrive $0xFFFF  }
0x1b: {  	[tilespmem:s16], [sflag:$0x1] =	stream.indirect.gather [spmem:s2], $0x80, s14, s15, $0xb8;
	[tilespmem:$0x1E800] =	vst v63  }
0x1c: {  	s1 =	simm.s32 $0x14080;
	s3 =	simm.s32 $0x1A800  }
0x1d: {  	[tilespmem:s3], [sflag:$0x2] =	stream.indirect.gather [spmem:s2], $0x80, s1, s15, $0xb8;
	[tilespmem:$0x1E800] =	vst v63  }
0x1e: {  	_ =	swait.ge [sflag:s19], $0x4000  }
0x1f: {  	p1 =	slt.u32 s4, $0x2;
	[sflag:s19] =	ssyncset.done $0x0  }
0x20: {  	s21 =	simm.s32 @!p1 $0x3;
	[sflag:s19] =	ssyncadd.s32 $0xFFFFC000  }
0x21: {  	[hbm4b:s9+s0] =	stream.linear.scatter [tilespmem:s16], [sflag:$0x3], $0x4000, $0x38;
	[tilespmem:$0x1E800] =	vst v63  }
0x22: {  	s22 =	simm.s32 $0x14100;
	_ =	swait.ge @!p1 [sflag:s21], $0x4000  }
0x23: {  	p0 =	sle.u32 s4, $0x2;
	s23 =	simm.s32 @!p1 $0x2;
	[sflag:s21] =	ssyncset.done @!p1 $0x0  }
0x24: {  	s24 =	simm.s32 @!p0 $0x80;
	s25 =	simm.s32 @!p0 $0x16800;
	[sflag:s21] =	ssyncadd.s32 @!p1 $0xFFFFC000  }
0x25: {  	[tilespmem:s25], [sflag:$0x1] =	stream.indirect.gather @!p0 [spmem:s2], $0x80, s22, s24, $0xb8;
	[tilespmem:$0x1E800] =	vst v63  }
0x26: {  	s26 =	simm.s32 $0x7;
	p2 =	sle.u32 s4, $0x3;
	_ =	swait.ge @!p1 [sflag:s23], $0x4000  }
0x27: {  	s28 =	simm.s32 @!p1 $0x1A800;
	s29 =	simm.s32 @!p2 $0x1A800;
	[sflag:s23] =	ssyncset.done @!p1 $0x0  }
0x28: {  	s21 =	simm.s32 @!p1 $0x0;
	s24 =	simm.s32 @!p1 $0x4;
	[sflag:s23] =	ssyncadd.s32 @!p1 $0xFFFFC000  }
0x29: {  	[hbm4b:s11+s21] =	stream.linear.scatter @!p1 [tilespmem:s28], [sflag:$0x4], $0x4000, $0x38;
	[tilespmem:$0x1E800] =	vst v63  }
0x2a: {  	s30 =	simm.s32 @!p0 $0x1;
	s31 =	simm.s32 @!p0 $0x0;
	_ =	swait.ge @!p1 [sflag:s24], $0x4000  }
0x2b: {  	s22 =	simm.s32 $0x5;
	s23 =	sadd.s32 $0x1000, s11;
	[sflag:s24] =	ssyncset.done @!p1 $0x0  }
0x2c: {  	s28 =	simm.s32 @!p2 $0x14180;
	[sflag:s24] =	ssyncadd.s32 @!p1 $0xFFFFC000;
	s24 =	simm.s32 @!p2 $0x80  }
0x2d: {  	[tilespmem:s29], [sflag:$0x2] =	stream.indirect.gather @!p2 [spmem:s2], $0x80, s28, s24, $0xb8;
	[tilespmem:$0x1E800] =	vst v63  }
0x2e: {  	s21 =	sadd.s32 $0x1000, s10;
	p1 =	slt.u32 s4, $0x4;
	s29 =	simm.s32 $0x4  }
0x2f: {  	s24 =	simm.s32 $0x14200;
	s28 =	smov.u32 s10;
	_ =	swait.ge @!p0 [sflag:s30], $0x4000  }
.LBB2_2:
0x30: {  	s0 =	simm.s32 @!p1 $0x3;
	[sflag:s30] =	ssyncset.done @!p0 $0x0;
	s1 =	smov.u32 s22  }
0x31: {  	s22 =	smov.u32 s26;
	s26 =	sadd.s32 $0x2, s26;
	s17 =	smov.u32 s23  }
0x32: {  	p2 =	sne.s32 s26, $0x53;
	[sflag:s30] =	ssyncadd.s32 @!p0 $0xFFFFC000;
	s30 =	smov.u32 s24  }
0x33: {  	[hbm4b:s28+s31] =	stream.linear.scatter @!p0 [tilespmem:s25], [sflag:$0x3], $0x4000, $0x38;
	[tilespmem:$0x1E800] =	vst v63  }
0x34: {  	p0 =	sge.u32 s29, s4;
	s31 =	simm.s32 @!p1 $0x2;
	_ =	swait.ge @!p1 [sflag:s0], $0x4000  }
0x35: {  	s29 =	simm.s32 @!p0 $0x80;
	s25 =	simm.s32 @!p0 $0x16800;
	[sflag:s0] =	ssyncset.done @!p1 $0x0  }
0x36: {  	s23 =	sadd.s32 $0x1000, s23;
	s28 =	smov.u32 s21;
	[sflag:s0] =	ssyncadd.s32 @!p1 $0xFFFFC000  }
0x37: {  	[tilespmem:s25], [sflag:$0x1] =	stream.indirect.gather @!p0 [spmem:s2], $0x80, s24, s29, $0xb8;
	[tilespmem:$0x1E800] =	vst v63  }
0x38: {  	s21 =	sadd.s32 $0x1000, s21;
	s0 =	simm.s32 @!p1 $0x4;
	_ =	swait.ge @!p1 [sflag:s31], $0x4000  }
0x39: {  	s18 =	simm.s32 @!p1 $0x0;
	s3 =	simm.s32 @!p1 $0x1A800;
	[sflag:s31] =	ssyncset.done @!p1 $0x0  }
0x3a: {  	s29 =	sadd.s32 $0xFFFFFFFF, s22;
	s24 =	sadd.s32 $0x100, s24;
	[sflag:s31] =	ssyncadd.s32 @!p1 $0xFFFFC000  }
0x3b: {  	[hbm4b:s17+s18] =	stream.linear.scatter @!p1 [tilespmem:s3], [sflag:$0x4], $0x4000, $0x38;
	[tilespmem:$0x1E800] =	vst v63  }
.Ltmp0:
0x3c: {  	p3 =	sge.u32 s1, s4;
	_ =	swait.ge @!p1 [sflag:s0], $0x4000;
	(pc) =	sbr.rel @p2 .LBB2_2-.Ltmp0, $4  }
0x3d: {  	s1 =	sadd.s32 @!p3 $0x80, s30;
	s30 =	simm.s32 @!p0 $0x1;
	[sflag:s0] =	ssyncset.done @!p1 $0x0  }
0x3e: {  	s3 =	simm.s32 @!p3 $0x1A800;
	[sflag:s0] =	ssyncadd.s32 @!p1 $0xFFFFC000;
	s0 =	simm.s32 @!p3 $0x80  }
0x3f: {  	[tilespmem:s3], [sflag:$0x2] =	stream.indirect.gather @!p3 [spmem:s2], $0x80, s1, s0, $0xb8;
	[tilespmem:$0x1E800] =	vst v63  }
0x40: {  	s31 =	simm.s32 @!p0 $0x0;
	p1 =	sgt.u32 s29, s4;
	_ =	swait.ge @!p0 [sflag:s30], $0x4000  }
0x41: {  	[sflag:s30] =	ssyncset.done @!p0 $0x0  }
0x42: {  	s0 =	simm.s32 @!p1 $0x3;
	[sflag:s30] =	ssyncadd.s32 @!p0 $0xFFFFC000  }
0x43: {  	[hbm4b:s28+s31] =	stream.linear.scatter @!p0 [tilespmem:s25], [sflag:$0x3], $0x4000, $0x38;
	[tilespmem:$0x1E800] =	vst v63  }
0x44: {  	_ =	swait.ge @!p1 [sflag:s0], $0x4000  }
0x45: {  	s1 =	simm.s32 @!p1 $0x2;
	p0 =	sge.u32 s29, s4;
	[sflag:s0] =	ssyncset.done @!p1 $0x0  }
0x46: {  	s3 =	simm.s32 @!p0 $0x80;
	s17 =	simm.s32 @!p0 $0x16800;
	[sflag:s0] =	ssyncadd.s32 @!p1 $0xFFFFC000  }
0x47: {  	[tilespmem:s17], [sflag:$0x1] =	stream.indirect.gather @!p0 [spmem:s2], $0x80, s24, s3, $0xb8;
	[tilespmem:$0x1E800] =	vst v63  }
0x48: {  	_ =	swait.ge @!p1 [sflag:s1], $0x4000  }
0x49: {  	s18 =	simm.s32 @!p1 $0x1A800;
	[sflag:s1] =	ssyncset.done @!p1 $0x0  }
0x4a: {  	s0 =	simm.s32 @!p1 $0x4;
	s3 =	simm.s32 @!p1 $0x0;
	[sflag:s1] =	ssyncadd.s32 @!p1 $0xFFFFC000  }
0x4b: {  	[hbm4b:s23+s3] =	stream.linear.scatter @!p1 [tilespmem:s18], [sflag:$0x4], $0x4000, $0x38;
	[tilespmem:$0x1E800] =	vst v63  }
0x4c: {  	p2 =	sge.u32 s22, s4;
	_ =	swait.ge @!p1 [sflag:s0], $0x4000  }
0x4d: {  	s1 =	sadd.s32 @!p2 $0x80, s24;
	s3 =	simm.s32 @!p0 $0x1;
	[sflag:s0] =	ssyncset.done @!p1 $0x0  }
0x4e: {  	s18 =	simm.s32 @!p2 $0x1A800;
	[sflag:s0] =	ssyncadd.s32 @!p1 $0xFFFFC000;
	s0 =	simm.s32 @!p2 $0x80  }
0x4f: {  	[tilespmem:s18], [sflag:$0x2] =	stream.indirect.gather @!p2 [spmem:s2], $0x80, s1, s0, $0xb8;
	[tilespmem:$0x1E800] =	vst v63  }
0x50: {  	_ =	swait.ge @!p0 [sflag:s3], $0x4000  }
0x51: {  	[sflag:s3] =	ssyncset.done @!p0 $0x0  }
0x52: {  	s20 =	sadd.s32 $0x1, s20;
	s0 =	simm.s32 @!p0 $0x0;
	[sflag:s3] =	ssyncadd.s32 @!p0 $0xFFFFC000  }
0x53: {  	[hbm4b:s21+s0] =	stream.linear.scatter @!p0 [tilespmem:s17], [sflag:$0x3], $0x4000, $0x38;
	[tilespmem:$0x1E800] =	vst v63  }
0x54: {  	p0 =	sne.s32 s20, s8  }
.Ltmp1:
0x55: {  	_ = 	snop;
	(pc) =	sbr.rel @p0 .LBB2_1-.Ltmp1, $1  }
0x56: {  	_ =	sdelay $0x3  }
0x57: {  	_ =	sfence.sel $0x180000  }
0x58: {  	[bflag:$0x0] =	sbarrier.arrive $0xFFFF  }
0x59: {  	_ =	strace $0x9000004A  }
0x5a: {  	s0 =	stileid.u32;
	[bflag:$0x2] =	sbarrier.arrive $0xFFFF  }
0x5b: {  	p0 =	sne.s32 s0, $0x0;
	s0 =	rddreg [dreg:$0x3]  }
0x5c: {  	s0 =	sadd.s32 @!p0 $0x100000, s0  }
0x5d: {  	[sflag:s0] =	ssyncadd.tile.s32 @!p0 $0x1;
	_ =	shalt  }
.Lfunc_end2:
_tile_overlayer_lowered:
.L_overlay_start_2:
0x5e: {  	(tag) =	ssettag $0x2  }
0x5f: {  	s0 =	rddreg [dreg:$0x0];
	s2 =	stileid.u32  }
0x60: {  	s1 =	rddreg [dreg:$0x1];
	p0 =	sne.s32 s2, $0x0  }
0x61: {  	s3 =	rddreg [dreg:$0x2];
	[bflag:$0x3] =	sbarrier.arrive $0xFFFF;
	s2 =	simm.s32 @!p0 $0x1C05  }
0x62: {  	[timem:s3], [sflag:s2] =	dma.local @!p0 [hbm:s0], s1  }
0x63: {  	s0 =	simm.s32 @!p0 $0x5  }
0x64: {  	_ =	swait.ge @!p0 [sflag:s0], s1  }
0x65: {  	s1 =	ssub.s32 @!p0 $0x0, s1;
	[sflag:s0] =	ssyncset.done @!p0 $0x0  }
0x66: {  	[sflag:s0] =	ssyncadd.s32 @!p0 s1  }
0x67: {  	[bflag:$0x3] =	sbarrier.arrive $0xFFFF  }
0x68: {  	_ =	shalt  }

// kernel: kernel.20.cloned.1.call-start
scs
__scs_entry_jumppad:
0x0: {  	(pc) =	sbr.rel $0x88, $3  }
0x1: {  	(tag) =	ssettag $0x0;
	lr =	simm.s32 $0x1  }
0x2: {  	[smem:$0x3F89] =	sst lr;
	_ =	strace $0xD0000000  }
0x3: {  	_ = 	snop  }
0x4: {  	_ = 	snop  }
0x5: {  	_ = 	snop  }
0x6: {  	_ = 	snop  }
0x7: {  	_ = 	snop  }
__scs_overlays_trampoline_lowered:
0x8: {  	[smem:$0x3F98] =	sst s0  }
0x9: {  	[smem:$0x3F99] =	sst s1  }
0xa: {  	[smem:$0x3F9A] =	sst s2  }
0xb: {  	[smem:$0x3F9B] =	sst s3  }
0xc: {  	[smem:$0x3F9C] =	sst s4  }
0xd: {  	[smem:$0x3F9D] =	sst s5  }
0xe: {  	[smem:$0x3F9E] =	sst s6  }
0xf: {  	[smem:$0x3F9F] =	sst s7  }
0x10: {  	[smem:$0x3FA0] =	sst s8  }
0x11: {  	[smem:$0x3FA1] =	sst s9;
	s0 =	simm.s32 @!p0 $0x0  }
0x12: {  	s1 =	sld [smem:$0x3F87];
	s0 =	simm.s32 @p0 $0x1  }
0x13: {  	[smem:$0x3FA2] =	sst s0;
	s0 =	simm.s32 @!p1 $0x0  }
0x14: {  	s2 =	sld [smem:$0x3F86];
	s0 =	simm.s32 @p1 $0x1  }
0x15: {  	[smem:$0x3FA3] =	sst s0;
	s0 =	simm.s32 @!p2 $0x0  }
0x16: {  	s3 =	sld [smem:$0x3FDB];
	s0 =	simm.s32 @p2 $0x1  }
0x17: {  	s4 =	simm.s32 $0x1BF5;
	[smem:$0x3FA5] =	sst s0  }
0x18: {  	s0 =	sld [smem:$0x3F88];
	_ =	swait.ge [sflag:s4], $0x0  }
0x19: {  	s7 =	sld [smem:$0x3F89]  }
0x1a: {  	s8 =	sadd.s32 $0xFFFFE003, lr  }
0x1b: {  	s9 =	sadd.s32 $0xFFFFFEF7, lr;
	s5 =	simm.s32 $0xFFFFFFFF;
	p2 =	slt.u32 s8, $0xFFFFF086  }
0x1c: {  	p1 =	slt.u32 s9, $0xF7A;
	s5 =	simm.s32 @!p2 $0x0  }
0x1d: {  	s5 =	simm.s32 @p1 $0x1;
	p0 =	seq.s32 s7, s2  }
0x1e: {  	s7 =	smul.u32 @!p0 $0xF7A, s2;
	p2 =	seq.s32 @!p0 s5, $0x0  }
0x1f: {  	s9 =	smul.u32 $0xF7A, s1;
	s8 =	simm.s32 @!p0 $0x1BF5;
	p2 =	por !p2, p0  }
0x20: {  	[sflag:s8] =	ssyncset.s32 @!p0 $0xFFFFF086;
	s6 =	sadd.s32 @!p0 s3, s7;
	s7 =	simm.s32 @!p0 $0x108  }
0x21: {  	s3 =	sadd.s32 s3, s9;
	s6 =	sadd.s32 @!p0 $0x88, s6;
	s7 =	simm.s32 @p2 $0x1082  }
0x22: {  	[simem:s7], [sflag:s8] =	dma.local @!p0 [hbm:s6], $0xF7A  }
0x23: {  	s9 =	sor.u32 $0xD0000000, s2;
	s6 =	simm.s32 $0x108;
	_ =	swait.ge @!p0 [sflag:s8], $0x0  }
0x24: {  	s3 =	sadd.s32 $0x88, s3;
	s6 =	simm.s32 @!p1 $0x1082;
	[sflag:s4] =	ssyncset.s32 $0xFFFFF086  }
0x25: {  	[simem:s6], [sflag:s4] =	dma.local [hbm:s3], $0xF7A  }
0x26: {  	[smem:$0x3F89] =	sst s1;
	(tag) =	ssettag s2;
	_ =	strace s9  }
0x27: {  	s1 =	sld [smem:$0x3F99]  }
0x28: {  	s2 =	sld [smem:$0x3F9A]  }
0x29: {  	s4 =	sld [smem:$0x3F9C]  }
0x2a: {  	p0 =	seq.s32 s5, $0x0;
	s5 =	sld [smem:$0x3F9D]  }
0x2b: {  	s6 =	sld [smem:$0x3F9E]  }
0x2c: {  	s7 =	sld [smem:$0x3F9F]  }
0x2d: {  	s3 =	simm.s32 $0x108;
	s8 =	sld [smem:$0x3FA0]  }
0x2e: {  	s3 =	simm.s32 @!p0 $0x1082;
	s9 =	sld [smem:$0x3FA1]  }
0x2f: {  	lr =	sadd.s32 s0, s3;
	s0 =	sld [smem:$0x3F98]  }
0x30: {  	s3 =	sld [smem:$0x3F9B]  }
0x31: {  	[smem:$0x3FA4] =	sst s10  }
0x32: {  	s10 =	sld [smem:$0x3FA2];
	_ =	sdelay $0x3  }
0x33: {  	p0 =	seq.s32 s10, $0x1;
	s10 =	sld [smem:$0x3FA4];
	_ =	sdelay $0x3  }
0x34: {  	[smem:$0x3FA4] =	sst s10  }
0x35: {  	s10 =	sld [smem:$0x3FA3];
	_ =	sdelay $0x3  }
0x36: {  	p1 =	seq.s32 s10, $0x1;
	s10 =	sld [smem:$0x3FA4];
	_ =	sdelay $0x3  }
0x37: {  	[smem:$0x3FA4] =	sst s10  }
0x38: {  	s10 =	sld [smem:$0x3FA5]  }
0x39: {  	_ = 	snop;
	(pc) =	sbr.ind lr, $3  }
0x3a: {  	_ = 	snop  }
0x3b: {  	_ = 	snop  }
0x3c: {  	p2 =	seq.s32 s10, $0x1;
	s10 =	sld [smem:$0x3FA4]  }
0x3d: {  	_ =	shalt  }
0x3e: {  	_ =	shalt  }
0x3f: {  	_ =	shalt  }
0x40: {  	_ =	shalt  }
0x41: {  	_ =	shalt  }
0x42: {  	_ =	shalt  }
0x43: {  	_ =	shalt  }
0x44: {  	_ =	shalt  }
0x45: {  	_ =	shalt  }
0x46: {  	_ =	shalt  }
0x47: {  	_ =	shalt  }
0x48: {  	_ =	shalt  }
0x49: {  	_ =	shalt  }
0x4a: {  	_ =	shalt  }
0x4b: {  	_ =	shalt  }
0x4c: {  	_ =	shalt  }
0x4d: {  	_ =	shalt  }
0x4e: {  	_ =	shalt  }
0x4f: {  	_ =	shalt  }
0x50: {  	_ =	shalt  }
0x51: {  	_ =	shalt  }
0x52: {  	_ =	shalt  }
0x53: {  	_ =	shalt  }
0x54: {  	_ =	shalt  }
0x55: {  	_ =	shalt  }
0x56: {  	_ =	shalt  }
0x57: {  	_ =	shalt  }
0x58: {  	_ =	shalt  }
0x59: {  	_ =	shalt  }
0x5a: {  	_ =	shalt  }
0x5b: {  	_ =	shalt  }
0x5c: {  	_ =	shalt  }
0x5d: {  	_ =	shalt  }
0x5e: {  	_ =	shalt  }
0x5f: {  	_ =	shalt  }
0x60: {  	_ =	shalt  }
0x61: {  	_ =	shalt  }
0x62: {  	_ =	shalt  }
0x63: {  	_ =	shalt  }
0x64: {  	_ =	shalt  }
0x65: {  	_ =	shalt  }
0x66: {  	_ =	shalt  }
0x67: {  	_ =	shalt  }
0x68: {  	_ =	shalt  }
0x69: {  	_ =	shalt  }
0x6a: {  	_ =	shalt  }
0x6b: {  	_ =	shalt  }
0x6c: {  	_ =	shalt  }
0x6d: {  	_ =	shalt  }
0x6e: {  	_ =	shalt  }
0x6f: {  	_ =	shalt  }
0x70: {  	_ =	shalt  }
0x71: {  	_ =	shalt  }
0x72: {  	_ =	shalt  }
0x73: {  	_ =	shalt  }
0x74: {  	_ =	shalt  }
0x75: {  	_ =	shalt  }
0x76: {  	_ =	shalt  }
0x77: {  	_ =	shalt  }
0x78: {  	_ =	shalt  }
0x79: {  	_ =	shalt  }
0x7a: {  	_ =	shalt  }
0x7b: {  	_ =	shalt  }
0x7c: {  	_ =	shalt  }
0x7d: {  	_ =	shalt  }
0x7e: {  	_ =	shalt  }
0x7f: {  	_ =	shalt  }
0x80: {  	_ =	shalt  }
0x81: {  	_ =	shalt  }
0x82: {  	_ =	shalt  }
0x83: {  	_ =	shalt  }
0x84: {  	_ =	shalt  }
0x85: {  	_ =	shalt  }
0x86: {  	_ =	shalt  }
0x87: {  	_ =	shalt  }
.Lfunc_end0:
.L_simem_size_0:
called_computation.3_lowered:
.L_overlay_start_0:
0x88: {  	s2 =	sld [smem:$0x3FD9]  }
0x89: {  	s3 =	sld [smem:$0x3FFE];
	_ =	sdelay $0x1  }
0x8a: {  	s1 =	srdreg.scid  }
0x8b: {  	s0 =	sand.u32 $0x1, s1  }
0x8c: {  	s15 =	sshll.u32 s0, $0xA;
	s2 =	sadd.s32 s3, s2  }
0x8d: {  	s2 =	sadd.s32 s2, s15  }
0x8e: {  	[smem:$0x3FB0] =	sst s2  }
0x8f: {  	_ = 	snop  }
0x90: {  	s2 =	sld [smem:$0x3FD0];
	_ =	sdelay $0x2  }
0x91: {  	s16 =	simm.s32 $0xC;
	s4 =	simm.s32 $0x10  }
0x92: {  	[smem:s4], [sflag:s16] =	dma.local [hbm:s2], $0x1  }
0x93: {  	_ =	swait.eq [sflag:s16], $0x1  }
0x94: {  	[sflag:s16] =	ssyncset.done $0x0  }
0x95: {  	[sflag:s16] =	ssyncadd.s32 $0xFFFFFFFF  }
0x96: {  	s17 =	sld [smem:$0x11];
	(tm) =	ssettm $0x1  }
0x97: {  	s18 =	sld [smem:$0x3FFB];
	_ =	sdelay $0x3  }
0x98: {  	_ =	strace s18  }
0x99: {  	s2 =	sld [smem:$0x3FFC];
	_ =	sdelay $0x3  }
0x9a: {  	_ =	strace s2  }
0x9b: {  	s2 =	sld [smem:$0x3FFD];
	_ =	sdelay $0x3  }
0x9c: {  	_ =	strace s2  }
0x9d: {  	_ =	strace $0x8FFFFFFF  }
0x9e: {  	s19 =	sld [smem:$0x3FDB];
	_ =	sdelay $0x1  }
0x9f: {  	s20 =	simm.s32 $_scs_section_size  }
0xa0: {  	s5 =	simm.s32 $_size__tile_overlayer_lowered;
	s6 =	simm.s32 $_tile_overlayer_lowered  }
0xa1: {  	s7 =	simm.s32 $0x1BFF;
	s21 =	sshll.u32 s6, $0x1;
	s4 =	sadd.s32 s20, s19  }
0xa2: {  	s22 =	simm.s32 $0x0;
	s5 =	sshll.u32 s5, $0x1;
	s6 =	sadd.s32 s21, s4  }
0xa3: {  	[timem:s22], [sflag:s7] =	dma.local [hbm:s6], s5  }
0xa4: {  	_ =	swait.ge [sflag:s7], s5  }
0xa5: {  	s5 =	ssub.s32 $0x0, s5;
	[sflag:s7] =	ssyncset.done $0x0  }
0xa6: {  	[sflag:s7] =	ssyncadd.s32 s5;
	_ =	sdelay $0x1  }
0xa7: {  	s23 =	simm.s32 $0x1B8B  }
0xa8: {  	_ =	swait.ge [sflag:s23], $0x1  }
0xa9: {  	[sflag:s23] =	ssyncset.done $0x0  }
0xaa: {  	[sflag:s23] =	ssyncadd.s32 $0xFFFFFFFF  }
0xab: {  	s5 =	sld [smem:$0x0]  }
0xac: {  	s6 =	sand.u32 $0xFFFFFFFE, s1  }
0xad: {  	p0 =	sne.s32 s1, s6  }
0xae: {  	s6 =	sshll.u32 @p0 s6, $0xE  }
0xaf: {  	s6 =	sadd.s32 @p0 $0x11B8D, s6;
	s7 =	sshll.u32 @p0 s5, $0x11  }
0xb0: {  	s6 =	sor.u32 @p0 s7, s6  }
0xb1: {  	[sflag:s6] =	ssyncadd.remote.s32 @p0 $0x1;
	_ =	sdelay $0x1  }
0xb2: {  	s6 =	simm.s32 @p0 $0x1B8D  }
0xb3: {  	_ =	swait.eq @p0 [sflag:s6], $0x1  }
0xb4: {  	[sflag:s6] =	ssyncadd.s32 @p0 $0xFFFFFFFF  }
0xb5: {  	s7 =	sshll.u32 @!p0 s1, $0xE  }
0xb6: {  	s7 =	sor.u32 @!p0 $0x4000, s7;
	s6 =	simm.s32 @!p0 $0x1B8D  }
0xb7: {  	s5 =	sshll.u32 @!p0 s5, $0x11;
	s7 =	sadd.s32 @!p0 $0x11B8D, s7;
	_ =	swait.eq @!p0 [sflag:s6], $0x1  }
0xb8: {  	s5 =	sor.u32 @!p0 s5, s7;
	[sflag:s6] =	ssyncadd.s32 @!p0 $0xFFFFFFFF  }
0xb9: {  	s25 =	simm.s32 $0x1B8E;
	s24 =	sld [smem:$0x3FFE];
	[sflag:s5] =	ssyncadd.remote.s32 @!p0 $0x1  }
0xba: {  	s26 =	simm.s32 $execute0_lowered;
	[smem:$0x3FD2] =	sst s25  }
0xbb: {  	s6 =	sshll.u32 s26, $0x1;
	_ =	strace $0x80000052;
	[dreg:$0x1] =	wrdreg $0xFFFFFFFF  }
0xbc: {  	s28 =	simm.s32 $_size_execute0_lowered;
	s4 =	sadd.s32 s4, s6;
	[dreg:$0x0] =	wrdreg $0x0  }
0xbd: {  	s6 =	sshll.u32 s28, $0x1;
	[dreg:$0x2] =	wrdreg s4  }
0xbe: {  	[dreg:$0x3] =	wrdreg s6  }
0xbf: {  	[dreg:$0x4] =	wrdreg $0xC0  }
0xc0: {  	_ =	task [dreg:s22], $0x5FFFF  }
0xc1: {  	[dreg:$0x1] =	wrdreg $0xFFFFFFFF  }
0xc2: {  	[dreg:$0x0] =	wrdreg $0x60  }
0xc3: {  	[dreg:$0x2] =	wrdreg s24  }
0xc4: {  	[dreg:$0x3] =	wrdreg s17  }
0xc5: {  	[dreg:$0x4] =	wrdreg $0x0  }
0xc6: {  	[dreg:$0x5] =	wrdreg $0xA  }
0xc7: {  	_ =	task.clear_ibuf [dreg:s22], $0x6FFFF;
	_ =	strace $0x90000052  }
0xc8: {  	s29 =	simm.s32 $0xA;
	_ =	strace $0x80000054  }
0xc9: {  	_ =	swait.ge [sflag:s29], $0x1  }
0xca: {  	[sflag:s29] =	ssyncadd.s32 $0xFFFFFFFF  }
0xcb: {  	_ =	strace $0x90000054  }
0xcc: {  	_ =	sfence  }
0xcd: {  	s30 =	sld [smem:$0x0];
	_ =	sdelay $0x2  }
0xce: {  	s31 =	sshll.u32 s1, $0xD;
	s1 =	sshrl.u32 s1, $0x2  }
0xcf: {  	s4 =	sand.u32 $0x4000, s31;
	s1 =	sadd.s32 s1, s30  }
0xd0: {  	s0 =	sor.u32 s4, s0;
	s1 =	sshll.u32 s1, $0x11  }
0xd1: {  	s0 =	sor.u32 s1, s0  }
0xd2: {  	s0 =	sadd.s32 $0x8F2B, s0  }
0xd3: {  	[sflag:s0] =	ssyncadd.remote.s32 $0x1  }
0xd4: {  	_ =	sfence.sel $0xFFFF  }
0xd5: {  	[dreg:$0x0] =	wrdreg $0xFFFFFFFF;
	(pc) =	sbr.abs _section_cstart, $3  }
0xd6: {  	[dreg:$0x1] =	wrdreg $0xFFFFFFFF  }
0xd7: {  	_ =	task.clear_ibuf [dreg:s22], $0x2FFFF;
	_ =	strace $0x9FFFFFFF  }
0xd8: {  	(tm) =	ssettm $0x7FFFFFFF  }
0xd9: {  	_ =	shalt  }
tec
execute0_lowered:
.L_overlay_start_1:
0x0: {  	(tag) =	ssettag $0x1  }
0x1: {  	s0 =	rddreg [dreg:$0x0];
	s18 =	stileid.u32  }
0x2: {  	s2 =	rddreg [dreg:$0x1];
	s5 =	smul.u32 $0x14000, s18  }
0x3: {  	s1 =	rddreg [dreg:$0x2];
	s9 =	smul.u32 $0x50000, s18  }
0x4: {  	s3 =	srdreg.scid;
	s16 =	smul.u32 $0x50, s18  }
0x5: {  	s19 =	simm.s32 $0x14000;
	s13 =	sand.u32 $0x1, s3;
	s29 =	smul.u32 $0x28000, s18  }
0x6: {  	s21 =	simm.s32 $0x1;
	s3 =	simm.s32 $0x0;
	s4 =	smul.u32 $0x140000, s13  }
0x7: {  	s6 =	sshll.u32 s18, $0x1;
	s15 =	sadd.s32 $0x84C600, s0;
	s17 =	smul.u32 $0x28, s13  }
0x8: {  	s18 =	simm.s32 $0x5;
	s6 =	sor.u32 s13, s6;
	s30 =	smul.u32 $0x14000, s13  }
0x9: {  	[smem:$0x7FF] =	sst s3;
	s22 =	ssub.s32 $0x2, s13;
	s7 =	smul.u32 $0x28, s6  }
0xa: {  	_ =	strace $0x80000053;
	s8 =	sshrl.u32 s22, $0x1;
	s10 =	smul.u32 $0x280, s6  }
0xb: {  	s24 =	sshrl.u32 s9, $0x2;
	s14 =	smul.u32 $0x14000, s6;
	s4 =	sadd.s32 s5, s4  }
0xc: {  	s12 =	ssub.s32 s22, s8;
	s5 =	sadd.s32 s24, s1;
	s16 =	sadd.s32 s17, s16  }
0xd: {  	s17 =	simm.s32 $0x15400;
	s4 =	sshrl.u32 s4, $0x3;
	s23 =	ssub.s32 $0x4E2, s7  }
0xe: {  	s25 =	sadd.s32 $0x4000, s5;
	s26 =	sadd.s32 $0x8000, s5;
	s28 =	sadd.s32 $0xC000, s5  }
0xf: {  	s9 =	sadd.s32 $0x10000, s5;
	s10 =	sadd.s32 s2, s10;
	s12 =	smax.u32 s12, $0x1  }
0x10: {  	s13 =	sadd.s32 s15, s14;
	s16 =	sshll.u32 s16, $0xB;
	[dreg:$0x4] =	wrdreg s25  }
0x11: {  	s0 =	sadd.s32 s4, s0;
	s4 =	smin.u32 s23, $0x28;
	[dreg:$0x5] =	wrdreg s26  }
0x12: {  	[dreg:$0x6] =	wrdreg s28;
	s11 =	sadd.s32 $0x2C600, s0;
	s0 =	sadd.s32 s29, s15  }
0x13: {  	s14 =	sadd.s32 $0x800, s13;
	s31 =	sadd.s32 s16, s15;
	s0 =	sadd.s32 s30, s0  }
0x14: {  	v0 =	vimm.f32 $0.0e+00;
	s23 =	simm.s32 $0x0;
	s16 =	sadd.s32 $0x1800, s31;
	s15 =	sadd.s32 $0x1000, s0  }
.LBB2_1:
0x15: {  	s0 =	simm.s32 $0x0;
	s2 =	simm.s32 $0x200  }
.LBB2_2:
0x16: {  	p0 =	sne.s32 s2, $0xFE00;
	[tilespmem:s0+$0x15470] =	vst v0  }
0x17: {  	[tilespmem:s0+$0x15400] =	vst v0  }
0x18: {  	[tilespmem:s0+$0x15410] =	vst v0  }
.Ltmp0:
0x19: {  	[tilespmem:s0+$0x15420] =	vst v0;
	(pc) =	sbr.rel @p0 .LBB2_2-.Ltmp0, $4  }
0x1a: {  	[tilespmem:s0+$0x15430] =	vst v0  }
0x1b: {  	[tilespmem:s0+$0x15440] =	vst v0  }
0x1c: {  	[tilespmem:s0+$0x15450] =	vst v0  }
0x1d: {  	[tilespmem:s0+$0x15460] =	vst v0;
	s0 =	sshra.s32 s2, $0x2;
	s2 =	sadd.s32 $0x200, s2  }
0x1e: {  	[tilespmem:s0+$0x15470] =	vst v0  }
0x1f: {  	[tilespmem:s0+$0x15400] =	vst v0  }
0x20: {  	[tilespmem:s0+$0x15410] =	vst v0  }
0x21: {  	[tilespmem:s0+$0x15420] =	vst v0  }
0x22: {  	[tilespmem:s0+$0x15430] =	vst v0  }
0x23: {  	[tilespmem:s0+$0x15440] =	vst v0  }
0x24: {  	[tilespmem:s0+$0x15450] =	vst v0  }
0x25: {  	[tilespmem:s0+$0x15460] =	vst v0  }
0x26: {  	[spmem:s5] =	stream.linear.scatter [tilespmem:s17], [sflag:$0x5], $0x4000, $0x38;
	[tilespmem:$0x1D400] =	vst v63  }
0x27: {  	_ =	swait.ge [sflag:s18], $0x4000  }
0x28: {  	[sflag:s18] =	ssyncset.done $0x0  }
0x29: {  	s20 =	rddreg [dreg:$0x4];
	[sflag:s18] =	ssyncadd.s32 $0xFFFFC000  }
0x2a: {  	[spmem:s20] =	stream.linear.scatter [tilespmem:s17], [sflag:$0x5], $0x4000, $0x38;
	[tilespmem:$0x1D400] =	vst v63  }
0x2b: {  	_ =	swait.ge [sflag:s18], $0x4000  }
0x2c: {  	[sflag:s18] =	ssyncset.done $0x0  }
0x2d: {  	s22 =	rddreg [dreg:$0x5];
	[sflag:s18] =	ssyncadd.s32 $0xFFFFC000  }
0x2e: {  	[spmem:s22] =	stream.linear.scatter [tilespmem:s17], [sflag:$0x5], $0x4000, $0x38;
	[tilespmem:$0x1D400] =	vst v63  }
0x2f: {  	_ =	swait.ge [sflag:s18], $0x4000  }
0x30: {  	[sflag:s18] =	ssyncset.done $0x0  }
0x31: {  	s24 =	rddreg [dreg:$0x6];
	[sflag:s18] =	ssyncadd.s32 $0xFFFFC000  }
0x32: {  	[spmem:s24] =	stream.linear.scatter [tilespmem:s17], [sflag:$0x5], $0x4000, $0x38;
	[tilespmem:$0x1D400] =	vst v63  }
0x33: {  	_ =	swait.ge [sflag:s18], $0x4000  }
0x34: {  	[sflag:s18] =	ssyncset.done $0x0  }
0x35: {  	[sflag:s18] =	ssyncadd.s32 $0xFFFFC000  }
0x36: {  	[spmem:s9] =	stream.linear.scatter [tilespmem:s17], [sflag:$0x5], $0x4000, $0x38;
	[tilespmem:$0x1D400] =	vst v63  }
0x37: {  	_ =	swait.ge [sflag:s18], $0x4000  }
0x38: {  	[sflag:s18] =	ssyncset.done $0x0  }
0x39: {  	[sflag:s18] =	ssyncadd.s32 $0xFFFFC000  }
0x3a: {  	[tilespmem:s19], [sflag:$0x5] =	stream.linear.gather [hbm4b:s10+s3], $0x1400, $0x38;
	[tilespmem:$0x1D400] =	vst v63  }
0x3b: {  	_ =	swait.ge [sflag:s18], $0x1400  }
0x3c: {  	[sflag:s18] =	ssyncset.done $0x0  }
0x3d: {  	[sflag:s18] =	ssyncadd.s32 $0xFFFFEC00  }
0x3e: {  	[bflag:$0x0] =	sbarrier.arrive $0xFFFF  }
0x3f: {  	[tilespmem:s17], [sflag:$0x1] =	stream.linear.gather [hbm4b:s13+s3], $0x4000, $0x38;
	[tilespmem:$0x1D400] =	vst v63  }
0x40: {  	s25 =	simm.s32 $0x19400  }
0x41: {  	[tilespmem:s25], [sflag:$0x2] =	stream.linear.gather [hbm4b:s14+s3], $0x4000, $0x38;
	[tilespmem:$0x1D400] =	vst v63  }
0x42: {  	_ =	swait.ge [sflag:s21], $0x4000  }
0x43: {  	p1 =	slt.u32 s4, $0x2;
	[sflag:s21] =	ssyncset.done $0x0  }
0x44: {  	s26 =	simm.s32 $0x80;
	s0 =	simm.s32 @!p1 $0x3;
	[sflag:s21] =	ssyncadd.s32 $0xFFFFC000  }
0x45: {  	[spmem:s1] =	stream.indirect.scatter.add.f32 [tilespmem:s17], [sflag:$0x3], $0x80, s19, s26, $0xb8;
	[tilespmem:$0x1D400] =	vst v63  }
0x46: {  	_ =	swait.ge @!p1 [sflag:s0], $0x4000  }
0x47: {  	p0 =	sle.u32 s4, $0x2;
	s2 =	simm.s32 @!p1 $0x2;
	[sflag:s0] =	ssyncset.done @!p1 $0x0  }
0x48: {  	s28 =	simm.s32 @!p0 $0x15400;
	s20 =	simm.s32 @!p0 $0x0;
	[sflag:s0] =	ssyncadd.s32 @!p1 $0xFFFFC000  }
0x49: {  	[tilespmem:s28], [sflag:$0x1] =	stream.linear.gather @!p0 [hbm4b:s15+s20], $0x4000, $0x38;
	[tilespmem:$0x1D400] =	vst v63  }
0x4a: {  	s29 =	simm.s32 $0x14100;
	s31 =	simm.s32 $0x7;
	_ =	swait.ge @!p1 [sflag:s2], $0x4000  }
0x4b: {  	s25 =	simm.s32 @!p1 $0x14080;
	s26 =	simm.s32 @!p1 $0x80;
	[sflag:s2] =	ssyncset.done @!p1 $0x0  }
0x4c: {  	s0 =	simm.s32 @!p1 $0x19400;
	s20 =	simm.s32 @!p1 $0x4;
	[sflag:s2] =	ssyncadd.s32 @!p1 $0xFFFFC000  }
0x4d: {  	[spmem:s1] =	stream.indirect.scatter.add.f32 @!p1 [tilespmem:s0], [sflag:$0x4], $0x80, s25, s26, $0xb8;
	[tilespmem:$0x1D400] =	vst v63  }
0x4e: {  	p2 =	sle.u32 s4, $0x3;
	s30 =	sadd.s32 $0x1000, s15;
	_ =	swait.ge @!p1 [sflag:s20], $0x4000  }
0x4f: {  	s24 =	simm.s32 $0x5;
	s2 =	simm.s32 @!p2 $0x19400;
	[sflag:s20] =	ssyncset.done @!p1 $0x0  }
0x50: {  	s26 =	sadd.s32 $0x1000, s16;
	s0 =	simm.s32 @!p2 $0x0;
	[sflag:s20] =	ssyncadd.s32 @!p1 $0xFFFFC000  }
0x51: {  	[tilespmem:s2], [sflag:$0x2] =	stream.linear.gather @!p2 [hbm4b:s16+s0], $0x4000, $0x38;
	[tilespmem:$0x1D400] =	vst v63  }
0x52: {  	s25 =	simm.s32 $0x14200;
	p1 =	slt.u32 s4, $0x4;
	s2 =	simm.s32 @!p0 $0x1  }
0x53: {  	s20 =	simm.s32 @!p0 $0x80;
	s0 =	simm.s32 $0x4;
	_ =	swait.ge @!p0 [sflag:s2], $0x4000  }
.LBB2_4:
0x54: {  	s22 =	simm.s32 @!p1 $0x3;
	[sflag:s2] =	ssyncset.done @!p0 $0x0;
	s6 =	smov.u32 s24  }
0x55: {  	s24 =	smov.u32 s31;
	s31 =	sadd.s32 $0x2, s31;
	s7 =	smov.u32 s26  }
0x56: {  	p2 =	sne.s32 s31, $0x2B;
	[sflag:s2] =	ssyncadd.s32 @!p0 $0xFFFFC000  }
0x57: {  	[spmem:s1] =	stream.indirect.scatter.add.f32 @!p0 [tilespmem:s28], [sflag:$0x3], $0x80, s29, s20, $0xb8;
	[tilespmem:$0x1D400] =	vst v63  }
0x58: {  	p0 =	sge.u32 s0, s4;
	s0 =	simm.s32 @!p1 $0x2;
	_ =	swait.ge @!p1 [sflag:s22], $0x4000  }
0x59: {  	s2 =	simm.s32 @!p0 $0x0;
	s28 =	simm.s32 @!p0 $0x15400;
	[sflag:s22] =	ssyncset.done @!p1 $0x0  }
0x5a: {  	s26 =	sadd.s32 $0x1000, s26;
	s29 =	smov.u32 s25;
	[sflag:s22] =	ssyncadd.s32 @!p1 $0xFFFFC000  }
0x5b: {  	[tilespmem:s28], [sflag:$0x1] =	stream.linear.gather @!p0 [hbm4b:s30+s2], $0x4000, $0x38;
	[tilespmem:$0x1D400] =	vst v63  }
0x5c: {  	s20 =	simm.s32 @!p1 $0x4;
	s2 =	simm.s32 @!p1 $0x19400;
	_ =	swait.ge @!p1 [sflag:s0], $0x4000  }
0x5d: {  	s8 =	simm.s32 @!p1 $0x80;
	s22 =	sadd.s32 @!p1 $0xFFFFFF80, s25;
	[sflag:s0] =	ssyncset.done @!p1 $0x0  }
0x5e: {  	s25 =	sadd.s32 $0x100, s25;
	s30 =	sadd.s32 $0x1000, s30;
	[sflag:s0] =	ssyncadd.s32 @!p1 $0xFFFFC000  }
0x5f: {  	[spmem:s1] =	stream.indirect.scatter.add.f32 @!p1 [tilespmem:s2], [sflag:$0x4], $0x80, s22, s8, $0xb8;
	[tilespmem:$0x1D400] =	vst v63  }
.Ltmp1:
0x60: {  	p3 =	sge.u32 s6, s4;
	_ =	swait.ge @!p1 [sflag:s20], $0x4000;
	(pc) =	sbr.rel @p2 .LBB2_4-.Ltmp1, $4  }
0x61: {  	s6 =	simm.s32 @!p3 $0x0;
	s2 =	simm.s32 @!p0 $0x1;
	[sflag:s20] =	ssyncset.done @!p1 $0x0  }
0x62: {  	s0 =	sadd.s32 $0xFFFFFFFF, s24;
	s8 =	simm.s32 @!p3 $0x19400;
	[sflag:s20] =	ssyncadd.s32 @!p1 $0xFFFFC000  }
0x63: {  	[tilespmem:s8], [sflag:$0x2] =	stream.linear.gather @!p3 [hbm4b:s7+s6], $0x4000, $0x38;
	[tilespmem:$0x1D400] =	vst v63  }
0x64: {  	p1 =	sgt.u32 s0, s4;
	s20 =	simm.s32 @!p0 $0x80;
	_ =	swait.ge @!p0 [sflag:s2], $0x4000  }
0x65: {  	[sflag:s2] =	ssyncset.done @!p0 $0x0  }
0x66: {  	s6 =	simm.s32 @!p1 $0x3;
	[sflag:s2] =	ssyncadd.s32 @!p0 $0xFFFFC000  }
0x67: {  	[spmem:s1] =	stream.indirect.scatter.add.f32 @!p0 [tilespmem:s28], [sflag:$0x3], $0x80, s29, s20, $0xb8;
	[tilespmem:$0x1D400] =	vst v63  }
0x68: {  	_ =	swait.ge @!p1 [sflag:s6], $0x4000  }
0x69: {  	p0 =	sge.u32 s0, s4;
	s0 =	simm.s32 @!p1 $0x2;
	[sflag:s6] =	ssyncset.done @!p1 $0x0  }
0x6a: {  	s2 =	simm.s32 @!p0 $0x0;
	s7 =	simm.s32 @!p0 $0x15400;
	[sflag:s6] =	ssyncadd.s32 @!p1 $0xFFFFC000  }
0x6b: {  	[tilespmem:s7], [sflag:$0x1] =	stream.linear.gather @!p0 [hbm4b:s30+s2], $0x4000, $0x38;
	[tilespmem:$0x1D400] =	vst v63  }
0x6c: {  	_ =	swait.ge @!p1 [sflag:s0], $0x4000  }
0x6d: {  	s8 =	sadd.s32 @!p1 $0xFFFFFF80, s25;
	s20 =	simm.s32 @!p1 $0x80;
	[sflag:s0] =	ssyncset.done @!p1 $0x0  }
0x6e: {  	s6 =	simm.s32 @!p1 $0x4;
	s2 =	simm.s32 @!p1 $0x19400;
	[sflag:s0] =	ssyncadd.s32 @!p1 $0xFFFFC000  }
0x6f: {  	[spmem:s1] =	stream.indirect.scatter.add.f32 @!p1 [tilespmem:s2], [sflag:$0x4], $0x80, s8, s20, $0xb8;
	[tilespmem:$0x1D400] =	vst v63  }
0x70: {  	p2 =	sge.u32 s24, s4;
	_ =	swait.ge @!p1 [sflag:s6], $0x4000  }
0x71: {  	s0 =	simm.s32 @!p2 $0x0;
	[sflag:s6] =	ssyncset.done @!p1 $0x0  }
0x72: {  	s2 =	simm.s32 @!p0 $0x1;
	[sflag:s6] =	ssyncadd.s32 @!p1 $0xFFFFC000;
	s6 =	simm.s32 @!p2 $0x19400  }
0x73: {  	[tilespmem:s6], [sflag:$0x2] =	stream.linear.gather @!p2 [hbm4b:s26+s0], $0x4000, $0x38;
	[tilespmem:$0x1D400] =	vst v63  }
0x74: {  	_ =	swait.ge @!p0 [sflag:s2], $0x4000  }
0x75: {  	s23 =	sadd.s32 $0x1, s23;
	[sflag:s2] =	ssyncset.done @!p0 $0x0  }
0x76: {  	s30 =	stileid.u32;
	s0 =	simm.s32 @!p0 $0x80;
	[sflag:s2] =	ssyncadd.s32 @!p0 $0xFFFFC000  }
0x77: {  	[spmem:s1] =	stream.indirect.scatter.add.f32 @!p0 [tilespmem:s7], [sflag:$0x3], $0x80, s25, s0, $0xb8;
	[tilespmem:$0x1D400] =	vst v63  }
0x78: {  	s31 =	sshrl.u32 s5, $0x3;
	s0 =	sshll.u32 s30, $0x6;
	p0 =	sne.s32 s23, s12  }
.Ltmp2:
0x79: {  	[bflag:$0x0] =	sbarrier.arrive $0xFFFF;
	s0 =	sor.u32 $0x1C05, s0;
	(pc) =	sbr.rel @p0 .LBB2_1-.Ltmp2, $4  }
0x7a: {  	[hbm:s11], [sflag:s0] =	dma.local [spmem:s31], $0x2800  }
0x7b: {  	_ =	swait.ge [sflag:s18], $0x2800  }
0x7c: {  	[sflag:s18] =	ssyncset.done $0x0  }
0x7d: {  	[sflag:s18] =	ssyncadd.s32 $0xFFFFD800  }
0x7e: {  	_ =	sfence.sel $0x180000  }
0x7f: {  	[bflag:$0x0] =	sbarrier.arrive $0xFFFF  }
0x80: {  	_ =	strace $0x90000053  }
0x81: {  	s0 =	stileid.u32;
	[bflag:$0x2] =	sbarrier.arrive $0xFFFF  }
0x82: {  	p0 =	sne.s32 s0, $0x0;
	s0 =	rddreg [dreg:$0x3]  }
0x83: {  	s0 =	sadd.s32 @!p0 $0x100000, s0  }
0x84: {  	[sflag:s0] =	ssyncadd.tile.s32 @!p0 $0x1;
	_ =	shalt  }
.Lfunc_end2:
_tile_overlayer_lowered:
.L_overlay_start_2:
0x85: {  	(tag) =	ssettag $0x2  }
0x86: {  	s0 =	rddreg [dreg:$0x0];
	s2 =	stileid.u32  }
0x87: {  	s1 =	rddreg [dreg:$0x1];
	p0 =	sne.s32 s2, $0x0  }
0x88: {  	s3 =	rddreg [dreg:$0x2];
	[bflag:$0x3] =	sbarrier.arrive $0xFFFF;
	s2 =	simm.s32 @!p0 $0x1C05  }
0x89: {  	[timem:s3], [sflag:s2] =	dma.local @!p0 [hbm:s0], s1  }
0x8a: {  	s0 =	simm.s32 @!p0 $0x5  }
0x8b: {  	_ =	swait.ge @!p0 [sflag:s0], s1  }
0x8c: {  	s1 =	ssub.s32 @!p0 $0x0, s1;
	[sflag:s0] =	ssyncset.done @!p0 $0x0  }
0x8d: {  	[sflag:s0] =	ssyncadd.s32 @!p0 s1  }
0x8e: {  	[bflag:$0x3] =	sbarrier.arrive $0xFFFF  }
0x8f: {  	_ =	shalt  }

// kernel: kernel.23.cloned.1.call-start
scs
__scs_entry_jumppad:
0x0: {  	(pc) =	sbr.rel $0x88, $3  }
0x1: {  	(tag) =	ssettag $0x0;
	lr =	simm.s32 $0x1  }
0x2: {  	[smem:$0x3F89] =	sst lr;
	_ =	strace $0xD0000000  }
0x3: {  	_ = 	snop  }
0x4: {  	_ = 	snop  }
0x5: {  	_ = 	snop  }
0x6: {  	_ = 	snop  }
0x7: {  	_ = 	snop  }
__scs_overlays_trampoline_lowered:
0x8: {  	[smem:$0x3F98] =	sst s0  }
0x9: {  	[smem:$0x3F99] =	sst s1  }
0xa: {  	[smem:$0x3F9A] =	sst s2  }
0xb: {  	[smem:$0x3F9B] =	sst s3  }
0xc: {  	[smem:$0x3F9C] =	sst s4  }
0xd: {  	[smem:$0x3F9D] =	sst s5  }
0xe: {  	[smem:$0x3F9E] =	sst s6  }
0xf: {  	[smem:$0x3F9F] =	sst s7  }
0x10: {  	[smem:$0x3FA0] =	sst s8  }
0x11: {  	[smem:$0x3FA1] =	sst s9;
	s0 =	simm.s32 @!p0 $0x0  }
0x12: {  	s1 =	sld [smem:$0x3F87];
	s0 =	simm.s32 @p0 $0x1  }
0x13: {  	[smem:$0x3FA2] =	sst s0;
	s0 =	simm.s32 @!p1 $0x0  }
0x14: {  	s2 =	sld [smem:$0x3F86];
	s0 =	simm.s32 @p1 $0x1  }
0x15: {  	[smem:$0x3FA3] =	sst s0;
	s0 =	simm.s32 @!p2 $0x0  }
0x16: {  	s3 =	sld [smem:$0x3FDB];
	s0 =	simm.s32 @p2 $0x1  }
0x17: {  	s4 =	simm.s32 $0x1BF5;
	[smem:$0x3FA5] =	sst s0  }
0x18: {  	s0 =	sld [smem:$0x3F88];
	_ =	swait.ge [sflag:s4], $0x0  }
0x19: {  	s7 =	sld [smem:$0x3F89]  }
0x1a: {  	s8 =	sadd.s32 $0xFFFFE003, lr  }
0x1b: {  	s9 =	sadd.s32 $0xFFFFFEF7, lr;
	s5 =	simm.s32 $0xFFFFFFFF;
	p2 =	slt.u32 s8, $0xFFFFF086  }
0x1c: {  	p1 =	slt.u32 s9, $0xF7A;
	s5 =	simm.s32 @!p2 $0x0  }
0x1d: {  	s5 =	simm.s32 @p1 $0x1;
	p0 =	seq.s32 s7, s2  }
0x1e: {  	s7 =	smul.u32 @!p0 $0xF7A, s2;
	p2 =	seq.s32 @!p0 s5, $0x0  }
0x1f: {  	s9 =	smul.u32 $0xF7A, s1;
	s8 =	simm.s32 @!p0 $0x1BF5;
	p2 =	por !p2, p0  }
0x20: {  	[sflag:s8] =	ssyncset.s32 @!p0 $0xFFFFF086;
	s6 =	sadd.s32 @!p0 s3, s7;
	s7 =	simm.s32 @!p0 $0x108  }
0x21: {  	s3 =	sadd.s32 s3, s9;
	s6 =	sadd.s32 @!p0 $0x88, s6;
	s7 =	simm.s32 @p2 $0x1082  }
0x22: {  	[simem:s7], [sflag:s8] =	dma.local @!p0 [hbm:s6], $0xF7A  }
0x23: {  	s9 =	sor.u32 $0xD0000000, s2;
	s6 =	simm.s32 $0x108;
	_ =	swait.ge @!p0 [sflag:s8], $0x0  }
0x24: {  	s3 =	sadd.s32 $0x88, s3;
	s6 =	simm.s32 @!p1 $0x1082;
	[sflag:s4] =	ssyncset.s32 $0xFFFFF086  }
0x25: {  	[simem:s6], [sflag:s4] =	dma.local [hbm:s3], $0xF7A  }
0x26: {  	[smem:$0x3F89] =	sst s1;
	(tag) =	ssettag s2;
	_ =	strace s9  }
0x27: {  	s1 =	sld [smem:$0x3F99]  }
0x28: {  	s2 =	sld [smem:$0x3F9A]  }
0x29: {  	s4 =	sld [smem:$0x3F9C]  }
0x2a: {  	p0 =	seq.s32 s5, $0x0;
	s5 =	sld [smem:$0x3F9D]  }
0x2b: {  	s6 =	sld [smem:$0x3F9E]  }
0x2c: {  	s7 =	sld [smem:$0x3F9F]  }
0x2d: {  	s3 =	simm.s32 $0x108;
	s8 =	sld [smem:$0x3FA0]  }
0x2e: {  	s3 =	simm.s32 @!p0 $0x1082;
	s9 =	sld [smem:$0x3FA1]  }
0x2f: {  	lr =	sadd.s32 s0, s3;
	s0 =	sld [smem:$0x3F98]  }
0x30: {  	s3 =	sld [smem:$0x3F9B]  }
0x31: {  	[smem:$0x3FA4] =	sst s10  }
0x32: {  	s10 =	sld [smem:$0x3FA2];
	_ =	sdelay $0x3  }
0x33: {  	p0 =	seq.s32 s10, $0x1;
	s10 =	sld [smem:$0x3FA4];
	_ =	sdelay $0x3  }
0x34: {  	[smem:$0x3FA4] =	sst s10  }
0x35: {  	s10 =	sld [smem:$0x3FA3];
	_ =	sdelay $0x3  }
0x36: {  	p1 =	seq.s32 s10, $0x1;
	s10 =	sld [smem:$0x3FA4];
	_ =	sdelay $0x3  }
0x37: {  	[smem:$0x3FA4] =	sst s10  }
0x38: {  	s10 =	sld [smem:$0x3FA5]  }
0x39: {  	_ = 	snop;
	(pc) =	sbr.ind lr, $3  }
0x3a: {  	_ = 	snop  }
0x3b: {  	_ = 	snop  }
0x3c: {  	p2 =	seq.s32 s10, $0x1;
	s10 =	sld [smem:$0x3FA4]  }
0x3d: {  	_ =	shalt  }
0x3e: {  	_ =	shalt  }
0x3f: {  	_ =	shalt  }
0x40: {  	_ =	shalt  }
0x41: {  	_ =	shalt  }
0x42: {  	_ =	shalt  }
0x43: {  	_ =	shalt  }
0x44: {  	_ =	shalt  }
0x45: {  	_ =	shalt  }
0x46: {  	_ =	shalt  }
0x47: {  	_ =	shalt  }
0x48: {  	_ =	shalt  }
0x49: {  	_ =	shalt  }
0x4a: {  	_ =	shalt  }
0x4b: {  	_ =	shalt  }
0x4c: {  	_ =	shalt  }
0x4d: {  	_ =	shalt  }
0x4e: {  	_ =	shalt  }
0x4f: {  	_ =	shalt  }
0x50: {  	_ =	shalt  }
0x51: {  	_ =	shalt  }
0x52: {  	_ =	shalt  }
0x53: {  	_ =	shalt  }
0x54: {  	_ =	shalt  }
0x55: {  	_ =	shalt  }
0x56: {  	_ =	shalt  }
0x57: {  	_ =	shalt  }
0x58: {  	_ =	shalt  }
0x59: {  	_ =	shalt  }
0x5a: {  	_ =	shalt  }
0x5b: {  	_ =	shalt  }
0x5c: {  	_ =	shalt  }
0x5d: {  	_ =	shalt  }
0x5e: {  	_ =	shalt  }
0x5f: {  	_ =	shalt  }
0x60: {  	_ =	shalt  }
0x61: {  	_ =	shalt  }
0x62: {  	_ =	shalt  }
0x63: {  	_ =	shalt  }
0x64: {  	_ =	shalt  }
0x65: {  	_ =	shalt  }
0x66: {  	_ =	shalt  }
0x67: {  	_ =	shalt  }
0x68: {  	_ =	shalt  }
0x69: {  	_ =	shalt  }
0x6a: {  	_ =	shalt  }
0x6b: {  	_ =	shalt  }
0x6c: {  	_ =	shalt  }
0x6d: {  	_ =	shalt  }
0x6e: {  	_ =	shalt  }
0x6f: {  	_ =	shalt  }
0x70: {  	_ =	shalt  }
0x71: {  	_ =	shalt  }
0x72: {  	_ =	shalt  }
0x73: {  	_ =	shalt  }
0x74: {  	_ =	shalt  }
0x75: {  	_ =	shalt  }
0x76: {  	_ =	shalt  }
0x77: {  	_ =	shalt  }
0x78: {  	_ =	shalt  }
0x79: {  	_ =	shalt  }
0x7a: {  	_ =	shalt  }
0x7b: {  	_ =	shalt  }
0x7c: {  	_ =	shalt  }
0x7d: {  	_ =	shalt  }
0x7e: {  	_ =	shalt  }
0x7f: {  	_ =	shalt  }
0x80: {  	_ =	shalt  }
0x81: {  	_ =	shalt  }
0x82: {  	_ =	shalt  }
0x83: {  	_ =	shalt  }
0x84: {  	_ =	shalt  }
0x85: {  	_ =	shalt  }
0x86: {  	_ =	shalt  }
0x87: {  	_ =	shalt  }
.Lfunc_end0:
.L_simem_size_0:
called_computation.4_lowered:
.L_overlay_start_0:
0x88: {  	s2 =	sld [smem:$0x3FD9]  }
0x89: {  	s3 =	sld [smem:$0x3FFE];
	_ =	sdelay $0x1  }
0x8a: {  	s1 =	srdreg.scid  }
0x8b: {  	s0 =	sand.u32 $0x1, s1  }
0x8c: {  	s17 =	sshll.u32 s0, $0xA;
	s2 =	sadd.s32 s3, s2  }
0x8d: {  	s2 =	sadd.s32 s2, s17  }
0x8e: {  	[smem:$0x3FB0] =	sst s2  }
0x8f: {  	_ = 	snop  }
0x90: {  	(tm) =	ssettm $0x1  }
0x91: {  	s18 =	sld [smem:$0x3FFB];
	_ =	sdelay $0x3  }
0x92: {  	_ =	strace s18  }
0x93: {  	s2 =	sld [smem:$0x3FFC];
	_ =	sdelay $0x3  }
0x94: {  	_ =	strace s2  }
0x95: {  	s2 =	sld [smem:$0x3FFD];
	_ =	sdelay $0x3  }
0x96: {  	_ =	strace s2  }
0x97: {  	_ =	strace $0x8FFFFFFF  }
0x98: {  	s19 =	sld [smem:$0x3FDB];
	_ =	sdelay $0x1  }
0x99: {  	s20 =	simm.s32 $_scs_section_size  }
0x9a: {  	s4 =	simm.s32 $_size__tile_overlayer_lowered;
	s5 =	simm.s32 $_tile_overlayer_lowered  }
0x9b: {  	s6 =	simm.s32 $0x1BFF;
	s21 =	sshll.u32 s5, $0x1;
	s3 =	sadd.s32 s20, s19  }
0x9c: {  	s22 =	simm.s32 $0x0;
	s4 =	sshll.u32 s4, $0x1;
	s5 =	sadd.s32 s21, s3  }
0x9d: {  	[timem:s22], [sflag:s6] =	dma.local [hbm:s5], s4  }
0x9e: {  	_ =	swait.ge [sflag:s6], s4  }
0x9f: {  	s4 =	ssub.s32 $0x0, s4;
	[sflag:s6] =	ssyncset.done $0x0  }
0xa0: {  	[sflag:s6] =	ssyncadd.s32 s4;
	_ =	sdelay $0x1  }
0xa1: {  	s23 =	simm.s32 $0x1B8B  }
0xa2: {  	_ =	swait.ge [sflag:s23], $0x1  }
0xa3: {  	[sflag:s23] =	ssyncset.done $0x0  }
0xa4: {  	[sflag:s23] =	ssyncadd.s32 $0xFFFFFFFF  }
0xa5: {  	s4 =	sld [smem:$0x0]  }
0xa6: {  	s5 =	sand.u32 $0xFFFFFFFE, s1  }
0xa7: {  	p0 =	sne.s32 s1, s5  }
0xa8: {  	s5 =	sshll.u32 @p0 s5, $0xE  }
0xa9: {  	s5 =	sadd.s32 @p0 $0x11B8D, s5;
	s6 =	sshll.u32 @p0 s4, $0x11  }
0xaa: {  	s5 =	sor.u32 @p0 s6, s5  }
0xab: {  	[sflag:s5] =	ssyncadd.remote.s32 @p0 $0x1;
	_ =	sdelay $0x1  }
0xac: {  	s5 =	simm.s32 @p0 $0x1B8D  }
0xad: {  	_ =	swait.eq @p0 [sflag:s5], $0x1  }
0xae: {  	[sflag:s5] =	ssyncadd.s32 @p0 $0xFFFFFFFF  }
0xaf: {  	s6 =	sshll.u32 @!p0 s1, $0xE  }
0xb0: {  	s6 =	sor.u32 @!p0 $0x4000, s6;
	s5 =	simm.s32 @!p0 $0x1B8D  }
0xb1: {  	s4 =	sshll.u32 @!p0 s4, $0x11;
	s6 =	sadd.s32 @!p0 $0x11B8D, s6;
	_ =	swait.eq @!p0 [sflag:s5], $0x1  }
0xb2: {  	s4 =	sor.u32 @!p0 s4, s6;
	[sflag:s5] =	ssyncadd.s32 @!p0 $0xFFFFFFFF  }
0xb3: {  	s25 =	simm.s32 $0x1B8E;
	s24 =	sld [smem:$0x3FFE];
	[sflag:s4] =	ssyncadd.remote.s32 @!p0 $0x1  }
0xb4: {  	s26 =	simm.s32 $execute0_lowered;
	[smem:$0x3FD2] =	sst s25  }
0xb5: {  	s5 =	sshll.u32 s26, $0x1;
	_ =	strace $0x8000004F;
	[dreg:$0x1] =	wrdreg $0xFFFFFFFF  }
0xb6: {  	s28 =	simm.s32 $_size_execute0_lowered;
	s3 =	sadd.s32 s3, s5;
	[dreg:$0x0] =	wrdreg $0x0  }
0xb7: {  	s5 =	sshll.u32 s28, $0x1;
	[dreg:$0x2] =	wrdreg s3  }
0xb8: {  	[dreg:$0x3] =	wrdreg s5  }
0xb9: {  	[dreg:$0x4] =	wrdreg $0xC0  }
0xba: {  	_ =	task [dreg:s22], $0x5FFFF  }
0xbb: {  	[dreg:$0x1] =	wrdreg $0xFFFFFFFF  }
0xbc: {  	[dreg:$0x0] =	wrdreg $0x60  }
0xbd: {  	[dreg:$0x2] =	wrdreg s24  }
0xbe: {  	[dreg:$0x3] =	wrdreg $0x0  }
0xbf: {  	[dreg:$0x4] =	wrdreg $0xB  }
0xc0: {  	_ =	task.clear_ibuf [dreg:s22], $0x5FFFF;
	_ =	strace $0x9000004F  }
0xc1: {  	s29 =	simm.s32 $0xB;
	_ =	strace $0x80000051  }
0xc2: {  	_ =	swait.ge [sflag:s29], $0x1  }
0xc3: {  	[sflag:s29] =	ssyncadd.s32 $0xFFFFFFFF  }
0xc4: {  	_ =	strace $0x90000051  }
0xc5: {  	_ =	sfence  }
0xc6: {  	s30 =	sld [smem:$0x0];
	_ =	sdelay $0x2  }
0xc7: {  	s31 =	sshll.u32 s1, $0xD;
	s1 =	sshrl.u32 s1, $0x2  }
0xc8: {  	s4 =	sand.u32 $0x4000, s31;
	s1 =	sadd.s32 s1, s30  }
0xc9: {  	s0 =	sor.u32 s4, s0;
	s1 =	sshll.u32 s1, $0x11  }
0xca: {  	s0 =	sor.u32 s1, s0  }
0xcb: {  	s0 =	sadd.s32 $0x8F2B, s0  }
0xcc: {  	[sflag:s0] =	ssyncadd.remote.s32 $0x1  }
0xcd: {  	_ =	sfence.sel $0xFFFF  }
0xce: {  	[dreg:$0x0] =	wrdreg $0xFFFFFFFF;
	(pc) =	sbr.abs _section_cstart, $3  }
0xcf: {  	[dreg:$0x1] =	wrdreg $0xFFFFFFFF  }
0xd0: {  	_ =	task.clear_ibuf [dreg:s22], $0x2FFFF;
	_ =	strace $0x9FFFFFFF  }
0xd1: {  	(tm) =	ssettm $0x7FFFFFFF  }
tec
execute0_lowered:
.L_overlay_start_1:
0x0: {  	(tag) =	ssettag $0x1  }
0x1: {  	s17 =	stileid.u32  }
0x2: {  	s0 =	rddreg [dreg:$0x0];
	s21 =	smul.u32 $0x14000, s17  }
0x3: {  	s2 =	rddreg [dreg:$0x1];
	s9 =	smul.u32 $0x50000, s17  }
0x4: {  	s1 =	srdreg.scid;
	s3 =	simm.s32 $0x0;
	s14 =	smul.u32 $0x50, s17  }
0x5: {  	s18 =	simm.s32 $0x5;
	s1 =	sand.u32 $0x1, s1;
	s30 =	smul.u32 $0x28000, s17  }
0x6: {  	s19 =	simm.s32 $0x14000;
	s4 =	sshll.u32 s17, $0x1;
	s5 =	smul.u32 $0x140000, s1  }
0x7: {  	[smem:$0x7FF] =	sst s3;
	s15 =	sadd.s32 $0x58B600, s0;
	s16 =	smul.u32 $0x28, s1  }
0x8: {  	s6 =	sor.u32 s1, s4;
	s8 =	ssub.s32 $0x2, s1;
	s1 =	smul.u32 $0x14000, s1  }
0x9: {  	s17 =	simm.s32 $0x15400;
	_ =	strace $0x80000050;
	s7 =	smul.u32 $0x280, s6  }
0xa: {  	s22 =	smul.u32 $0x28, s6;
	s23 =	sshrl.u32 s8, $0x1;
	s25 =	sshrl.u32 s9, $0x2  }
0xb: {  	s13 =	smul.u32 $0x14000, s6;
	s4 =	sadd.s32 s21, s5;
	s12 =	ssub.s32 s8, s23  }
0xc: {  	s5 =	sadd.s32 s25, s2;
	s14 =	sadd.s32 s16, s14;
	s21 =	simm.s32 $0x1  }
0xd: {  	s23 =	simm.s32 $0x0;
	s4 =	sshrl.u32 s4, $0x3;
	s10 =	sadd.s32 s7, s0  }
0xe: {  	s24 =	ssub.s32 $0x4E2, s22;
	s26 =	sadd.s32 $0x4000, s5;
	s28 =	sadd.s32 $0x8000, s5  }
0xf: {  	s29 =	sadd.s32 $0xC000, s5;
	s12 =	smax.u32 s12, $0x1;
	[dreg:$0x3] =	wrdreg s26  }
0x10: {  	s13 =	sadd.s32 s15, s13;
	s16 =	sshll.u32 s14, $0xB;
	[dreg:$0x4] =	wrdreg s28  }
0x11: {  	s0 =	sadd.s32 s4, s0;
	s4 =	smin.u32 s24, $0x28;
	[dreg:$0x5] =	wrdreg s29  }
0x12: {  	s9 =	sadd.s32 $0x586600, s10;
	s11 =	sadd.s32 $0x7FC600, s0;
	s0 =	sadd.s32 s30, s15  }
0x13: {  	s10 =	sadd.s32 $0x10000, s5;
	s31 =	sadd.s32 s16, s15;
	s0 =	sadd.s32 s1, s0  }
0x14: {  	v0 =	vimm.f32 $0.0e+00;
	s14 =	sadd.s32 $0x800, s13;
	s16 =	sadd.s32 $0x1800, s31;
	s15 =	sadd.s32 $0x1000, s0  }
.LBB2_1:
0x15: {  	s0 =	simm.s32 $0x0;
	s1 =	simm.s32 $0x200  }
.LBB2_2:
0x16: {  	p0 =	sne.s32 s1, $0xFE00;
	[tilespmem:s0+$0x15470] =	vst v0  }
0x17: {  	[tilespmem:s0+$0x15400] =	vst v0  }
0x18: {  	[tilespmem:s0+$0x15410] =	vst v0  }
.Ltmp0:
0x19: {  	[tilespmem:s0+$0x15420] =	vst v0;
	(pc) =	sbr.rel @p0 .LBB2_2-.Ltmp0, $4  }
0x1a: {  	[tilespmem:s0+$0x15430] =	vst v0  }
0x1b: {  	[tilespmem:s0+$0x15440] =	vst v0  }
0x1c: {  	[tilespmem:s0+$0x15450] =	vst v0  }
0x1d: {  	[tilespmem:s0+$0x15460] =	vst v0;
	s0 =	sshra.s32 s1, $0x2;
	s1 =	sadd.s32 $0x200, s1  }
0x1e: {  	[tilespmem:s0+$0x15470] =	vst v0  }
0x1f: {  	[tilespmem:s0+$0x15400] =	vst v0  }
0x20: {  	[tilespmem:s0+$0x15410] =	vst v0  }
0x21: {  	[tilespmem:s0+$0x15420] =	vst v0  }
0x22: {  	[tilespmem:s0+$0x15430] =	vst v0  }
0x23: {  	[tilespmem:s0+$0x15440] =	vst v0  }
0x24: {  	[tilespmem:s0+$0x15450] =	vst v0  }
0x25: {  	[tilespmem:s0+$0x15460] =	vst v0  }
0x26: {  	[spmem:s5] =	stream.linear.scatter [tilespmem:s17], [sflag:$0x5], $0x4000, $0x38;
	[tilespmem:$0x1D400] =	vst v63  }
0x27: {  	_ =	swait.ge [sflag:s18], $0x4000  }
0x28: {  	[sflag:s18] =	ssyncset.done $0x0  }
0x29: {  	s20 =	rddreg [dreg:$0x3];
	[sflag:s18] =	ssyncadd.s32 $0xFFFFC000  }
0x2a: {  	[spmem:s20] =	stream.linear.scatter [tilespmem:s17], [sflag:$0x5], $0x4000, $0x38;
	[tilespmem:$0x1D400] =	vst v63  }
0x2b: {  	_ =	swait.ge [sflag:s18], $0x4000  }
0x2c: {  	[sflag:s18] =	ssyncset.done $0x0  }
0x2d: {  	s22 =	rddreg [dreg:$0x4];
	[sflag:s18] =	ssyncadd.s32 $0xFFFFC000  }
0x2e: {  	[spmem:s22] =	stream.linear.scatter [tilespmem:s17], [sflag:$0x5], $0x4000, $0x38;
	[tilespmem:$0x1D400] =	vst v63  }
0x2f: {  	_ =	swait.ge [sflag:s18], $0x4000  }
0x30: {  	[sflag:s18] =	ssyncset.done $0x0  }
0x31: {  	s24 =	rddreg [dreg:$0x5];
	[sflag:s18] =	ssyncadd.s32 $0xFFFFC000  }
0x32: {  	[spmem:s24] =	stream.linear.scatter [tilespmem:s17], [sflag:$0x5], $0x4000, $0x38;
	[tilespmem:$0x1D400] =	vst v63  }
0x33: {  	_ =	swait.ge [sflag:s18], $0x4000  }
0x34: {  	[sflag:s18] =	ssyncset.done $0x0  }
0x35: {  	[sflag:s18] =	ssyncadd.s32 $0xFFFFC000  }
0x36: {  	[spmem:s10] =	stream.linear.scatter [tilespmem:s17], [sflag:$0x5], $0x4000, $0x38;
	[tilespmem:$0x1D400] =	vst v63  }
0x37: {  	_ =	swait.ge [sflag:s18], $0x4000  }
0x38: {  	[sflag:s18] =	ssyncset.done $0x0  }
0x39: {  	[sflag:s18] =	ssyncadd.s32 $0xFFFFC000  }
0x3a: {  	[tilespmem:s19], [sflag:$0x5] =	stream.linear.gather [hbm4b:s9+s3], $0x1400, $0x38;
	[tilespmem:$0x1D400] =	vst v63  }
0x3b: {  	_ =	swait.ge [sflag:s18], $0x1400  }
0x3c: {  	[sflag:s18] =	ssyncset.done $0x0  }
0x3d: {  	[sflag:s18] =	ssyncadd.s32 $0xFFFFEC00  }
0x3e: {  	[bflag:$0x0] =	sbarrier.arrive $0xFFFF  }
0x3f: {  	[tilespmem:s17], [sflag:$0x1] =	stream.linear.gather [hbm4b:s13+s3], $0x4000, $0x38;
	[tilespmem:$0x1D400] =	vst v63  }
0x40: {  	s25 =	simm.s32 $0x19400  }
0x41: {  	[tilespmem:s25], [sflag:$0x2] =	stream.linear.gather [hbm4b:s14+s3], $0x4000, $0x38;
	[tilespmem:$0x1D400] =	vst v63  }
0x42: {  	_ =	swait.ge [sflag:s21], $0x4000  }
0x43: {  	p1 =	slt.u32 s4, $0x2;
	[sflag:s21] =	ssyncset.done $0x0  }
0x44: {  	s26 =	simm.s32 $0x80;
	s0 =	simm.s32 @!p1 $0x3;
	[sflag:s21] =	ssyncadd.s32 $0xFFFFC000  }
0x45: {  	[spmem:s2] =	stream.indirect.scatter.add.f32 [tilespmem:s17], [sflag:$0x3], $0x80, s19, s26, $0xb8;
	[tilespmem:$0x1D400] =	vst v63  }
0x46: {  	_ =	swait.ge @!p1 [sflag:s0], $0x4000  }
0x47: {  	p0 =	sle.u32 s4, $0x2;
	s1 =	simm.s32 @!p1 $0x2;
	[sflag:s0] =	ssyncset.done @!p1 $0x0  }
0x48: {  	s28 =	simm.s32 @!p0 $0x15400;
	s20 =	simm.s32 @!p0 $0x0;
	[sflag:s0] =	ssyncadd.s32 @!p1 $0xFFFFC000  }
0x49: {  	[tilespmem:s28], [sflag:$0x1] =	stream.linear.gather @!p0 [hbm4b:s15+s20], $0x4000, $0x38;
	[tilespmem:$0x1D400] =	vst v63  }
0x4a: {  	s29 =	simm.s32 $0x14100;
	s31 =	simm.s32 $0x7;
	_ =	swait.ge @!p1 [sflag:s1], $0x4000  }
0x4b: {  	s25 =	simm.s32 @!p1 $0x14080;
	s26 =	simm.s32 @!p1 $0x80;
	[sflag:s1] =	ssyncset.done @!p1 $0x0  }
0x4c: {  	s0 =	simm.s32 @!p1 $0x19400;
	s20 =	simm.s32 @!p1 $0x4;
	[sflag:s1] =	ssyncadd.s32 @!p1 $0xFFFFC000  }
0x4d: {  	[spmem:s2] =	stream.indirect.scatter.add.f32 @!p1 [tilespmem:s0], [sflag:$0x4], $0x80, s25, s26, $0xb8;
	[tilespmem:$0x1D400] =	vst v63  }
0x4e: {  	p2 =	sle.u32 s4, $0x3;
	s30 =	sadd.s32 $0x1000, s15;
	_ =	swait.ge @!p1 [sflag:s20], $0x4000  }
0x4f: {  	s24 =	simm.s32 $0x5;
	s1 =	simm.s32 @!p2 $0x19400;
	[sflag:s20] =	ssyncset.done @!p1 $0x0  }
0x50: {  	s26 =	sadd.s32 $0x1000, s16;
	s0 =	simm.s32 @!p2 $0x0;
	[sflag:s20] =	ssyncadd.s32 @!p1 $0xFFFFC000  }
0x51: {  	[tilespmem:s1], [sflag:$0x2] =	stream.linear.gather @!p2 [hbm4b:s16+s0], $0x4000, $0x38;
	[tilespmem:$0x1D400] =	vst v63  }
0x52: {  	s25 =	simm.s32 $0x14200;
	p1 =	slt.u32 s4, $0x4;
	s1 =	simm.s32 @!p0 $0x1  }
0x53: {  	s20 =	simm.s32 @!p0 $0x80;
	s0 =	simm.s32 $0x4;
	_ =	swait.ge @!p0 [sflag:s1], $0x4000  }
.LBB2_4:
0x54: {  	s22 =	simm.s32 @!p1 $0x3;
	[sflag:s1] =	ssyncset.done @!p0 $0x0;
	s6 =	smov.u32 s24  }
0x55: {  	s24 =	smov.u32 s31;
	s31 =	sadd.s32 $0x2, s31;
	s7 =	smov.u32 s26  }
0x56: {  	p2 =	sne.s32 s31, $0x2B;
	[sflag:s1] =	ssyncadd.s32 @!p0 $0xFFFFC000  }
0x57: {  	[spmem:s2] =	stream.indirect.scatter.add.f32 @!p0 [tilespmem:s28], [sflag:$0x3], $0x80, s29, s20, $0xb8;
	[tilespmem:$0x1D400] =	vst v63  }
0x58: {  	p0 =	sge.u32 s0, s4;
	s0 =	simm.s32 @!p1 $0x2;
	_ =	swait.ge @!p1 [sflag:s22], $0x4000  }
0x59: {  	s1 =	simm.s32 @!p0 $0x0;
	s28 =	simm.s32 @!p0 $0x15400;
	[sflag:s22] =	ssyncset.done @!p1 $0x0  }
0x5a: {  	s26 =	sadd.s32 $0x1000, s26;
	s29 =	smov.u32 s25;
	[sflag:s22] =	ssyncadd.s32 @!p1 $0xFFFFC000  }
0x5b: {  	[tilespmem:s28], [sflag:$0x1] =	stream.linear.gather @!p0 [hbm4b:s30+s1], $0x4000, $0x38;
	[tilespmem:$0x1D400] =	vst v63  }
0x5c: {  	s20 =	simm.s32 @!p1 $0x4;
	s1 =	simm.s32 @!p1 $0x19400;
	_ =	swait.ge @!p1 [sflag:s0], $0x4000  }
0x5d: {  	s8 =	simm.s32 @!p1 $0x80;
	s22 =	sadd.s32 @!p1 $0xFFFFFF80, s25;
	[sflag:s0] =	ssyncset.done @!p1 $0x0  }
0x5e: {  	s25 =	sadd.s32 $0x100, s25;
	s30 =	sadd.s32 $0x1000, s30;
	[sflag:s0] =	ssyncadd.s32 @!p1 $0xFFFFC000  }
0x5f: {  	[spmem:s2] =	stream.indirect.scatter.add.f32 @!p1 [tilespmem:s1], [sflag:$0x4], $0x80, s22, s8, $0xb8;
	[tilespmem:$0x1D400] =	vst v63  }
.Ltmp1:
0x60: {  	p3 =	sge.u32 s6, s4;
	_ =	swait.ge @!p1 [sflag:s20], $0x4000;
	(pc) =	sbr.rel @p2 .LBB2_4-.Ltmp1, $4  }
0x61: {  	s6 =	simm.s32 @!p3 $0x0;
	s1 =	simm.s32 @!p0 $0x1;
	[sflag:s20] =	ssyncset.done @!p1 $0x0  }
0x62: {  	s0 =	sadd.s32 $0xFFFFFFFF, s24;
	s8 =	simm.s32 @!p3 $0x19400;
	[sflag:s20] =	ssyncadd.s32 @!p1 $0xFFFFC000  }
0x63: {  	[tilespmem:s8], [sflag:$0x2] =	stream.linear.gather @!p3 [hbm4b:s7+s6], $0x4000, $0x38;
	[tilespmem:$0x1D400] =	vst v63  }
0x64: {  	p1 =	sgt.u32 s0, s4;
	s20 =	simm.s32 @!p0 $0x80;
	_ =	swait.ge @!p0 [sflag:s1], $0x4000  }
0x65: {  	[sflag:s1] =	ssyncset.done @!p0 $0x0  }
0x66: {  	s6 =	simm.s32 @!p1 $0x3;
	[sflag:s1] =	ssyncadd.s32 @!p0 $0xFFFFC000  }
0x67: {  	[spmem:s2] =	stream.indirect.scatter.add.f32 @!p0 [tilespmem:s28], [sflag:$0x3], $0x80, s29, s20, $0xb8;
	[tilespmem:$0x1D400] =	vst v63  }
0x68: {  	_ =	swait.ge @!p1 [sflag:s6], $0x4000  }
0x69: {  	p0 =	sge.u32 s0, s4;
	s0 =	simm.s32 @!p1 $0x2;
	[sflag:s6] =	ssyncset.done @!p1 $0x0  }
0x6a: {  	s1 =	simm.s32 @!p0 $0x0;
	s7 =	simm.s32 @!p0 $0x15400;
	[sflag:s6] =	ssyncadd.s32 @!p1 $0xFFFFC000  }
0x6b: {  	[tilespmem:s7], [sflag:$0x1] =	stream.linear.gather @!p0 [hbm4b:s30+s1], $0x4000, $0x38;
	[tilespmem:$0x1D400] =	vst v63  }
0x6c: {  	_ =	swait.ge @!p1 [sflag:s0], $0x4000  }
0x6d: {  	s8 =	sadd.s32 @!p1 $0xFFFFFF80, s25;
	s20 =	simm.s32 @!p1 $0x80;
	[sflag:s0] =	ssyncset.done @!p1 $0x0  }
0x6e: {  	s6 =	simm.s32 @!p1 $0x4;
	s1 =	simm.s32 @!p1 $0x19400;
	[sflag:s0] =	ssyncadd.s32 @!p1 $0xFFFFC000  }
0x6f: {  	[spmem:s2] =	stream.indirect.scatter.add.f32 @!p1 [tilespmem:s1], [sflag:$0x4], $0x80, s8, s20, $0xb8;
	[tilespmem:$0x1D400] =	vst v63  }
0x70: {  	p2 =	sge.u32 s24, s4;
	_ =	swait.ge @!p1 [sflag:s6], $0x4000  }
0x71: {  	s0 =	simm.s32 @!p2 $0x0;
	[sflag:s6] =	ssyncset.done @!p1 $0x0  }
0x72: {  	s1 =	simm.s32 @!p0 $0x1;
	[sflag:s6] =	ssyncadd.s32 @!p1 $0xFFFFC000;
	s6 =	simm.s32 @!p2 $0x19400  }
0x73: {  	[tilespmem:s6], [sflag:$0x2] =	stream.linear.gather @!p2 [hbm4b:s26+s0], $0x4000, $0x38;
	[tilespmem:$0x1D400] =	vst v63  }
0x74: {  	_ =	swait.ge @!p0 [sflag:s1], $0x4000  }
0x75: {  	s23 =	sadd.s32 $0x1, s23;
	[sflag:s1] =	ssyncset.done @!p0 $0x0  }
0x76: {  	s30 =	stileid.u32;
	s0 =	simm.s32 @!p0 $0x80;
	[sflag:s1] =	ssyncadd.s32 @!p0 $0xFFFFC000  }
0x77: {  	[spmem:s2] =	stream.indirect.scatter.add.f32 @!p0 [tilespmem:s7], [sflag:$0x3], $0x80, s25, s0, $0xb8;
	[tilespmem:$0x1D400] =	vst v63  }
0x78: {  	s31 =	sshrl.u32 s5, $0x3;
	s0 =	sshll.u32 s30, $0x6;
	p0 =	sne.s32 s23, s12  }
.Ltmp2:
0x79: {  	[bflag:$0x0] =	sbarrier.arrive $0xFFFF;
	s0 =	sor.u32 $0x1C05, s0;
	(pc) =	sbr.rel @p0 .LBB2_1-.Ltmp2, $4  }
0x7a: {  	[hbm:s11], [sflag:s0] =	dma.local [spmem:s31], $0x2800  }
0x7b: {  	_ =	swait.ge [sflag:s18], $0x2800  }
0x7c: {  	[sflag:s18] =	ssyncset.done $0x0  }
0x7d: {  	[sflag:s18] =	ssyncadd.s32 $0xFFFFD800  }
0x7e: {  	_ =	sfence.sel $0x180000  }
0x7f: {  	[bflag:$0x0] =	sbarrier.arrive $0xFFFF  }
0x80: {  	_ =	strace $0x90000050  }
0x81: {  	s0 =	stileid.u32;
	[bflag:$0x2] =	sbarrier.arrive $0xFFFF  }
0x82: {  	p0 =	sne.s32 s0, $0x0;
	s0 =	rddreg [dreg:$0x2]  }
0x83: {  	s0 =	sadd.s32 @!p0 $0x100000, s0  }
0x84: {  	[sflag:s0] =	ssyncadd.tile.s32 @!p0 $0x1;
	_ =	shalt  }
.Lfunc_end2:
_tile_overlayer_lowered:
.L_overlay_start_2:
0x85: {  	(tag) =	ssettag $0x2  }
0x86: {  	s0 =	rddreg [dreg:$0x0];
	s2 =	stileid.u32  }
0x87: {  	s1 =	rddreg [dreg:$0x1];
	p0 =	sne.s32 s2, $0x0  }
0x88: {  	s3 =	rddreg [dreg:$0x2];
	[bflag:$0x3] =	sbarrier.arrive $0xFFFF;
	s2 =	simm.s32 @!p0 $0x1C05  }
0x89: {  	[timem:s3], [sflag:s2] =	dma.local @!p0 [hbm:s0], s1  }
0x8a: {  	s0 =	simm.s32 @!p0 $0x5  }
0x8b: {  	_ =	swait.ge @!p0 [sflag:s0], s1  }
0x8c: {  	s1 =	ssub.s32 @!p0 $0x0, s1;
	[sflag:s0] =	ssyncset.done @!p0 $0x0  }
0x8d: {  	[sflag:s0] =	ssyncadd.s32 @!p0 s1  }
0x8e: {  	[bflag:$0x3] =	sbarrier.arrive $0xFFFF  }
0x8f: {  	_ =	shalt  }

</sc_bundles>
